<compile_context>
chip_gen: v7x
topology: tpu7x:2x2x1
jax: 0.10.2.dev20260603
libtpu: 0.0.44.dev20260713+nightly
codegen_flags: <defaults>
</compile_context>

<pallas_src>
import jax
import jax.numpy as jnp
from jax import lax
from jax.experimental import pallas as pl
from jax.experimental.pallas import tpu as pltpu
from jax.experimental.pallas import tpu_sc as plsc

_B = 16384
_NS = 26
_ND = 13
_NF = _NS + _ND
_V = 100000
_L = 16
_NC = 2
_NSUB = 16
_NW = _NC * _NSUB
_RPT = _B // _NW
_NG = _RPT // _L
_SPLIT = (15, 11)


def _make_body(f0, fc, first):

    def body(*refs):
        xt_hbm = refs[0]
        tabs = refs[1:1 + fc]
        aux_hbm = refs[1 + fc]
        out_hbm = refs[2 + fc]
        if first:
            xv, dv, idxv, gv, accv, wv = refs[3 + fc:3 + fc + 6]
            sems = refs[3 + fc + 6:]
        else:
            xv, idxv, gv, accv = refs[3 + fc:3 + fc + 4]
            sems = refs[3 + fc + 4:]

        wid = lax.axis_index("s") * _NC + lax.axis_index("c")
        base = wid * _RPT
        pltpu.sync_copy(xt_hbm.at[pl.ds(f0, fc), pl.ds(base, _RPT)], xv)
        if first:
            pltpu.sync_copy(xt_hbm.at[pl.ds(_NS, _ND), pl.ds(base, _RPT)], dv)
            pltpu.sync_copy(aux_hbm, wv)
        else:
            pltpu.sync_copy(aux_hbm.at[pl.ds(base, _RPT)], accv)

        handles = []
        for f in range(fc):
            def build(i, carry, f=f):
                off = i * _L
                idxv[f, pl.ds(off, _L)] = (
                    xv[f, pl.ds(off, _L)].astype(jnp.int32))
                return carry

            lax.fori_loop(0, _NG, build, 0)
            handles.append(
                pltpu.async_copy(tabs[f].at[idxv.at[f]], gv.at[f], sems[f]))

        if first:
            def dense(i, carry):
                off = i * _L
                acc = jnp.zeros((_L,), jnp.float32)
                for d in range(_ND):
                    acc = acc + dv[d, pl.ds(off, _L)] * wv[d]
                accv[pl.ds(off, _L)] = acc
                return carry

            lax.fori_loop(0, _NG, dense, 0)

        for g0 in range(0, fc, 4):
            gn = min(4, fc - g0)
            for f in range(g0, g0 + gn):
                handles[f].wait()

            def accum(i, carry, g0=g0, gn=gn):
                off = i * _L
                acc = accv[pl.ds(off, _L)]
                for f in range(g0, g0 + gn):
                    acc = acc + gv[f, pl.ds(off, _L)]
                accv[pl.ds(off, _L)] = acc
                return carry

            lax.fori_loop(0, _NG, accum, 0)

        pltpu.sync_copy(accv, out_hbm.at[pl.ds(base, _RPT)])

    return body


def kernel(X, emb_tables, dense_weight):
    xt = X.T
    w16 = jnp.broadcast_to(dense_weight.reshape(_ND, 1), (_ND, _L))
    tabs = tuple(emb_tables[f, :, 0] for f in range(_NS))
    mesh = plsc.VectorSubcoreMesh(core_axis_name="c", subcore_axis_name="s")
    params = pltpu.CompilerParams(
        needs_layout_passes=False, use_tc_tiling_on_sc=False
    )

    part = w16
    f0 = 0
    for ci, fc in enumerate(_SPLIT):
        first = ci == 0
        scratch = [pltpu.VMEM((fc, _RPT), jnp.float32)]
        if first:
            scratch.append(pltpu.VMEM((_ND, _RPT), jnp.float32))
        scratch += [
            pltpu.VMEM((fc, _RPT), jnp.int32),
            pltpu.VMEM((fc, _RPT), jnp.float32),
            pltpu.VMEM((_RPT,), jnp.float32),
        ]
        if first:
            scratch.append(pltpu.VMEM((_ND, _L), jnp.float32))
        scratch.extend([pltpu.SemaphoreType.DMA] * fc)
        part = pl.kernel(
            _make_body(f0, fc, first),
            out_type=jax.ShapeDtypeStruct((_B,), jnp.float32),
            mesh=mesh,
            compiler_params=params,
            scratch_types=scratch,
        )(xt, *tabs[f0:f0 + fc], part)
        f0 += fc
    return part.reshape(_B, 1)

# --- scband reference (transcript-rebuilt; emitter-appended) ---
"""Pipeline reference for scband-linear-48928267436309 (READ-ONLY COPY).

The authoritative reference and input builder live on the scoring server;
editing this copy changes nothing except your own understanding.
"""

import jax, jax.numpy as jnp
import numpy as np

BATCH = 16384
N_SPARSE = 26
N_DENSE = 13
VOCAB = 100000
INIT_STD = 0.0001


def setup_inputs(seed: int = 0) -> dict:
    key = jax.random.key(seed)
    k1, k2, k3 = jax.random.split(key, 3)
    # Single mixed input tensor: first 26 cols are sparse ids (int-valued floats),
    # last 13 cols are dense values. Matches torch harness fill=randint on float32.
    X = jax.random.randint(k1, (BATCH, N_SPARSE + N_DENSE), 0, VOCAB).astype(jnp.float32)
    # 26 linear embedding tables of shape [VOCAB, 1], stacked.
    emb_tables = jax.random.normal(k2, (N_SPARSE, VOCAB, 1), dtype=jnp.float32) * INIT_STD
    # Dense linear weight [13, 1].
    dense_weight = jax.random.normal(k3, (N_DENSE, 1), dtype=jnp.float32) * INIT_STD
    return {"X": X, "emb_tables": emb_tables, "dense_weight": dense_weight}


def reference(X, emb_tables, dense_weight):
    # sparse part: per-field embedding lookup -> [B, 1, 1] each, cat on last dim -> [B, 1, 26]
    idx = X[:, :N_SPARSE].astype(jnp.int32)
    sparse_embs = [emb_tables[f][idx[:, f:f + 1]] for f in range(N_SPARSE)]  # each [B, 1, 1]
    sparse_cat = jnp.concatenate(sparse_embs, axis=-1)  # [B, 1, 26]
    linear_sparse_logit = jnp.sum(sparse_cat, axis=-1)  # [B, 1]
    # dense part: cat dense cols -> [B, 13], matmul weight -> [B, 1]
    dense_vals = X[:, N_SPARSE:]
    linear_dense_logit = dense_vals @ dense_weight  # [B, 1]
    linear_logit = linear_sparse_logit + linear_dense_logit
    return linear_logit

if __name__ == "__main__":
    import jax
    _d = setup_inputs()
    print(jax.jit(kernel)(*tuple(_d.values())))

</pallas_src>

<mosaic_0001>
#map = affine_map<(d0, d1) -> (0, 0)>
#map1 = affine_map<(d0, d1) -> (0)>
module attributes {stable_mosaic.version = 14 : i64} {
  func.func @body(%arg0: i32, %arg1: i32, %arg2: memref<39x16384xf32, #tpu.memory_space<hbm>>, %arg3: memref<100000xf32, #tpu.memory_space<hbm>>, %arg4: memref<100000xf32, #tpu.memory_space<hbm>>, %arg5: memref<100000xf32, #tpu.memory_space<hbm>>, %arg6: memref<100000xf32, #tpu.memory_space<hbm>>, %arg7: memref<100000xf32, #tpu.memory_space<hbm>>, %arg8: memref<100000xf32, #tpu.memory_space<hbm>>, %arg9: memref<100000xf32, #tpu.memory_space<hbm>>, %arg10: memref<100000xf32, #tpu.memory_space<hbm>>, %arg11: memref<100000xf32, #tpu.memory_space<hbm>>, %arg12: memref<100000xf32, #tpu.memory_space<hbm>>, %arg13: memref<100000xf32, #tpu.memory_space<hbm>>, %arg14: memref<100000xf32, #tpu.memory_space<hbm>>, %arg15: memref<100000xf32, #tpu.memory_space<hbm>>, %arg16: memref<100000xf32, #tpu.memory_space<hbm>>, %arg17: memref<100000xf32, #tpu.memory_space<hbm>>, %arg18: memref<13x16xf32, #tpu.memory_space<hbm>>, %arg19: memref<16384xf32, #tpu.memory_space<hbm>>, %arg20: memref<15x512xf32, #tpu.memory_space<vmem>>, %arg21: memref<13x512xf32, #tpu.memory_space<vmem>>, %arg22: memref<15x512xi32, #tpu.memory_space<vmem>>, %arg23: memref<15x512xf32, #tpu.memory_space<vmem>>, %arg24: memref<512xf32, #tpu.memory_space<vmem>>, %arg25: memref<13x16xf32, #tpu.memory_space<vmem>>, %arg26: memref<!tpu.dma_semaphore, #tpu.memory_space<semaphore_mem>>, %arg27: memref<!tpu.dma_semaphore, #tpu.memory_space<semaphore_mem>>, %arg28: memref<!tpu.dma_semaphore, #tpu.memory_space<semaphore_mem>>, %arg29: memref<!tpu.dma_semaphore, #tpu.memory_space<semaphore_mem>>, %arg30: memref<!tpu.dma_semaphore, #tpu.memory_space<semaphore_mem>>, %arg31: memref<!tpu.dma_semaphore, #tpu.memory_space<semaphore_mem>>, %arg32: memref<!tpu.dma_semaphore, #tpu.memory_space<semaphore_mem>>, %arg33: memref<!tpu.dma_semaphore, #tpu.memory_space<semaphore_mem>>, %arg34: memref<!tpu.dma_semaphore, #tpu.memory_space<semaphore_mem>>, %arg35: memref<!tpu.dma_semaphore, #tpu.memory_space<semaphore_mem>>, %arg36: memref<!tpu.dma_semaphore, #tpu.memory_space<semaphore_mem>>, %arg37: memref<!tpu.dma_semaphore, #tpu.memory_space<semaphore_mem>>, %arg38: memref<!tpu.dma_semaphore, #tpu.memory_space<semaphore_mem>>, %arg39: memref<!tpu.dma_semaphore, #tpu.memory_space<semaphore_mem>>, %arg40: memref<!tpu.dma_semaphore, #tpu.memory_space<semaphore_mem>>) attributes {dimension_semantics = [#tpu.dimension_semantics<core_parallel>, #tpu.dimension_semantics<subcore_parallel>], iteration_bounds = array<i64: 2, 16>, scalar_prefetch = 0 : i64, scratch_operands = 21 : i64, tpu.core_type = #tpu.core_type<sc_vector_subcore>, window_params = [{transform_indices = #map}, {transform_indices = #map1}, {transform_indices = #map1}, {transform_indices = #map1}, {transform_indices = #map1}, {transform_indices = #map1}, {transform_indices = #map1}, {transform_indices = #map1}, {transform_indices = #map1}, {transform_indices = #map1}, {transform_indices = #map1}, {transform_indices = #map1}, {transform_indices = #map1}, {transform_indices = #map1}, {transform_indices = #map1}, {transform_indices = #map1}, {transform_indices = #map}, {transform_indices = #map1}]} {
    %mul3A = arith.constant 2 : i32
    %mul3A_0 = arith.muli %arg1, %mul3A : i32
    %add3A = arith.addi %mul3A_0, %arg0 : i32
    %mul3A_1 = arith.constant 512 : i32
    %mul3A_2 = arith.muli %add3A, %mul3A_1 : i32
    "tpu.region"() ({
      %run_scoped3A = tpu.sem_alloc : memref<!tpu.dma_semaphore, #tpu.memory_space<semaphore_mem>>
      %dma_start3A_420 = arith.constant 0 : i32
      %dma_start3A_421 = tpu.memref_slice %arg2[%dma_start3A_420, %mul3A_2] : memref<39x16384xf32, #tpu.memory_space<hbm>> -> memref<15x512xf32, #tpu.memory_space<hbm>>
      %dma_start3A_422 = arith.constant 0 : i32
      %dma_start3A_423 = tpu.memref_slice %arg2[%dma_start3A_422, %mul3A_2] : memref<39x16384xf32, #tpu.memory_space<hbm>> -> memref<15x512xf32, #tpu.memory_space<hbm>>
      tpu.enqueue_dma source(%dma_start3A_423 : memref<15x512xf32, #tpu.memory_space<hbm>>) target(%arg20 : memref<15x512xf32, #tpu.memory_space<vmem>>) target_semaphore(%run_scoped3A : memref<!tpu.dma_semaphore, #tpu.memory_space<semaphore_mem>>)
      %dma_wait3A_424 = arith.constant 0 : i32
      %dma_wait3A_425 = tpu.memref_slice %arg2[%dma_wait3A_424, %mul3A_2] : memref<39x16384xf32, #tpu.memory_space<hbm>> -> memref<15x512xf32, #tpu.memory_space<hbm>>
      %dma_wait3A_426 = arith.constant 0 : i32
      %dma_wait3A_427 = tpu.memref_slice %arg2[%dma_wait3A_426, %mul3A_2] : memref<39x16384xf32, #tpu.memory_space<hbm>> -> memref<15x512xf32, #tpu.memory_space<hbm>>
      tpu.wait_dma2 semaphore(%run_scoped3A : memref<!tpu.dma_semaphore, #tpu.memory_space<semaphore_mem>>) src(%dma_wait3A_427 : memref<15x512xf32, #tpu.memory_space<hbm>>) dst(%arg20 : memref<15x512xf32, #tpu.memory_space<vmem>>)
      tpu.yield
    }) : () -> ()
    "tpu.region"() ({
      %run_scoped3A = tpu.sem_alloc : memref<!tpu.dma_semaphore, #tpu.memory_space<semaphore_mem>>
      %dma_start3A_420 = arith.constant 26 : i32
      %dma_start3A_421 = tpu.memref_slice %arg2[%dma_start3A_420, %mul3A_2] : memref<39x16384xf32, #tpu.memory_space<hbm>> -> memref<13x512xf32, #tpu.memory_space<hbm>>
      %dma_start3A_422 = arith.constant 26 : i32
      %dma_start3A_423 = tpu.memref_slice %arg2[%dma_start3A_422, %mul3A_2] : memref<39x16384xf32, #tpu.memory_space<hbm>> -> memref<13x512xf32, #tpu.memory_space<hbm>>
      tpu.enqueue_dma source(%dma_start3A_423 : memref<13x512xf32, #tpu.memory_space<hbm>>) target(%arg21 : memref<13x512xf32, #tpu.memory_space<vmem>>) target_semaphore(%run_scoped3A : memref<!tpu.dma_semaphore, #tpu.memory_space<semaphore_mem>>)
      %dma_wait3A_424 = arith.constant 26 : i32
      %dma_wait3A_425 = tpu.memref_slice %arg2[%dma_wait3A_424, %mul3A_2] : memref<39x16384xf32, #tpu.memory_space<hbm>> -> memref<13x512xf32, #tpu.memory_space<hbm>>
      %dma_wait3A_426 = arith.constant 26 : i32
      %dma_wait3A_427 = tpu.memref_slice %arg2[%dma_wait3A_426, %mul3A_2] : memref<39x16384xf32, #tpu.memory_space<hbm>> -> memref<13x512xf32, #tpu.memory_space<hbm>>
      tpu.wait_dma2 semaphore(%run_scoped3A : memref<!tpu.dma_semaphore, #tpu.memory_space<semaphore_mem>>) src(%dma_wait3A_427 : memref<13x512xf32, #tpu.memory_space<hbm>>) dst(%arg21 : memref<13x512xf32, #tpu.memory_space<vmem>>)
      tpu.yield
    }) : () -> ()
    "tpu.region"() ({
      %run_scoped3A = tpu.sem_alloc : memref<!tpu.dma_semaphore, #tpu.memory_space<semaphore_mem>>
      tpu.enqueue_dma source(%arg18 : memref<13x16xf32, #tpu.memory_space<hbm>>) target(%arg25 : memref<13x16xf32, #tpu.memory_space<vmem>>) target_semaphore(%run_scoped3A : memref<!tpu.dma_semaphore, #tpu.memory_space<semaphore_mem>>)
      tpu.wait_dma2 semaphore(%run_scoped3A : memref<!tpu.dma_semaphore, #tpu.memory_space<semaphore_mem>>) src(%arg18 : memref<13x16xf32, #tpu.memory_space<hbm>>) dst(%arg25 : memref<13x16xf32, #tpu.memory_space<vmem>>)
      tpu.yield
    }) : () -> ()
    %scan3A = arith.constant 0 : i32
    %scan3A_3 = arith.constant 0 : i32
    %scan3A_4 = arith.constant 32 : i32
    %scan3A_5 = arith.addi %scan3A_3, %scan3A_4 : i32
    %scan3A_6 = arith.constant 1 : i32
    scf.for %scan3A_420 = %scan3A_3 to %scan3A_5 step %scan3A_6  : i32 {
      %mul3A_421 = arith.constant 16 : i32
      %mul3A_422 = arith.muli %scan3A_420, %mul3A_421 : i32
      %get3A = arith.constant 0 : i32
      %get3A_423 = arith.index_cast %get3A : i32 to index
      %get3A_424 = arith.index_cast %mul3A_422 : i32 to index
      %get3A_425 = tpu.vector_load %arg20[%get3A_423, %get3A_424] {strides = array<i32>} : memref<15x512xf32, #tpu.memory_space<vmem>>, vector<16xf32>,
      %convert_element_type3A = arith.fptosi %get3A_425 : vector<16xf32> to vector<16xi32>
      %swap3A = arith.constant 0 : i32
      %swap3A_426 = arith.index_cast %swap3A : i32 to index
      %swap3A_427 = arith.index_cast %mul3A_422 : i32 to index
      %swap3A_428 = tpu.vector_load %arg22[%swap3A_426, %swap3A_427] {strides = array<i32>} : memref<15x512xi32, #tpu.memory_space<vmem>>, vector<16xi32>,
      tpu.vector_store %arg22[%swap3A_426, %swap3A_427], %convert_element_type3A {strides = array<i32>} : memref<15x512xi32, #tpu.memory_space<vmem>>, vector<16xi32>,
    }
    %scan3A_7 = arith.constant 32 : i32
    %dma_start3A = arith.constant 0 : i32
    %dma_start3A_8 = arith.constant 0 : i32
    %dma_start3A_9 = arith.constant 0 : i32
    %dma_start3A_10 = tpu.memref_slice %arg23[%dma_start3A_8, %dma_start3A_9] : memref<15x512xf32, #tpu.memory_space<vmem>> -> memref<1x512xf32, #tpu.memory_space<vmem>>
    %dma_start3A_11 = tpu.memref_squeeze %dma_start3A_10 : memref<1x512xf32, #tpu.memory_space<vmem>> -> memref<512xf32, #tpu.memory_space<vmem>>
    %dma_start3A_12 = arith.constant 0 : i32
    %dma_start3A_13 = tpu.memref_slice %arg22[%dma_start3A, %dma_start3A_12] : memref<15x512xi32, #tpu.memory_space<vmem>> -> memref<1x512xi32, #tpu.memory_space<vmem>>
    %dma_start3A_14 = tpu.memref_squeeze %dma_start3A_13 : memref<1x512xi32, #tpu.memory_space<vmem>> -> memref<512xi32, #tpu.memory_space<vmem>>
    %dma_start3A_15 = arith.constant 0 : i32
    %dma_start3A_16 = tpu.memref_slice %arg3[%dma_start3A_15] : memref<100000xf32, #tpu.memory_space<hbm>> -> memref<100000xf32, #tpu.memory_space<hbm>>
    tpu.enqueue_indirect_dma source(%dma_start3A_16 : memref<100000xf32, #tpu.memory_space<hbm>>) target(%dma_start3A_11 : memref<512xf32, #tpu.memory_space<vmem>>) offsets(%dma_start3A_14 : memref<512xi32, #tpu.memory_space<vmem>>) semaphore(%arg26 : memref<!tpu.dma_semaphore, #tpu.memory_space<semaphore_mem>>)
    %scan3A_17 = arith.constant 0 : i32
    %scan3A_18 = arith.constant 0 : i32
    %scan3A_19 = arith.constant 32 : i32
    %scan3A_20 = arith.addi %scan3A_18, %scan3A_19 : i32
    %scan3A_21 = arith.constant 1 : i32
    scf.for %scan3A_420 = %scan3A_18 to %scan3A_20 step %scan3A_21  : i32 {
      %mul3A_421 = arith.constant 16 : i32
      %mul3A_422 = arith.muli %scan3A_420, %mul3A_421 : i32
      %get3A = arith.constant 1 : i32
      %get3A_423 = arith.index_cast %get3A : i32 to index
      %get3A_424 = arith.index_cast %mul3A_422 : i32 to index
      %get3A_425 = tpu.vector_load %arg20[%get3A_423, %get3A_424] {strides = array<i32>} : memref<15x512xf32, #tpu.memory_space<vmem>>, vector<16xf32>,
      %convert_element_type3A = arith.fptosi %get3A_425 : vector<16xf32> to vector<16xi32>
      %swap3A = arith.constant 1 : i32
      %swap3A_426 = arith.index_cast %swap3A : i32 to index
      %swap3A_427 = arith.index_cast %mul3A_422 : i32 to index
      %swap3A_428 = tpu.vector_load %arg22[%swap3A_426, %swap3A_427] {strides = array<i32>} : memref<15x512xi32, #tpu.memory_space<vmem>>, vector<16xi32>,
      tpu.vector_store %arg22[%swap3A_426, %swap3A_427], %convert_element_type3A {strides = array<i32>} : memref<15x512xi32, #tpu.memory_space<vmem>>, vector<16xi32>,
    }
    %scan3A_22 = arith.constant 32 : i32
    %dma_start3A_23 = arith.constant 1 : i32
    %dma_start3A_24 = arith.constant 1 : i32
    %dma_start3A_25 = arith.constant 0 : i32
    %dma_start3A_26 = tpu.memref_slice %arg23[%dma_start3A_24, %dma_start3A_25] : memref<15x512xf32, #tpu.memory_space<vmem>> -> memref<1x512xf32, #tpu.memory_space<vmem>>
    %dma_start3A_27 = tpu.memref_squeeze %dma_start3A_26 : memref<1x512xf32, #tpu.memory_space<vmem>> -> memref<512xf32, #tpu.memory_space<vmem>>
    %dma_start3A_28 = arith.constant 0 : i32
    %dma_start3A_29 = tpu.memref_slice %arg22[%dma_start3A_23, %dma_start3A_28] : memref<15x512xi32, #tpu.memory_space<vmem>> -> memref<1x512xi32, #tpu.memory_space<vmem>>
    %dma_start3A_30 = tpu.memref_squeeze %dma_start3A_29 : memref<1x512xi32, #tpu.memory_space<vmem>> -> memref<512xi32, #tpu.memory_space<vmem>>
    %dma_start3A_31 = arith.constant 0 : i32
    %dma_start3A_32 = tpu.memref_slice %arg4[%dma_start3A_31] : memref<100000xf32, #tpu.memory_space<hbm>> -> memref<100000xf32, #tpu.memory_space<hbm>>
    tpu.enqueue_indirect_dma source(%dma_start3A_32 : memref<100000xf32, #tpu.memory_space<hbm>>) target(%dma_start3A_27 : memref<512xf32, #tpu.memory_space<vmem>>) offsets(%dma_start3A_30 : memref<512xi32, #tpu.memory_space<vmem>>) semaphore(%arg27 : memref<!tpu.dma_semaphore, #tpu.memory_space<semaphore_mem>>)
    %scan3A_33 = arith.constant 0 : i32
    %scan3A_34 = arith.constant 0 : i32
    %scan3A_35 = arith.constant 32 : i32
    %scan3A_36 = arith.addi %scan3A_34, %scan3A_35 : i32
    %scan3A_37 = arith.constant 1 : i32
    scf.for %scan3A_420 = %scan3A_34 to %scan3A_36 step %scan3A_37  : i32 {
      %mul3A_421 = arith.constant 16 : i32
      %mul3A_422 = arith.muli %scan3A_420, %mul3A_421 : i32
      %get3A = arith.constant 2 : i32
      %get3A_423 = arith.index_cast %get3A : i32 to index
      %get3A_424 = arith.index_cast %mul3A_422 : i32 to index
      %get3A_425 = tpu.vector_load %arg20[%get3A_423, %get3A_424] {strides = array<i32>} : memref<15x512xf32, #tpu.memory_space<vmem>>, vector<16xf32>,
      %convert_element_type3A = arith.fptosi %get3A_425 : vector<16xf32> to vector<16xi32>
      %swap3A = arith.constant 2 : i32
      %swap3A_426 = arith.index_cast %swap3A : i32 to index
      %swap3A_427 = arith.index_cast %mul3A_422 : i32 to index
      %swap3A_428 = tpu.vector_load %arg22[%swap3A_426, %swap3A_427] {strides = array<i32>} : memref<15x512xi32, #tpu.memory_space<vmem>>, vector<16xi32>,
      tpu.vector_store %arg22[%swap3A_426, %swap3A_427], %convert_element_type3A {strides = array<i32>} : memref<15x512xi32, #tpu.memory_space<vmem>>, vector<16xi32>,
    }
    %scan3A_38 = arith.constant 32 : i32
    %dma_start3A_39 = arith.constant 2 : i32
    %dma_start3A_40 = arith.constant 2 : i32
    %dma_start3A_41 = arith.constant 0 : i32
    %dma_start3A_42 = tpu.memref_slice %arg23[%dma_start3A_40, %dma_start3A_41] : memref<15x512xf32, #tpu.memory_space<vmem>> -> memref<1x512xf32, #tpu.memory_space<vmem>>
    %dma_start3A_43 = tpu.memref_squeeze %dma_start3A_42 : memref<1x512xf32, #tpu.memory_space<vmem>> -> memref<512xf32, #tpu.memory_space<vmem>>
    %dma_start3A_44 = arith.constant 0 : i32
    %dma_start3A_45 = tpu.memref_slice %arg22[%dma_start3A_39, %dma_start3A_44] : memref<15x512xi32, #tpu.memory_space<vmem>> -> memref<1x512xi32, #tpu.memory_space<vmem>>
    %dma_start3A_46 = tpu.memref_squeeze %dma_start3A_45 : memref<1x512xi32, #tpu.memory_space<vmem>> -> memref<512xi32, #tpu.memory_space<vmem>>
    %dma_start3A_47 = arith.constant 0 : i32
    %dma_start3A_48 = tpu.memref_slice %arg5[%dma_start3A_47] : memref<100000xf32, #tpu.memory_space<hbm>> -> memref<100000xf32, #tpu.memory_space<hbm>>
    tpu.enqueue_indirect_dma source(%dma_start3A_48 : memref<100000xf32, #tpu.memory_space<hbm>>) target(%dma_start3A_43 : memref<512xf32, #tpu.memory_space<vmem>>) offsets(%dma_start3A_46 : memref<512xi32, #tpu.memory_space<vmem>>) semaphore(%arg28 : memref<!tpu.dma_semaphore, #tpu.memory_space<semaphore_mem>>)
    %scan3A_49 = arith.constant 0 : i32
    %scan3A_50 = arith.constant 0 : i32
    %scan3A_51 = arith.constant 32 : i32
    %scan3A_52 = arith.addi %scan3A_50, %scan3A_51 : i32
    %scan3A_53 = arith.constant 1 : i32
    scf.for %scan3A_420 = %scan3A_50 to %scan3A_52 step %scan3A_53  : i32 {
      %mul3A_421 = arith.constant 16 : i32
      %mul3A_422 = arith.muli %scan3A_420, %mul3A_421 : i32
      %get3A = arith.constant 3 : i32
      %get3A_423 = arith.index_cast %get3A : i32 to index
      %get3A_424 = arith.index_cast %mul3A_422 : i32 to index
      %get3A_425 = tpu.vector_load %arg20[%get3A_423, %get3A_424] {strides = array<i32>} : memref<15x512xf32, #tpu.memory_space<vmem>>, vector<16xf32>,
      %convert_element_type3A = arith.fptosi %get3A_425 : vector<16xf32> to vector<16xi32>
      %swap3A = arith.constant 3 : i32
      %swap3A_426 = arith.index_cast %swap3A : i32 to index
      %swap3A_427 = arith.index_cast %mul3A_422 : i32 to index
      %swap3A_428 = tpu.vector_load %arg22[%swap3A_426, %swap3A_427] {strides = array<i32>} : memref<15x512xi32, #tpu.memory_space<vmem>>, vector<16xi32>,
      tpu.vector_store %arg22[%swap3A_426, %swap3A_427], %convert_element_type3A {strides = array<i32>} : memref<15x512xi32, #tpu.memory_space<vmem>>, vector<16xi32>,
    }
    %scan3A_54 = arith.constant 32 : i32
    %dma_start3A_55 = arith.constant 3 : i32
    %dma_start3A_56 = arith.constant 3 : i32
    %dma_start3A_57 = arith.constant 0 : i32
    %dma_start3A_58 = tpu.memref_slice %arg23[%dma_start3A_56, %dma_start3A_57] : memref<15x512xf32, #tpu.memory_space<vmem>> -> memref<1x512xf32, #tpu.memory_space<vmem>>
    %dma_start3A_59 = tpu.memref_squeeze %dma_start3A_58 : memref<1x512xf32, #tpu.memory_space<vmem>> -> memref<512xf32, #tpu.memory_space<vmem>>
    %dma_start3A_60 = arith.constant 0 : i32
    %dma_start3A_61 = tpu.memref_slice %arg22[%dma_start3A_55, %dma_start3A_60] : memref<15x512xi32, #tpu.memory_space<vmem>> -> memref<1x512xi32, #tpu.memory_space<vmem>>
    %dma_start3A_62 = tpu.memref_squeeze %dma_start3A_61 : memref<1x512xi32, #tpu.memory_space<vmem>> -> memref<512xi32, #tpu.memory_space<vmem>>
    %dma_start3A_63 = arith.constant 0 : i32
    %dma_start3A_64 = tpu.memref_slice %arg6[%dma_start3A_63] : memref<100000xf32, #tpu.memory_space<hbm>> -> memref<100000xf32, #tpu.memory_space<hbm>>
    tpu.enqueue_indirect_dma source(%dma_start3A_64 : memref<100000xf32, #tpu.memory_space<hbm>>) target(%dma_start3A_59 : memref<512xf32, #tpu.memory_space<vmem>>) offsets(%dma_start3A_62 : memref<512xi32, #tpu.memory_space<vmem>>) semaphore(%arg29 : memref<!tpu.dma_semaphore, #tpu.memory_space<semaphore_mem>>)
    %scan3A_65 = arith.constant 0 : i32
    %scan3A_66 = arith.constant 0 : i32
    %scan3A_67 = arith.constant 32 : i32
    %scan3A_68 = arith.addi %scan3A_66, %scan3A_67 : i32
    %scan3A_69 = arith.constant 1 : i32
    scf.for %scan3A_420 = %scan3A_66 to %scan3A_68 step %scan3A_69  : i32 {
      %mul3A_421 = arith.constant 16 : i32
      %mul3A_422 = arith.muli %scan3A_420, %mul3A_421 : i32
      %get3A = arith.constant 4 : i32
      %get3A_423 = arith.index_cast %get3A : i32 to index
      %get3A_424 = arith.index_cast %mul3A_422 : i32 to index
      %get3A_425 = tpu.vector_load %arg20[%get3A_423, %get3A_424] {strides = array<i32>} : memref<15x512xf32, #tpu.memory_space<vmem>>, vector<16xf32>,
      %convert_element_type3A = arith.fptosi %get3A_425 : vector<16xf32> to vector<16xi32>
      %swap3A = arith.constant 4 : i32
      %swap3A_426 = arith.index_cast %swap3A : i32 to index
      %swap3A_427 = arith.index_cast %mul3A_422 : i32 to index
      %swap3A_428 = tpu.vector_load %arg22[%swap3A_426, %swap3A_427] {strides = array<i32>} : memref<15x512xi32, #tpu.memory_space<vmem>>, vector<16xi32>,
      tpu.vector_store %arg22[%swap3A_426, %swap3A_427], %convert_element_type3A {strides = array<i32>} : memref<15x512xi32, #tpu.memory_space<vmem>>, vector<16xi32>,
    }
    %scan3A_70 = arith.constant 32 : i32
    %dma_start3A_71 = arith.constant 4 : i32
    %dma_start3A_72 = arith.constant 4 : i32
    %dma_start3A_73 = arith.constant 0 : i32
    %dma_start3A_74 = tpu.memref_slice %arg23[%dma_start3A_72, %dma_start3A_73] : memref<15x512xf32, #tpu.memory_space<vmem>> -> memref<1x512xf32, #tpu.memory_space<vmem>>
    %dma_start3A_75 = tpu.memref_squeeze %dma_start3A_74 : memref<1x512xf32, #tpu.memory_space<vmem>> -> memref<512xf32, #tpu.memory_space<vmem>>
    %dma_start3A_76 = arith.constant 0 : i32
    %dma_start3A_77 = tpu.memref_slice %arg22[%dma_start3A_71, %dma_start3A_76] : memref<15x512xi32, #tpu.memory_space<vmem>> -> memref<1x512xi32, #tpu.memory_space<vmem>>
    %dma_start3A_78 = tpu.memref_squeeze %dma_start3A_77 : memref<1x512xi32, #tpu.memory_space<vmem>> -> memref<512xi32, #tpu.memory_space<vmem>>
    %dma_start3A_79 = arith.constant 0 : i32
    %dma_start3A_80 = tpu.memref_slice %arg7[%dma_start3A_79] : memref<100000xf32, #tpu.memory_space<hbm>> -> memref<100000xf32, #tpu.memory_space<hbm>>
    tpu.enqueue_indirect_dma source(%dma_start3A_80 : memref<100000xf32, #tpu.memory_space<hbm>>) target(%dma_start3A_75 : memref<512xf32, #tpu.memory_space<vmem>>) offsets(%dma_start3A_78 : memref<512xi32, #tpu.memory_space<vmem>>) semaphore(%arg30 : memref<!tpu.dma_semaphore, #tpu.memory_space<semaphore_mem>>)
    %scan3A_81 = arith.constant 0 : i32
    %scan3A_82 = arith.constant 0 : i32
    %scan3A_83 = arith.constant 32 : i32
    %scan3A_84 = arith.addi %scan3A_82, %scan3A_83 : i32
    %scan3A_85 = arith.constant 1 : i32
    scf.for %scan3A_420 = %scan3A_82 to %scan3A_84 step %scan3A_85  : i32 {
      %mul3A_421 = arith.constant 16 : i32
      %mul3A_422 = arith.muli %scan3A_420, %mul3A_421 : i32
      %get3A = arith.constant 5 : i32
      %get3A_423 = arith.index_cast %get3A : i32 to index
      %get3A_424 = arith.index_cast %mul3A_422 : i32 to index
      %get3A_425 = tpu.vector_load %arg20[%get3A_423, %get3A_424] {strides = array<i32>} : memref<15x512xf32, #tpu.memory_space<vmem>>, vector<16xf32>,
      %convert_element_type3A = arith.fptosi %get3A_425 : vector<16xf32> to vector<16xi32>
      %swap3A = arith.constant 5 : i32
      %swap3A_426 = arith.index_cast %swap3A : i32 to index
      %swap3A_427 = arith.index_cast %mul3A_422 : i32 to index
      %swap3A_428 = tpu.vector_load %arg22[%swap3A_426, %swap3A_427] {strides = array<i32>} : memref<15x512xi32, #tpu.memory_space<vmem>>, vector<16xi32>,
      tpu.vector_store %arg22[%swap3A_426, %swap3A_427], %convert_element_type3A {strides = array<i32>} : memref<15x512xi32, #tpu.memory_space<vmem>>, vector<16xi32>,
    }
    %scan3A_86 = arith.constant 32 : i32
    %dma_start3A_87 = arith.constant 5 : i32
    %dma_start3A_88 = arith.constant 5 : i32
    %dma_start3A_89 = arith.constant 0 : i32
    %dma_start3A_90 = tpu.memref_slice %arg23[%dma_start3A_88, %dma_start3A_89] : memref<15x512xf32, #tpu.memory_space<vmem>> -> memref<1x512xf32, #tpu.memory_space<vmem>>
    %dma_start3A_91 = tpu.memref_squeeze %dma_start3A_90 : memref<1x512xf32, #tpu.memory_space<vmem>> -> memref<512xf32, #tpu.memory_space<vmem>>
    %dma_start3A_92 = arith.constant 0 : i32
    %dma_start3A_93 = tpu.memref_slice %arg22[%dma_start3A_87, %dma_start3A_92] : memref<15x512xi32, #tpu.memory_space<vmem>> -> memref<1x512xi32, #tpu.memory_space<vmem>>
    %dma_start3A_94 = tpu.memref_squeeze %dma_start3A_93 : memref<1x512xi32, #tpu.memory_space<vmem>> -> memref<512xi32, #tpu.memory_space<vmem>>
    %dma_start3A_95 = arith.constant 0 : i32
    %dma_start3A_96 = tpu.memref_slice %arg8[%dma_start3A_95] : memref<100000xf32, #tpu.memory_space<hbm>> -> memref<100000xf32, #tpu.memory_space<hbm>>
    tpu.enqueue_indirect_dma source(%dma_start3A_96 : memref<100000xf32, #tpu.memory_space<hbm>>) target(%dma_start3A_91 : memref<512xf32, #tpu.memory_space<vmem>>) offsets(%dma_start3A_94 : memref<512xi32, #tpu.memory_space<vmem>>) semaphore(%arg31 : memref<!tpu.dma_semaphore, #tpu.memory_space<semaphore_mem>>)
    %scan3A_97 = arith.constant 0 : i32
    %scan3A_98 = arith.constant 0 : i32
    %scan3A_99 = arith.constant 32 : i32
    %scan3A_100 = arith.addi %scan3A_98, %scan3A_99 : i32
    %scan3A_101 = arith.constant 1 : i32
    scf.for %scan3A_420 = %scan3A_98 to %scan3A_100 step %scan3A_101  : i32 {
      %mul3A_421 = arith.constant 16 : i32
      %mul3A_422 = arith.muli %scan3A_420, %mul3A_421 : i32
      %get3A = arith.constant 6 : i32
      %get3A_423 = arith.index_cast %get3A : i32 to index
      %get3A_424 = arith.index_cast %mul3A_422 : i32 to index
      %get3A_425 = tpu.vector_load %arg20[%get3A_423, %get3A_424] {strides = array<i32>} : memref<15x512xf32, #tpu.memory_space<vmem>>, vector<16xf32>,
      %convert_element_type3A = arith.fptosi %get3A_425 : vector<16xf32> to vector<16xi32>
      %swap3A = arith.constant 6 : i32
      %swap3A_426 = arith.index_cast %swap3A : i32 to index
      %swap3A_427 = arith.index_cast %mul3A_422 : i32 to index
      %swap3A_428 = tpu.vector_load %arg22[%swap3A_426, %swap3A_427] {strides = array<i32>} : memref<15x512xi32, #tpu.memory_space<vmem>>, vector<16xi32>,
      tpu.vector_store %arg22[%swap3A_426, %swap3A_427], %convert_element_type3A {strides = array<i32>} : memref<15x512xi32, #tpu.memory_space<vmem>>, vector<16xi32>,
    }
    %scan3A_102 = arith.constant 32 : i32
    %dma_start3A_103 = arith.constant 6 : i32
    %dma_start3A_104 = arith.constant 6 : i32
    %dma_start3A_105 = arith.constant 0 : i32
    %dma_start3A_106 = tpu.memref_slice %arg23[%dma_start3A_104, %dma_start3A_105] : memref<15x512xf32, #tpu.memory_space<vmem>> -> memref<1x512xf32, #tpu.memory_space<vmem>>
    %dma_start3A_107 = tpu.memref_squeeze %dma_start3A_106 : memref<1x512xf32, #tpu.memory_space<vmem>> -> memref<512xf32, #tpu.memory_space<vmem>>
    %dma_start3A_108 = arith.constant 0 : i32
    %dma_start3A_109 = tpu.memref_slice %arg22[%dma_start3A_103, %dma_start3A_108] : memref<15x512xi32, #tpu.memory_space<vmem>> -> memref<1x512xi32, #tpu.memory_space<vmem>>
    %dma_start3A_110 = tpu.memref_squeeze %dma_start3A_109 : memref<1x512xi32, #tpu.memory_space<vmem>> -> memref<512xi32, #tpu.memory_space<vmem>>
    %dma_start3A_111 = arith.constant 0 : i32
    %dma_start3A_112 = tpu.memref_slice %arg9[%dma_start3A_111] : memref<100000xf32, #tpu.memory_space<hbm>> -> memref<100000xf32, #tpu.memory_space<hbm>>
    tpu.enqueue_indirect_dma source(%dma_start3A_112 : memref<100000xf32, #tpu.memory_space<hbm>>) target(%dma_start3A_107 : memref<512xf32, #tpu.memory_space<vmem>>) offsets(%dma_start3A_110 : memref<512xi32, #tpu.memory_space<vmem>>) semaphore(%arg32 : memref<!tpu.dma_semaphore, #tpu.memory_space<semaphore_mem>>)
    %scan3A_113 = arith.constant 0 : i32
    %scan3A_114 = arith.constant 0 : i32
    %scan3A_115 = arith.constant 32 : i32
    %scan3A_116 = arith.addi %scan3A_114, %scan3A_115 : i32
    %scan3A_117 = arith.constant 1 : i32
    scf.for %scan3A_420 = %scan3A_114 to %scan3A_116 step %scan3A_117  : i32 {
      %mul3A_421 = arith.constant 16 : i32
      %mul3A_422 = arith.muli %scan3A_420, %mul3A_421 : i32
      %get3A = arith.constant 7 : i32
      %get3A_423 = arith.index_cast %get3A : i32 to index
      %get3A_424 = arith.index_cast %mul3A_422 : i32 to index
      %get3A_425 = tpu.vector_load %arg20[%get3A_423, %get3A_424] {strides = array<i32>} : memref<15x512xf32, #tpu.memory_space<vmem>>, vector<16xf32>,
      %convert_element_type3A = arith.fptosi %get3A_425 : vector<16xf32> to vector<16xi32>
      %swap3A = arith.constant 7 : i32
      %swap3A_426 = arith.index_cast %swap3A : i32 to index
      %swap3A_427 = arith.index_cast %mul3A_422 : i32 to index
      %swap3A_428 = tpu.vector_load %arg22[%swap3A_426, %swap3A_427] {strides = array<i32>} : memref<15x512xi32, #tpu.memory_space<vmem>>, vector<16xi32>,
      tpu.vector_store %arg22[%swap3A_426, %swap3A_427], %convert_element_type3A {strides = array<i32>} : memref<15x512xi32, #tpu.memory_space<vmem>>, vector<16xi32>,
    }
    %scan3A_118 = arith.constant 32 : i32
    %dma_start3A_119 = arith.constant 7 : i32
    %dma_start3A_120 = arith.constant 7 : i32
    %dma_start3A_121 = arith.constant 0 : i32
    %dma_start3A_122 = tpu.memref_slice %arg23[%dma_start3A_120, %dma_start3A_121] : memref<15x512xf32, #tpu.memory_space<vmem>> -> memref<1x512xf32, #tpu.memory_space<vmem>>
    %dma_start3A_123 = tpu.memref_squeeze %dma_start3A_122 : memref<1x512xf32, #tpu.memory_space<vmem>> -> memref<512xf32, #tpu.memory_space<vmem>>
    %dma_start3A_124 = arith.constant 0 : i32
    %dma_start3A_125 = tpu.memref_slice %arg22[%dma_start3A_119, %dma_start3A_124] : memref<15x512xi32, #tpu.memory_space<vmem>> -> memref<1x512xi32, #tpu.memory_space<vmem>>
    %dma_start3A_126 = tpu.memref_squeeze %dma_start3A_125 : memref<1x512xi32, #tpu.memory_space<vmem>> -> memref<512xi32, #tpu.memory_space<vmem>>
    %dma_start3A_127 = arith.constant 0 : i32
    %dma_start3A_128 = tpu.memref_slice %arg10[%dma_start3A_127] : memref<100000xf32, #tpu.memory_space<hbm>> -> memref<100000xf32, #tpu.memory_space<hbm>>
    tpu.enqueue_indirect_dma source(%dma_start3A_128 : memref<100000xf32, #tpu.memory_space<hbm>>) target(%dma_start3A_123 : memref<512xf32, #tpu.memory_space<vmem>>) offsets(%dma_start3A_126 : memref<512xi32, #tpu.memory_space<vmem>>) semaphore(%arg33 : memref<!tpu.dma_semaphore, #tpu.memory_space<semaphore_mem>>)
    %scan3A_129 = arith.constant 0 : i32
    %scan3A_130 = arith.constant 0 : i32
    %scan3A_131 = arith.constant 32 : i32
    %scan3A_132 = arith.addi %scan3A_130, %scan3A_131 : i32
    %scan3A_133 = arith.constant 1 : i32
    scf.for %scan3A_420 = %scan3A_130 to %scan3A_132 step %scan3A_133  : i32 {
      %mul3A_421 = arith.constant 16 : i32
      %mul3A_422 = arith.muli %scan3A_420, %mul3A_421 : i32
      %get3A = arith.constant 8 : i32
      %get3A_423 = arith.index_cast %get3A : i32 to index
      %get3A_424 = arith.index_cast %mul3A_422 : i32 to index
      %get3A_425 = tpu.vector_load %arg20[%get3A_423, %get3A_424] {strides = array<i32>} : memref<15x512xf32, #tpu.memory_space<vmem>>, vector<16xf32>,
      %convert_element_type3A = arith.fptosi %get3A_425 : vector<16xf32> to vector<16xi32>
      %swap3A = arith.constant 8 : i32
      %swap3A_426 = arith.index_cast %swap3A : i32 to index
      %swap3A_427 = arith.index_cast %mul3A_422 : i32 to index
      %swap3A_428 = tpu.vector_load %arg22[%swap3A_426, %swap3A_427] {strides = array<i32>} : memref<15x512xi32, #tpu.memory_space<vmem>>, vector<16xi32>,
      tpu.vector_store %arg22[%swap3A_426, %swap3A_427], %convert_element_type3A {strides = array<i32>} : memref<15x512xi32, #tpu.memory_space<vmem>>, vector<16xi32>,
    }
    %scan3A_134 = arith.constant 32 : i32
    %dma_start3A_135 = arith.constant 8 : i32
    %dma_start3A_136 = arith.constant 8 : i32
    %dma_start3A_137 = arith.constant 0 : i32
    %dma_start3A_138 = tpu.memref_slice %arg23[%dma_start3A_136, %dma_start3A_137] : memref<15x512xf32, #tpu.memory_space<vmem>> -> memref<1x512xf32, #tpu.memory_space<vmem>>
    %dma_start3A_139 = tpu.memref_squeeze %dma_start3A_138 : memref<1x512xf32, #tpu.memory_space<vmem>> -> memref<512xf32, #tpu.memory_space<vmem>>
    %dma_start3A_140 = arith.constant 0 : i32
    %dma_start3A_141 = tpu.memref_slice %arg22[%dma_start3A_135, %dma_start3A_140] : memref<15x512xi32, #tpu.memory_space<vmem>> -> memref<1x512xi32, #tpu.memory_space<vmem>>
    %dma_start3A_142 = tpu.memref_squeeze %dma_start3A_141 : memref<1x512xi32, #tpu.memory_space<vmem>> -> memref<512xi32, #tpu.memory_space<vmem>>
    %dma_start3A_143 = arith.constant 0 : i32
    %dma_start3A_144 = tpu.memref_slice %arg11[%dma_start3A_143] : memref<100000xf32, #tpu.memory_space<hbm>> -> memref<100000xf32, #tpu.memory_space<hbm>>
    tpu.enqueue_indirect_dma source(%dma_start3A_144 : memref<100000xf32, #tpu.memory_space<hbm>>) target(%dma_start3A_139 : memref<512xf32, #tpu.memory_space<vmem>>) offsets(%dma_start3A_142 : memref<512xi32, #tpu.memory_space<vmem>>) semaphore(%arg34 : memref<!tpu.dma_semaphore, #tpu.memory_space<semaphore_mem>>)
    %scan3A_145 = arith.constant 0 : i32
    %scan3A_146 = arith.constant 0 : i32
    %scan3A_147 = arith.constant 32 : i32
    %scan3A_148 = arith.addi %scan3A_146, %scan3A_147 : i32
    %scan3A_149 = arith.constant 1 : i32
    scf.for %scan3A_420 = %scan3A_146 to %scan3A_148 step %scan3A_149  : i32 {
      %mul3A_421 = arith.constant 16 : i32
      %mul3A_422 = arith.muli %scan3A_420, %mul3A_421 : i32
      %get3A = arith.constant 9 : i32
      %get3A_423 = arith.index_cast %get3A : i32 to index
      %get3A_424 = arith.index_cast %mul3A_422 : i32 to index
      %get3A_425 = tpu.vector_load %arg20[%get3A_423, %get3A_424] {strides = array<i32>} : memref<15x512xf32, #tpu.memory_space<vmem>>, vector<16xf32>,
      %convert_element_type3A = arith.fptosi %get3A_425 : vector<16xf32> to vector<16xi32>
      %swap3A = arith.constant 9 : i32
      %swap3A_426 = arith.index_cast %swap3A : i32 to index
      %swap3A_427 = arith.index_cast %mul3A_422 : i32 to index
      %swap3A_428 = tpu.vector_load %arg22[%swap3A_426, %swap3A_427] {strides = array<i32>} : memref<15x512xi32, #tpu.memory_space<vmem>>, vector<16xi32>,
      tpu.vector_store %arg22[%swap3A_426, %swap3A_427], %convert_element_type3A {strides = array<i32>} : memref<15x512xi32, #tpu.memory_space<vmem>>, vector<16xi32>,
    }
    %scan3A_150 = arith.constant 32 : i32
    %dma_start3A_151 = arith.constant 9 : i32
    %dma_start3A_152 = arith.constant 9 : i32
    %dma_start3A_153 = arith.constant 0 : i32
    %dma_start3A_154 = tpu.memref_slice %arg23[%dma_start3A_152, %dma_start3A_153] : memref<15x512xf32, #tpu.memory_space<vmem>> -> memref<1x512xf32, #tpu.memory_space<vmem>>
    %dma_start3A_155 = tpu.memref_squeeze %dma_start3A_154 : memref<1x512xf32, #tpu.memory_space<vmem>> -> memref<512xf32, #tpu.memory_space<vmem>>
    %dma_start3A_156 = arith.constant 0 : i32
    %dma_start3A_157 = tpu.memref_slice %arg22[%dma_start3A_151, %dma_start3A_156] : memref<15x512xi32, #tpu.memory_space<vmem>> -> memref<1x512xi32, #tpu.memory_space<vmem>>
    %dma_start3A_158 = tpu.memref_squeeze %dma_start3A_157 : memref<1x512xi32, #tpu.memory_space<vmem>> -> memref<512xi32, #tpu.memory_space<vmem>>
    %dma_start3A_159 = arith.constant 0 : i32
    %dma_start3A_160 = tpu.memref_slice %arg12[%dma_start3A_159] : memref<100000xf32, #tpu.memory_space<hbm>> -> memref<100000xf32, #tpu.memory_space<hbm>>
    tpu.enqueue_indirect_dma source(%dma_start3A_160 : memref<100000xf32, #tpu.memory_space<hbm>>) target(%dma_start3A_155 : memref<512xf32, #tpu.memory_space<vmem>>) offsets(%dma_start3A_158 : memref<512xi32, #tpu.memory_space<vmem>>) semaphore(%arg35 : memref<!tpu.dma_semaphore, #tpu.memory_space<semaphore_mem>>)
    %scan3A_161 = arith.constant 0 : i32
    %scan3A_162 = arith.constant 0 : i32
    %scan3A_163 = arith.constant 32 : i32
    %scan3A_164 = arith.addi %scan3A_162, %scan3A_163 : i32
    %scan3A_165 = arith.constant 1 : i32
    scf.for %scan3A_420 = %scan3A_162 to %scan3A_164 step %scan3A_165  : i32 {
      %mul3A_421 = arith.constant 16 : i32
      %mul3A_422 = arith.muli %scan3A_420, %mul3A_421 : i32
      %get3A = arith.constant 10 : i32
      %get3A_423 = arith.index_cast %get3A : i32 to index
      %get3A_424 = arith.index_cast %mul3A_422 : i32 to index
      %get3A_425 = tpu.vector_load %arg20[%get3A_423, %get3A_424] {strides = array<i32>} : memref<15x512xf32, #tpu.memory_space<vmem>>, vector<16xf32>,
      %convert_element_type3A = arith.fptosi %get3A_425 : vector<16xf32> to vector<16xi32>
      %swap3A = arith.constant 10 : i32
      %swap3A_426 = arith.index_cast %swap3A : i32 to index
      %swap3A_427 = arith.index_cast %mul3A_422 : i32 to index
      %swap3A_428 = tpu.vector_load %arg22[%swap3A_426, %swap3A_427] {strides = array<i32>} : memref<15x512xi32, #tpu.memory_space<vmem>>, vector<16xi32>,
      tpu.vector_store %arg22[%swap3A_426, %swap3A_427], %convert_element_type3A {strides = array<i32>} : memref<15x512xi32, #tpu.memory_space<vmem>>, vector<16xi32>,
    }
    %scan3A_166 = arith.constant 32 : i32
    %dma_start3A_167 = arith.constant 10 : i32
    %dma_start3A_168 = arith.constant 10 : i32
    %dma_start3A_169 = arith.constant 0 : i32
    %dma_start3A_170 = tpu.memref_slice %arg23[%dma_start3A_168, %dma_start3A_169] : memref<15x512xf32, #tpu.memory_space<vmem>> -> memref<1x512xf32, #tpu.memory_space<vmem>>
    %dma_start3A_171 = tpu.memref_squeeze %dma_start3A_170 : memref<1x512xf32, #tpu.memory_space<vmem>> -> memref<512xf32, #tpu.memory_space<vmem>>
    %dma_start3A_172 = arith.constant 0 : i32
    %dma_start3A_173 = tpu.memref_slice %arg22[%dma_start3A_167, %dma_start3A_172] : memref<15x512xi32, #tpu.memory_space<vmem>> -> memref<1x512xi32, #tpu.memory_space<vmem>>
    %dma_start3A_174 = tpu.memref_squeeze %dma_start3A_173 : memref<1x512xi32, #tpu.memory_space<vmem>> -> memref<512xi32, #tpu.memory_space<vmem>>
    %dma_start3A_175 = arith.constant 0 : i32
    %dma_start3A_176 = tpu.memref_slice %arg13[%dma_start3A_175] : memref<100000xf32, #tpu.memory_space<hbm>> -> memref<100000xf32, #tpu.memory_space<hbm>>
    tpu.enqueue_indirect_dma source(%dma_start3A_176 : memref<100000xf32, #tpu.memory_space<hbm>>) target(%dma_start3A_171 : memref<512xf32, #tpu.memory_space<vmem>>) offsets(%dma_start3A_174 : memref<512xi32, #tpu.memory_space<vmem>>) semaphore(%arg36 : memref<!tpu.dma_semaphore, #tpu.memory_space<semaphore_mem>>)
    %scan3A_177 = arith.constant 0 : i32
    %scan3A_178 = arith.constant 0 : i32
    %scan3A_179 = arith.constant 32 : i32
    %scan3A_180 = arith.addi %scan3A_178, %scan3A_179 : i32
    %scan3A_181 = arith.constant 1 : i32
    scf.for %scan3A_420 = %scan3A_178 to %scan3A_180 step %scan3A_181  : i32 {
      %mul3A_421 = arith.constant 16 : i32
      %mul3A_422 = arith.muli %scan3A_420, %mul3A_421 : i32
      %get3A = arith.constant 11 : i32
      %get3A_423 = arith.index_cast %get3A : i32 to index
      %get3A_424 = arith.index_cast %mul3A_422 : i32 to index
      %get3A_425 = tpu.vector_load %arg20[%get3A_423, %get3A_424] {strides = array<i32>} : memref<15x512xf32, #tpu.memory_space<vmem>>, vector<16xf32>,
      %convert_element_type3A = arith.fptosi %get3A_425 : vector<16xf32> to vector<16xi32>
      %swap3A = arith.constant 11 : i32
      %swap3A_426 = arith.index_cast %swap3A : i32 to index
      %swap3A_427 = arith.index_cast %mul3A_422 : i32 to index
      %swap3A_428 = tpu.vector_load %arg22[%swap3A_426, %swap3A_427] {strides = array<i32>} : memref<15x512xi32, #tpu.memory_space<vmem>>, vector<16xi32>,
      tpu.vector_store %arg22[%swap3A_426, %swap3A_427], %convert_element_type3A {strides = array<i32>} : memref<15x512xi32, #tpu.memory_space<vmem>>, vector<16xi32>,
    }
    %scan3A_182 = arith.constant 32 : i32
    %dma_start3A_183 = arith.constant 11 : i32
    %dma_start3A_184 = arith.constant 11 : i32
    %dma_start3A_185 = arith.constant 0 : i32
    %dma_start3A_186 = tpu.memref_slice %arg23[%dma_start3A_184, %dma_start3A_185] : memref<15x512xf32, #tpu.memory_space<vmem>> -> memref<1x512xf32, #tpu.memory_space<vmem>>
    %dma_start3A_187 = tpu.memref_squeeze %dma_start3A_186 : memref<1x512xf32, #tpu.memory_space<vmem>> -> memref<512xf32, #tpu.memory_space<vmem>>
    %dma_start3A_188 = arith.constant 0 : i32
    %dma_start3A_189 = tpu.memref_slice %arg22[%dma_start3A_183, %dma_start3A_188] : memref<15x512xi32, #tpu.memory_space<vmem>> -> memref<1x512xi32, #tpu.memory_space<vmem>>
    %dma_start3A_190 = tpu.memref_squeeze %dma_start3A_189 : memref<1x512xi32, #tpu.memory_space<vmem>> -> memref<512xi32, #tpu.memory_space<vmem>>
    %dma_start3A_191 = arith.constant 0 : i32
    %dma_start3A_192 = tpu.memref_slice %arg14[%dma_start3A_191] : memref<100000xf32, #tpu.memory_space<hbm>> -> memref<100000xf32, #tpu.memory_space<hbm>>
    tpu.enqueue_indirect_dma source(%dma_start3A_192 : memref<100000xf32, #tpu.memory_space<hbm>>) target(%dma_start3A_187 : memref<512xf32, #tpu.memory_space<vmem>>) offsets(%dma_start3A_190 : memref<512xi32, #tpu.memory_space<vmem>>) semaphore(%arg37 : memref<!tpu.dma_semaphore, #tpu.memory_space<semaphore_mem>>)
    %scan3A_193 = arith.constant 0 : i32
    %scan3A_194 = arith.constant 0 : i32
    %scan3A_195 = arith.constant 32 : i32
    %scan3A_196 = arith.addi %scan3A_194, %scan3A_195 : i32
    %scan3A_197 = arith.constant 1 : i32
    scf.for %scan3A_420 = %scan3A_194 to %scan3A_196 step %scan3A_197  : i32 {
      %mul3A_421 = arith.constant 16 : i32
      %mul3A_422 = arith.muli %scan3A_420, %mul3A_421 : i32
      %get3A = arith.constant 12 : i32
      %get3A_423 = arith.index_cast %get3A : i32 to index
      %get3A_424 = arith.index_cast %mul3A_422 : i32 to index
      %get3A_425 = tpu.vector_load %arg20[%get3A_423, %get3A_424] {strides = array<i32>} : memref<15x512xf32, #tpu.memory_space<vmem>>, vector<16xf32>,
      %convert_element_type3A = arith.fptosi %get3A_425 : vector<16xf32> to vector<16xi32>
      %swap3A = arith.constant 12 : i32
      %swap3A_426 = arith.index_cast %swap3A : i32 to index
      %swap3A_427 = arith.index_cast %mul3A_422 : i32 to index
      %swap3A_428 = tpu.vector_load %arg22[%swap3A_426, %swap3A_427] {strides = array<i32>} : memref<15x512xi32, #tpu.memory_space<vmem>>, vector<16xi32>,
      tpu.vector_store %arg22[%swap3A_426, %swap3A_427], %convert_element_type3A {strides = array<i32>} : memref<15x512xi32, #tpu.memory_space<vmem>>, vector<16xi32>,
    }
    %scan3A_198 = arith.constant 32 : i32
    %dma_start3A_199 = arith.constant 12 : i32
    %dma_start3A_200 = arith.constant 12 : i32
    %dma_start3A_201 = arith.constant 0 : i32
    %dma_start3A_202 = tpu.memref_slice %arg23[%dma_start3A_200, %dma_start3A_201] : memref<15x512xf32, #tpu.memory_space<vmem>> -> memref<1x512xf32, #tpu.memory_space<vmem>>
    %dma_start3A_203 = tpu.memref_squeeze %dma_start3A_202 : memref<1x512xf32, #tpu.memory_space<vmem>> -> memref<512xf32, #tpu.memory_space<vmem>>
    %dma_start3A_204 = arith.constant 0 : i32
    %dma_start3A_205 = tpu.memref_slice %arg22[%dma_start3A_199, %dma_start3A_204] : memref<15x512xi32, #tpu.memory_space<vmem>> -> memref<1x512xi32, #tpu.memory_space<vmem>>
    %dma_start3A_206 = tpu.memref_squeeze %dma_start3A_205 : memref<1x512xi32, #tpu.memory_space<vmem>> -> memref<512xi32, #tpu.memory_space<vmem>>
    %dma_start3A_207 = arith.constant 0 : i32
    %dma_start3A_208 = tpu.memref_slice %arg15[%dma_start3A_207] : memref<100000xf32, #tpu.memory_space<hbm>> -> memref<100000xf32, #tpu.memory_space<hbm>>
    tpu.enqueue_indirect_dma source(%dma_start3A_208 : memref<100000xf32, #tpu.memory_space<hbm>>) target(%dma_start3A_203 : memref<512xf32, #tpu.memory_space<vmem>>) offsets(%dma_start3A_206 : memref<512xi32, #tpu.memory_space<vmem>>) semaphore(%arg38 : memref<!tpu.dma_semaphore, #tpu.memory_space<semaphore_mem>>)
    %scan3A_209 = arith.constant 0 : i32
    %scan3A_210 = arith.constant 0 : i32
    %scan3A_211 = arith.constant 32 : i32
    %scan3A_212 = arith.addi %scan3A_210, %scan3A_211 : i32
    %scan3A_213 = arith.constant 1 : i32
    scf.for %scan3A_420 = %scan3A_210 to %scan3A_212 step %scan3A_213  : i32 {
      %mul3A_421 = arith.constant 16 : i32
      %mul3A_422 = arith.muli %scan3A_420, %mul3A_421 : i32
      %get3A = arith.constant 13 : i32
      %get3A_423 = arith.index_cast %get3A : i32 to index
      %get3A_424 = arith.index_cast %mul3A_422 : i32 to index
      %get3A_425 = tpu.vector_load %arg20[%get3A_423, %get3A_424] {strides = array<i32>} : memref<15x512xf32, #tpu.memory_space<vmem>>, vector<16xf32>,
      %convert_element_type3A = arith.fptosi %get3A_425 : vector<16xf32> to vector<16xi32>
      %swap3A = arith.constant 13 : i32
      %swap3A_426 = arith.index_cast %swap3A : i32 to index
      %swap3A_427 = arith.index_cast %mul3A_422 : i32 to index
      %swap3A_428 = tpu.vector_load %arg22[%swap3A_426, %swap3A_427] {strides = array<i32>} : memref<15x512xi32, #tpu.memory_space<vmem>>, vector<16xi32>,
      tpu.vector_store %arg22[%swap3A_426, %swap3A_427], %convert_element_type3A {strides = array<i32>} : memref<15x512xi32, #tpu.memory_space<vmem>>, vector<16xi32>,
    }
    %scan3A_214 = arith.constant 32 : i32
    %dma_start3A_215 = arith.constant 13 : i32
    %dma_start3A_216 = arith.constant 13 : i32
    %dma_start3A_217 = arith.constant 0 : i32
    %dma_start3A_218 = tpu.memref_slice %arg23[%dma_start3A_216, %dma_start3A_217] : memref<15x512xf32, #tpu.memory_space<vmem>> -> memref<1x512xf32, #tpu.memory_space<vmem>>
    %dma_start3A_219 = tpu.memref_squeeze %dma_start3A_218 : memref<1x512xf32, #tpu.memory_space<vmem>> -> memref<512xf32, #tpu.memory_space<vmem>>
    %dma_start3A_220 = arith.constant 0 : i32
    %dma_start3A_221 = tpu.memref_slice %arg22[%dma_start3A_215, %dma_start3A_220] : memref<15x512xi32, #tpu.memory_space<vmem>> -> memref<1x512xi32, #tpu.memory_space<vmem>>
    %dma_start3A_222 = tpu.memref_squeeze %dma_start3A_221 : memref<1x512xi32, #tpu.memory_space<vmem>> -> memref<512xi32, #tpu.memory_space<vmem>>
    %dma_start3A_223 = arith.constant 0 : i32
    %dma_start3A_224 = tpu.memref_slice %arg16[%dma_start3A_223] : memref<100000xf32, #tpu.memory_space<hbm>> -> memref<100000xf32, #tpu.memory_space<hbm>>
    tpu.enqueue_indirect_dma source(%dma_start3A_224 : memref<100000xf32, #tpu.memory_space<hbm>>) target(%dma_start3A_219 : memref<512xf32, #tpu.memory_space<vmem>>) offsets(%dma_start3A_222 : memref<512xi32, #tpu.memory_space<vmem>>) semaphore(%arg39 : memref<!tpu.dma_semaphore, #tpu.memory_space<semaphore_mem>>)
    %scan3A_225 = arith.constant 0 : i32
    %scan3A_226 = arith.constant 0 : i32
    %scan3A_227 = arith.constant 32 : i32
    %scan3A_228 = arith.addi %scan3A_226, %scan3A_227 : i32
    %scan3A_229 = arith.constant 1 : i32
    scf.for %scan3A_420 = %scan3A_226 to %scan3A_228 step %scan3A_229  : i32 {
      %mul3A_421 = arith.constant 16 : i32
      %mul3A_422 = arith.muli %scan3A_420, %mul3A_421 : i32
      %get3A = arith.constant 14 : i32
      %get3A_423 = arith.index_cast %get3A : i32 to index
      %get3A_424 = arith.index_cast %mul3A_422 : i32 to index
      %get3A_425 = tpu.vector_load %arg20[%get3A_423, %get3A_424] {strides = array<i32>} : memref<15x512xf32, #tpu.memory_space<vmem>>, vector<16xf32>,
      %convert_element_type3A = arith.fptosi %get3A_425 : vector<16xf32> to vector<16xi32>
      %swap3A = arith.constant 14 : i32
      %swap3A_426 = arith.index_cast %swap3A : i32 to index
      %swap3A_427 = arith.index_cast %mul3A_422 : i32 to index
      %swap3A_428 = tpu.vector_load %arg22[%swap3A_426, %swap3A_427] {strides = array<i32>} : memref<15x512xi32, #tpu.memory_space<vmem>>, vector<16xi32>,
      tpu.vector_store %arg22[%swap3A_426, %swap3A_427], %convert_element_type3A {strides = array<i32>} : memref<15x512xi32, #tpu.memory_space<vmem>>, vector<16xi32>,
    }
    %scan3A_230 = arith.constant 32 : i32
    %dma_start3A_231 = arith.constant 14 : i32
    %dma_start3A_232 = arith.constant 14 : i32
    %dma_start3A_233 = arith.constant 0 : i32
    %dma_start3A_234 = tpu.memref_slice %arg23[%dma_start3A_232, %dma_start3A_233] : memref<15x512xf32, #tpu.memory_space<vmem>> -> memref<1x512xf32, #tpu.memory_space<vmem>>
    %dma_start3A_235 = tpu.memref_squeeze %dma_start3A_234 : memref<1x512xf32, #tpu.memory_space<vmem>> -> memref<512xf32, #tpu.memory_space<vmem>>
    %dma_start3A_236 = arith.constant 0 : i32
    %dma_start3A_237 = tpu.memref_slice %arg22[%dma_start3A_231, %dma_start3A_236] : memref<15x512xi32, #tpu.memory_space<vmem>> -> memref<1x512xi32, #tpu.memory_space<vmem>>
    %dma_start3A_238 = tpu.memref_squeeze %dma_start3A_237 : memref<1x512xi32, #tpu.memory_space<vmem>> -> memref<512xi32, #tpu.memory_space<vmem>>
    %dma_start3A_239 = arith.constant 0 : i32
    %dma_start3A_240 = tpu.memref_slice %arg17[%dma_start3A_239] : memref<100000xf32, #tpu.memory_space<hbm>> -> memref<100000xf32, #tpu.memory_space<hbm>>
    tpu.enqueue_indirect_dma source(%dma_start3A_240 : memref<100000xf32, #tpu.memory_space<hbm>>) target(%dma_start3A_235 : memref<512xf32, #tpu.memory_space<vmem>>) offsets(%dma_start3A_238 : memref<512xi32, #tpu.memory_space<vmem>>) semaphore(%arg40 : memref<!tpu.dma_semaphore, #tpu.memory_space<semaphore_mem>>)
    %scan3A_241 = arith.constant 0 : i32
    %scan3A_242 = arith.constant 0 : i32
    %scan3A_243 = arith.constant 32 : i32
    %scan3A_244 = arith.addi %scan3A_242, %scan3A_243 : i32
    %scan3A_245 = arith.constant 1 : i32
    scf.for %scan3A_420 = %scan3A_242 to %scan3A_244 step %scan3A_245  : i32 {
      %mul3A_421 = arith.constant 16 : i32
      %mul3A_422 = arith.muli %scan3A_420, %mul3A_421 : i32
      %broadcast_in_dim3A = arith.constant 0.000000e+00 : f32
      %broadcast_in_dim3A_423 = vector.broadcast %broadcast_in_dim3A : f32 to vector<16xf32>
      %get3A = arith.constant 0 : i32
      %get3A_424 = arith.index_cast %get3A : i32 to index
      %get3A_425 = arith.index_cast %mul3A_422 : i32 to index
      %get3A_426 = tpu.vector_load %arg21[%get3A_424, %get3A_425] {strides = array<i32>} : memref<13x512xf32, #tpu.memory_space<vmem>>, vector<16xf32>,
      %get3A_427 = arith.constant 0 : i32
      %get3A_428 = arith.index_cast %get3A_427 : i32 to index
      %get3A_429 = arith.constant 0 : index
      %get3A_430 = tpu.vector_load %arg25[%get3A_428, %get3A_429] {strides = array<i32>} : memref<13x16xf32, #tpu.memory_space<vmem>>, vector<16xf32>,
      %mul3A_431 = arith.mulf %get3A_426, %get3A_430 : vector<16xf32>
      %add3A_432 = arith.addf %broadcast_in_dim3A_423, %mul3A_431 : vector<16xf32>
      %get3A_433 = arith.constant 1 : i32
      %get3A_434 = arith.index_cast %get3A_433 : i32 to index
      %get3A_435 = arith.index_cast %mul3A_422 : i32 to index
      %get3A_436 = tpu.vector_load %arg21[%get3A_434, %get3A_435] {strides = array<i32>} : memref<13x512xf32, #tpu.memory_space<vmem>>, vector<16xf32>,
      %get3A_437 = arith.constant 1 : i32
      %get3A_438 = arith.index_cast %get3A_437 : i32 to index
      %get3A_439 = arith.constant 0 : index
      %get3A_440 = tpu.vector_load %arg25[%get3A_438, %get3A_439] {strides = array<i32>} : memref<13x16xf32, #tpu.memory_space<vmem>>, vector<16xf32>,
      %mul3A_441 = arith.mulf %get3A_436, %get3A_440 : vector<16xf32>
      %add3A_442 = arith.addf %add3A_432, %mul3A_441 : vector<16xf32>
      %get3A_443 = arith.constant 2 : i32
      %get3A_444 = arith.index_cast %get3A_443 : i32 to index
      %get3A_445 = arith.index_cast %mul3A_422 : i32 to index
      %get3A_446 = tpu.vector_load %arg21[%get3A_444, %get3A_445] {strides = array<i32>} : memref<13x512xf32, #tpu.memory_space<vmem>>, vector<16xf32>,
      %get3A_447 = arith.constant 2 : i32
      %get3A_448 = arith.index_cast %get3A_447 : i32 to index
      %get3A_449 = arith.constant 0 : index
      %get3A_450 = tpu.vector_load %arg25[%get3A_448, %get3A_449] {strides = array<i32>} : memref<13x16xf32, #tpu.memory_space<vmem>>, vector<16xf32>,
      %mul3A_451 = arith.mulf %get3A_446, %get3A_450 : vector<16xf32>
      %add3A_452 = arith.addf %add3A_442, %mul3A_451 : vector<16xf32>
      %get3A_453 = arith.constant 3 : i32
      %get3A_454 = arith.index_cast %get3A_453 : i32 to index
      %get3A_455 = arith.index_cast %mul3A_422 : i32 to index
      %get3A_456 = tpu.vector_load %arg21[%get3A_454, %get3A_455] {strides = array<i32>} : memref<13x512xf32, #tpu.memory_space<vmem>>, vector<16xf32>,
      %get3A_457 = arith.constant 3 : i32
      %get3A_458 = arith.index_cast %get3A_457 : i32 to index
      %get3A_459 = arith.constant 0 : index
      %get3A_460 = tpu.vector_load %arg25[%get3A_458, %get3A_459] {strides = array<i32>} : memref<13x16xf32, #tpu.memory_space<vmem>>, vector<16xf32>,
      %mul3A_461 = arith.mulf %get3A_456, %get3A_460 : vector<16xf32>
      %add3A_462 = arith.addf %add3A_452, %mul3A_461 : vector<16xf32>
      %get3A_463 = arith.constant 4 : i32
      %get3A_464 = arith.index_cast %get3A_463 : i32 to index
      %get3A_465 = arith.index_cast %mul3A_422 : i32 to index
      %get3A_466 = tpu.vector_load %arg21[%get3A_464, %get3A_465] {strides = array<i32>} : memref<13x512xf32, #tpu.memory_space<vmem>>, vector<16xf32>,
      %get3A_467 = arith.constant 4 : i32
      %get3A_468 = arith.index_cast %get3A_467 : i32 to index
      %get3A_469 = arith.constant 0 : index
      %get3A_470 = tpu.vector_load %arg25[%get3A_468, %get3A_469] {strides = array<i32>} : memref<13x16xf32, #tpu.memory_space<vmem>>, vector<16xf32>,
      %mul3A_471 = arith.mulf %get3A_466, %get3A_470 : vector<16xf32>
      %add3A_472 = arith.addf %add3A_462, %mul3A_471 : vector<16xf32>
      %get3A_473 = arith.constant 5 : i32
      %get3A_474 = arith.index_cast %get3A_473 : i32 to index
      %get3A_475 = arith.index_cast %mul3A_422 : i32 to index
      %get3A_476 = tpu.vector_load %arg21[%get3A_474, %get3A_475] {strides = array<i32>} : memref<13x512xf32, #tpu.memory_space<vmem>>, vector<16xf32>,
      %get3A_477 = arith.constant 5 : i32
      %get3A_478 = arith.index_cast %get3A_477 : i32 to index
      %get3A_479 = arith.constant 0 : index
      %get3A_480 = tpu.vector_load %arg25[%get3A_478, %get3A_479] {strides = array<i32>} : memref<13x16xf32, #tpu.memory_space<vmem>>, vector<16xf32>,
      %mul3A_481 = arith.mulf %get3A_476, %get3A_480 : vector<16xf32>
      %add3A_482 = arith.addf %add3A_472, %mul3A_481 : vector<16xf32>
      %get3A_483 = arith.constant 6 : i32
      %get3A_484 = arith.index_cast %get3A_483 : i32 to index
      %get3A_485 = arith.index_cast %mul3A_422 : i32 to index
      %get3A_486 = tpu.vector_load %arg21[%get3A_484, %get3A_485] {strides = array<i32>} : memref<13x512xf32, #tpu.memory_space<vmem>>, vector<16xf32>,
      %get3A_487 = arith.constant 6 : i32
      %get3A_488 = arith.index_cast %get3A_487 : i32 to index
      %get3A_489 = arith.constant 0 : index
      %get3A_490 = tpu.vector_load %arg25[%get3A_488, %get3A_489] {strides = array<i32>} : memref<13x16xf32, #tpu.memory_space<vmem>>, vector<16xf32>,
      %mul3A_491 = arith.mulf %get3A_486, %get3A_490 : vector<16xf32>
      %add3A_492 = arith.addf %add3A_482, %mul3A_491 : vector<16xf32>
      %get3A_493 = arith.constant 7 : i32
      %get3A_494 = arith.index_cast %get3A_493 : i32 to index
      %get3A_495 = arith.index_cast %mul3A_422 : i32 to index
      %get3A_496 = tpu.vector_load %arg21[%get3A_494, %get3A_495] {strides = array<i32>} : memref<13x512xf32, #tpu.memory_space<vmem>>, vector<16xf32>,
      %get3A_497 = arith.constant 7 : i32
      %get3A_498 = arith.index_cast %get3A_497 : i32 to index
      %get3A_499 = arith.constant 0 : index
      %get3A_500 = tpu.vector_load %arg25[%get3A_498, %get3A_499] {strides = array<i32>} : memref<13x16xf32, #tpu.memory_space<vmem>>, vector<16xf32>,
      %mul3A_501 = arith.mulf %get3A_496, %get3A_500 : vector<16xf32>
      %add3A_502 = arith.addf %add3A_492, %mul3A_501 : vector<16xf32>
      %get3A_503 = arith.constant 8 : i32
      %get3A_504 = arith.index_cast %get3A_503 : i32 to index
      %get3A_505 = arith.index_cast %mul3A_422 : i32 to index
      %get3A_506 = tpu.vector_load %arg21[%get3A_504, %get3A_505] {strides = array<i32>} : memref<13x512xf32, #tpu.memory_space<vmem>>, vector<16xf32>,
      %get3A_507 = arith.constant 8 : i32
      %get3A_508 = arith.index_cast %get3A_507 : i32 to index
      %get3A_509 = arith.constant 0 : index
      %get3A_510 = tpu.vector_load %arg25[%get3A_508, %get3A_509] {strides = array<i32>} : memref<13x16xf32, #tpu.memory_space<vmem>>, vector<16xf32>,
      %mul3A_511 = arith.mulf %get3A_506, %get3A_510 : vector<16xf32>
      %add3A_512 = arith.addf %add3A_502, %mul3A_511 : vector<16xf32>
      %get3A_513 = arith.constant 9 : i32
      %get3A_514 = arith.index_cast %get3A_513 : i32 to index
      %get3A_515 = arith.index_cast %mul3A_422 : i32 to index
      %get3A_516 = tpu.vector_load %arg21[%get3A_514, %get3A_515] {strides = array<i32>} : memref<13x512xf32, #tpu.memory_space<vmem>>, vector<16xf32>,
      %get3A_517 = arith.constant 9 : i32
      %get3A_518 = arith.index_cast %get3A_517 : i32 to index
      %get3A_519 = arith.constant 0 : index
      %get3A_520 = tpu.vector_load %arg25[%get3A_518, %get3A_519] {strides = array<i32>} : memref<13x16xf32, #tpu.memory_space<vmem>>, vector<16xf32>,
      %mul3A_521 = arith.mulf %get3A_516, %get3A_520 : vector<16xf32>
      %add3A_522 = arith.addf %add3A_512, %mul3A_521 : vector<16xf32>
      %get3A_523 = arith.constant 10 : i32
      %get3A_524 = arith.index_cast %get3A_523 : i32 to index
      %get3A_525 = arith.index_cast %mul3A_422 : i32 to index
      %get3A_526 = tpu.vector_load %arg21[%get3A_524, %get3A_525] {strides = array<i32>} : memref<13x512xf32, #tpu.memory_space<vmem>>, vector<16xf32>,
      %get3A_527 = arith.constant 10 : i32
      %get3A_528 = arith.index_cast %get3A_527 : i32 to index
      %get3A_529 = arith.constant 0 : index
      %get3A_530 = tpu.vector_load %arg25[%get3A_528, %get3A_529] {strides = array<i32>} : memref<13x16xf32, #tpu.memory_space<vmem>>, vector<16xf32>,
      %mul3A_531 = arith.mulf %get3A_526, %get3A_530 : vector<16xf32>
      %add3A_532 = arith.addf %add3A_522, %mul3A_531 : vector<16xf32>
      %get3A_533 = arith.constant 11 : i32
      %get3A_534 = arith.index_cast %get3A_533 : i32 to index
      %get3A_535 = arith.index_cast %mul3A_422 : i32 to index
      %get3A_536 = tpu.vector_load %arg21[%get3A_534, %get3A_535] {strides = array<i32>} : memref<13x512xf32, #tpu.memory_space<vmem>>, vector<16xf32>,
      %get3A_537 = arith.constant 11 : i32
      %get3A_538 = arith.index_cast %get3A_537 : i32 to index
      %get3A_539 = arith.constant 0 : index
      %get3A_540 = tpu.vector_load %arg25[%get3A_538, %get3A_539] {strides = array<i32>} : memref<13x16xf32, #tpu.memory_space<vmem>>, vector<16xf32>,
      %mul3A_541 = arith.mulf %get3A_536, %get3A_540 : vector<16xf32>
      %add3A_542 = arith.addf %add3A_532, %mul3A_541 : vector<16xf32>
      %get3A_543 = arith.constant 12 : i32
      %get3A_544 = arith.index_cast %get3A_543 : i32 to index
      %get3A_545 = arith.index_cast %mul3A_422 : i32 to index
      %get3A_546 = tpu.vector_load %arg21[%get3A_544, %get3A_545] {strides = array<i32>} : memref<13x512xf32, #tpu.memory_space<vmem>>, vector<16xf32>,
      %get3A_547 = arith.constant 12 : i32
      %get3A_548 = arith.index_cast %get3A_547 : i32 to index
      %get3A_549 = arith.constant 0 : index
      %get3A_550 = tpu.vector_load %arg25[%get3A_548, %get3A_549] {strides = array<i32>} : memref<13x16xf32, #tpu.memory_space<vmem>>, vector<16xf32>,
      %mul3A_551 = arith.mulf %get3A_546, %get3A_550 : vector<16xf32>
      %add3A_552 = arith.addf %add3A_542, %mul3A_551 : vector<16xf32>
      %swap3A = arith.index_cast %mul3A_422 : i32 to index
      %swap3A_553 = tpu.vector_load %arg24[%swap3A] {strides = array<i32>} : memref<512xf32, #tpu.memory_space<vmem>>, vector<16xf32>,
      tpu.vector_store %arg24[%swap3A], %add3A_552 {strides = array<i32>} : memref<512xf32, #tpu.memory_space<vmem>>, vector<16xf32>,
    }
    %scan3A_246 = arith.constant 32 : i32
    %dma_wait3A = arith.constant 0 : i32
    %dma_wait3A_247 = arith.constant 0 : i32
    %dma_wait3A_248 = arith.constant 0 : i32
    %dma_wait3A_249 = tpu.memref_slice %arg23[%dma_wait3A_247, %dma_wait3A_248] : memref<15x512xf32, #tpu.memory_space<vmem>> -> memref<1x512xf32, #tpu.memory_space<vmem>>
    %dma_wait3A_250 = tpu.memref_squeeze %dma_wait3A_249 : memref<1x512xf32, #tpu.memory_space<vmem>> -> memref<512xf32, #tpu.memory_space<vmem>>
    %dma_wait3A_251 = arith.constant 0 : i32
    %dma_wait3A_252 = tpu.memref_slice %arg22[%dma_wait3A, %dma_wait3A_251] : memref<15x512xi32, #tpu.memory_space<vmem>> -> memref<1x512xi32, #tpu.memory_space<vmem>>
    %dma_wait3A_253 = tpu.memref_squeeze %dma_wait3A_252 : memref<1x512xi32, #tpu.memory_space<vmem>> -> memref<512xi32, #tpu.memory_space<vmem>>
    %dma_wait3A_254 = arith.constant 0 : i32
    %dma_wait3A_255 = tpu.memref_slice %arg3[%dma_wait3A_254] : memref<100000xf32, #tpu.memory_space<hbm>> -> memref<100000xf32, #tpu.memory_space<hbm>>
    tpu.wait_indirect_dma semaphore(%arg26 : memref<!tpu.dma_semaphore, #tpu.memory_space<semaphore_mem>>) src(%dma_wait3A_255 : memref<100000xf32, #tpu.memory_space<hbm>>) dst(%dma_wait3A_250 : memref<512xf32, #tpu.memory_space<vmem>>)
    %dma_wait3A_256 = arith.constant 1 : i32
    %dma_wait3A_257 = arith.constant 1 : i32
    %dma_wait3A_258 = arith.constant 0 : i32
    %dma_wait3A_259 = tpu.memref_slice %arg23[%dma_wait3A_257, %dma_wait3A_258] : memref<15x512xf32, #tpu.memory_space<vmem>> -> memref<1x512xf32, #tpu.memory_space<vmem>>
    %dma_wait3A_260 = tpu.memref_squeeze %dma_wait3A_259 : memref<1x512xf32, #tpu.memory_space<vmem>> -> memref<512xf32, #tpu.memory_space<vmem>>
    %dma_wait3A_261 = arith.constant 0 : i32
    %dma_wait3A_262 = tpu.memref_slice %arg22[%dma_wait3A_256, %dma_wait3A_261] : memref<15x512xi32, #tpu.memory_space<vmem>> -> memref<1x512xi32, #tpu.memory_space<vmem>>
    %dma_wait3A_263 = tpu.memref_squeeze %dma_wait3A_262 : memref<1x512xi32, #tpu.memory_space<vmem>> -> memref<512xi32, #tpu.memory_space<vmem>>
    %dma_wait3A_264 = arith.constant 0 : i32
    %dma_wait3A_265 = tpu.memref_slice %arg4[%dma_wait3A_264] : memref<100000xf32, #tpu.memory_space<hbm>> -> memref<100000xf32, #tpu.memory_space<hbm>>
    tpu.wait_indirect_dma semaphore(%arg27 : memref<!tpu.dma_semaphore, #tpu.memory_space<semaphore_mem>>) src(%dma_wait3A_265 : memref<100000xf32, #tpu.memory_space<hbm>>) dst(%dma_wait3A_260 : memref<512xf32, #tpu.memory_space<vmem>>)
    %dma_wait3A_266 = arith.constant 2 : i32
    %dma_wait3A_267 = arith.constant 2 : i32
    %dma_wait3A_268 = arith.constant 0 : i32
    %dma_wait3A_269 = tpu.memref_slice %arg23[%dma_wait3A_267, %dma_wait3A_268] : memref<15x512xf32, #tpu.memory_space<vmem>> -> memref<1x512xf32, #tpu.memory_space<vmem>>
    %dma_wait3A_270 = tpu.memref_squeeze %dma_wait3A_269 : memref<1x512xf32, #tpu.memory_space<vmem>> -> memref<512xf32, #tpu.memory_space<vmem>>
    %dma_wait3A_271 = arith.constant 0 : i32
    %dma_wait3A_272 = tpu.memref_slice %arg22[%dma_wait3A_266, %dma_wait3A_271] : memref<15x512xi32, #tpu.memory_space<vmem>> -> memref<1x512xi32, #tpu.memory_space<vmem>>
    %dma_wait3A_273 = tpu.memref_squeeze %dma_wait3A_272 : memref<1x512xi32, #tpu.memory_space<vmem>> -> memref<512xi32, #tpu.memory_space<vmem>>
    %dma_wait3A_274 = arith.constant 0 : i32
    %dma_wait3A_275 = tpu.memref_slice %arg5[%dma_wait3A_274] : memref<100000xf32, #tpu.memory_space<hbm>> -> memref<100000xf32, #tpu.memory_space<hbm>>
    tpu.wait_indirect_dma semaphore(%arg28 : memref<!tpu.dma_semaphore, #tpu.memory_space<semaphore_mem>>) src(%dma_wait3A_275 : memref<100000xf32, #tpu.memory_space<hbm>>) dst(%dma_wait3A_270 : memref<512xf32, #tpu.memory_space<vmem>>)
    %dma_wait3A_276 = arith.constant 3 : i32
    %dma_wait3A_277 = arith.constant 3 : i32
    %dma_wait3A_278 = arith.constant 0 : i32
    %dma_wait3A_279 = tpu.memref_slice %arg23[%dma_wait3A_277, %dma_wait3A_278] : memref<15x512xf32, #tpu.memory_space<vmem>> -> memref<1x512xf32, #tpu.memory_space<vmem>>
    %dma_wait3A_280 = tpu.memref_squeeze %dma_wait3A_279 : memref<1x512xf32, #tpu.memory_space<vmem>> -> memref<512xf32, #tpu.memory_space<vmem>>
    %dma_wait3A_281 = arith.constant 0 : i32
    %dma_wait3A_282 = tpu.memref_slice %arg22[%dma_wait3A_276, %dma_wait3A_281] : memref<15x512xi32, #tpu.memory_space<vmem>> -> memref<1x512xi32, #tpu.memory_space<vmem>>
    %dma_wait3A_283 = tpu.memref_squeeze %dma_wait3A_282 : memref<1x512xi32, #tpu.memory_space<vmem>> -> memref<512xi32, #tpu.memory_space<vmem>>
    %dma_wait3A_284 = arith.constant 0 : i32
    %dma_wait3A_285 = tpu.memref_slice %arg6[%dma_wait3A_284] : memref<100000xf32, #tpu.memory_space<hbm>> -> memref<100000xf32, #tpu.memory_space<hbm>>
    tpu.wait_indirect_dma semaphore(%arg29 : memref<!tpu.dma_semaphore, #tpu.memory_space<semaphore_mem>>) src(%dma_wait3A_285 : memref<100000xf32, #tpu.memory_space<hbm>>) dst(%dma_wait3A_280 : memref<512xf32, #tpu.memory_space<vmem>>)
    %scan3A_286 = arith.constant 0 : i32
    %scan3A_287 = arith.constant 0 : i32
    %scan3A_288 = arith.constant 32 : i32
    %scan3A_289 = arith.addi %scan3A_287, %scan3A_288 : i32
    %scan3A_290 = arith.constant 1 : i32
    scf.for %scan3A_420 = %scan3A_287 to %scan3A_289 step %scan3A_290  : i32 {
      %mul3A_421 = arith.constant 16 : i32
      %mul3A_422 = arith.muli %scan3A_420, %mul3A_421 : i32
      %get3A = arith.index_cast %mul3A_422 : i32 to index
      %get3A_423 = tpu.vector_load %arg24[%get3A] {strides = array<i32>} : memref<512xf32, #tpu.memory_space<vmem>>, vector<16xf32>,
      %get3A_424 = arith.constant 0 : i32
      %get3A_425 = arith.index_cast %get3A_424 : i32 to index
      %get3A_426 = arith.index_cast %mul3A_422 : i32 to index
      %get3A_427 = tpu.vector_load %arg23[%get3A_425, %get3A_426] {strides = array<i32>} : memref<15x512xf32, #tpu.memory_space<vmem>>, vector<16xf32>,
      %add3A_428 = arith.addf %get3A_423, %get3A_427 : vector<16xf32>
      %get3A_429 = arith.constant 1 : i32
      %get3A_430 = arith.index_cast %get3A_429 : i32 to index
      %get3A_431 = arith.index_cast %mul3A_422 : i32 to index
      %get3A_432 = tpu.vector_load %arg23[%get3A_430, %get3A_431] {strides = array<i32>} : memref<15x512xf32, #tpu.memory_space<vmem>>, vector<16xf32>,
      %add3A_433 = arith.addf %add3A_428, %get3A_432 : vector<16xf32>
      %get3A_434 = arith.constant 2 : i32
      %get3A_435 = arith.index_cast %get3A_434 : i32 to index
      %get3A_436 = arith.index_cast %mul3A_422 : i32 to index
      %get3A_437 = tpu.vector_load %arg23[%get3A_435, %get3A_436] {strides = array<i32>} : memref<15x512xf32, #tpu.memory_space<vmem>>, vector<16xf32>,
      %add3A_438 = arith.addf %add3A_433, %get3A_437 : vector<16xf32>
      %get3A_439 = arith.constant 3 : i32
      %get3A_440 = arith.index_cast %get3A_439 : i32 to index
      %get3A_441 = arith.index_cast %mul3A_422 : i32 to index
      %get3A_442 = tpu.vector_load %arg23[%get3A_440, %get3A_441] {strides = array<i32>} : memref<15x512xf32, #tpu.memory_space<vmem>>, vector<16xf32>,
      %add3A_443 = arith.addf %add3A_438, %get3A_442 : vector<16xf32>
      %swap3A = arith.index_cast %mul3A_422 : i32 to index
      %swap3A_444 = tpu.vector_load %arg24[%swap3A] {strides = array<i32>} : memref<512xf32, #tpu.memory_space<vmem>>, vector<16xf32>,
      tpu.vector_store %arg24[%swap3A], %add3A_443 {strides = array<i32>} : memref<512xf32, #tpu.memory_space<vmem>>, vector<16xf32>,
    }
    %scan3A_291 = arith.constant 32 : i32
    %dma_wait3A_292 = arith.constant 4 : i32
    %dma_wait3A_293 = arith.constant 4 : i32
    %dma_wait3A_294 = arith.constant 0 : i32
    %dma_wait3A_295 = tpu.memref_slice %arg23[%dma_wait3A_293, %dma_wait3A_294] : memref<15x512xf32, #tpu.memory_space<vmem>> -> memref<1x512xf32, #tpu.memory_space<vmem>>
    %dma_wait3A_296 = tpu.memref_squeeze %dma_wait3A_295 : memref<1x512xf32, #tpu.memory_space<vmem>> -> memref<512xf32, #tpu.memory_space<vmem>>
    %dma_wait3A_297 = arith.constant 0 : i32
    %dma_wait3A_298 = tpu.memref_slice %arg22[%dma_wait3A_292, %dma_wait3A_297] : memref<15x512xi32, #tpu.memory_space<vmem>> -> memref<1x512xi32, #tpu.memory_space<vmem>>
    %dma_wait3A_299 = tpu.memref_squeeze %dma_wait3A_298 : memref<1x512xi32, #tpu.memory_space<vmem>> -> memref<512xi32, #tpu.memory_space<vmem>>
    %dma_wait3A_300 = arith.constant 0 : i32
    %dma_wait3A_301 = tpu.memref_slice %arg7[%dma_wait3A_300] : memref<100000xf32, #tpu.memory_space<hbm>> -> memref<100000xf32, #tpu.memory_space<hbm>>
    tpu.wait_indirect_dma semaphore(%arg30 : memref<!tpu.dma_semaphore, #tpu.memory_space<semaphore_mem>>) src(%dma_wait3A_301 : memref<100000xf32, #tpu.memory_space<hbm>>) dst(%dma_wait3A_296 : memref<512xf32, #tpu.memory_space<vmem>>)
    %dma_wait3A_302 = arith.constant 5 : i32
    %dma_wait3A_303 = arith.constant 5 : i32
    %dma_wait3A_304 = arith.constant 0 : i32
    %dma_wait3A_305 = tpu.memref_slice %arg23[%dma_wait3A_303, %dma_wait3A_304] : memref<15x512xf32, #tpu.memory_space<vmem>> -> memref<1x512xf32, #tpu.memory_space<vmem>>
    %dma_wait3A_306 = tpu.memref_squeeze %dma_wait3A_305 : memref<1x512xf32, #tpu.memory_space<vmem>> -> memref<512xf32, #tpu.memory_space<vmem>>
    %dma_wait3A_307 = arith.constant 0 : i32
    %dma_wait3A_308 = tpu.memref_slice %arg22[%dma_wait3A_302, %dma_wait3A_307] : memref<15x512xi32, #tpu.memory_space<vmem>> -> memref<1x512xi32, #tpu.memory_space<vmem>>
    %dma_wait3A_309 = tpu.memref_squeeze %dma_wait3A_308 : memref<1x512xi32, #tpu.memory_space<vmem>> -> memref<512xi32, #tpu.memory_space<vmem>>
    %dma_wait3A_310 = arith.constant 0 : i32
    %dma_wait3A_311 = tpu.memref_slice %arg8[%dma_wait3A_310] : memref<100000xf32, #tpu.memory_space<hbm>> -> memref<100000xf32, #tpu.memory_space<hbm>>
    tpu.wait_indirect_dma semaphore(%arg31 : memref<!tpu.dma_semaphore, #tpu.memory_space<semaphore_mem>>) src(%dma_wait3A_311 : memref<100000xf32, #tpu.memory_space<hbm>>) dst(%dma_wait3A_306 : memref<512xf32, #tpu.memory_space<vmem>>)
    %dma_wait3A_312 = arith.constant 6 : i32
    %dma_wait3A_313 = arith.constant 6 : i32
    %dma_wait3A_314 = arith.constant 0 : i32
    %dma_wait3A_315 = tpu.memref_slice %arg23[%dma_wait3A_313, %dma_wait3A_314] : memref<15x512xf32, #tpu.memory_space<vmem>> -> memref<1x512xf32, #tpu.memory_space<vmem>>
    %dma_wait3A_316 = tpu.memref_squeeze %dma_wait3A_315 : memref<1x512xf32, #tpu.memory_space<vmem>> -> memref<512xf32, #tpu.memory_space<vmem>>
    %dma_wait3A_317 = arith.constant 0 : i32
    %dma_wait3A_318 = tpu.memref_slice %arg22[%dma_wait3A_312, %dma_wait3A_317] : memref<15x512xi32, #tpu.memory_space<vmem>> -> memref<1x512xi32, #tpu.memory_space<vmem>>
    %dma_wait3A_319 = tpu.memref_squeeze %dma_wait3A_318 : memref<1x512xi32, #tpu.memory_space<vmem>> -> memref<512xi32, #tpu.memory_space<vmem>>
    %dma_wait3A_320 = arith.constant 0 : i32
    %dma_wait3A_321 = tpu.memref_slice %arg9[%dma_wait3A_320] : memref<100000xf32, #tpu.memory_space<hbm>> -> memref<100000xf32, #tpu.memory_space<hbm>>
    tpu.wait_indirect_dma semaphore(%arg32 : memref<!tpu.dma_semaphore, #tpu.memory_space<semaphore_mem>>) src(%dma_wait3A_321 : memref<100000xf32, #tpu.memory_space<hbm>>) dst(%dma_wait3A_316 : memref<512xf32, #tpu.memory_space<vmem>>)
    %dma_wait3A_322 = arith.constant 7 : i32
    %dma_wait3A_323 = arith.constant 7 : i32
    %dma_wait3A_324 = arith.constant 0 : i32
    %dma_wait3A_325 = tpu.memref_slice %arg23[%dma_wait3A_323, %dma_wait3A_324] : memref<15x512xf32, #tpu.memory_space<vmem>> -> memref<1x512xf32, #tpu.memory_space<vmem>>
    %dma_wait3A_326 = tpu.memref_squeeze %dma_wait3A_325 : memref<1x512xf32, #tpu.memory_space<vmem>> -> memref<512xf32, #tpu.memory_space<vmem>>
    %dma_wait3A_327 = arith.constant 0 : i32
    %dma_wait3A_328 = tpu.memref_slice %arg22[%dma_wait3A_322, %dma_wait3A_327] : memref<15x512xi32, #tpu.memory_space<vmem>> -> memref<1x512xi32, #tpu.memory_space<vmem>>
    %dma_wait3A_329 = tpu.memref_squeeze %dma_wait3A_328 : memref<1x512xi32, #tpu.memory_space<vmem>> -> memref<512xi32, #tpu.memory_space<vmem>>
    %dma_wait3A_330 = arith.constant 0 : i32
    %dma_wait3A_331 = tpu.memref_slice %arg10[%dma_wait3A_330] : memref<100000xf32, #tpu.memory_space<hbm>> -> memref<100000xf32, #tpu.memory_space<hbm>>
    tpu.wait_indirect_dma semaphore(%arg33 : memref<!tpu.dma_semaphore, #tpu.memory_space<semaphore_mem>>) src(%dma_wait3A_331 : memref<100000xf32, #tpu.memory_space<hbm>>) dst(%dma_wait3A_326 : memref<512xf32, #tpu.memory_space<vmem>>)
    %scan3A_332 = arith.constant 0 : i32
    %scan3A_333 = arith.constant 0 : i32
    %scan3A_334 = arith.constant 32 : i32
    %scan3A_335 = arith.addi %scan3A_333, %scan3A_334 : i32
    %scan3A_336 = arith.constant 1 : i32
    scf.for %scan3A_420 = %scan3A_333 to %scan3A_335 step %scan3A_336  : i32 {
      %mul3A_421 = arith.constant 16 : i32
      %mul3A_422 = arith.muli %scan3A_420, %mul3A_421 : i32
      %get3A = arith.index_cast %mul3A_422 : i32 to index
      %get3A_423 = tpu.vector_load %arg24[%get3A] {strides = array<i32>} : memref<512xf32, #tpu.memory_space<vmem>>, vector<16xf32>,
      %get3A_424 = arith.constant 4 : i32
      %get3A_425 = arith.index_cast %get3A_424 : i32 to index
      %get3A_426 = arith.index_cast %mul3A_422 : i32 to index
      %get3A_427 = tpu.vector_load %arg23[%get3A_425, %get3A_426] {strides = array<i32>} : memref<15x512xf32, #tpu.memory_space<vmem>>, vector<16xf32>,
      %add3A_428 = arith.addf %get3A_423, %get3A_427 : vector<16xf32>
      %get3A_429 = arith.constant 5 : i32
      %get3A_430 = arith.index_cast %get3A_429 : i32 to index
      %get3A_431 = arith.index_cast %mul3A_422 : i32 to index
      %get3A_432 = tpu.vector_load %arg23[%get3A_430, %get3A_431] {strides = array<i32>} : memref<15x512xf32, #tpu.memory_space<vmem>>, vector<16xf32>,
      %add3A_433 = arith.addf %add3A_428, %get3A_432 : vector<16xf32>
      %get3A_434 = arith.constant 6 : i32
      %get3A_435 = arith.index_cast %get3A_434 : i32 to index
      %get3A_436 = arith.index_cast %mul3A_422 : i32 to index
      %get3A_437 = tpu.vector_load %arg23[%get3A_435, %get3A_436] {strides = array<i32>} : memref<15x512xf32, #tpu.memory_space<vmem>>, vector<16xf32>,
      %add3A_438 = arith.addf %add3A_433, %get3A_437 : vector<16xf32>
      %get3A_439 = arith.constant 7 : i32
      %get3A_440 = arith.index_cast %get3A_439 : i32 to index
      %get3A_441 = arith.index_cast %mul3A_422 : i32 to index
      %get3A_442 = tpu.vector_load %arg23[%get3A_440, %get3A_441] {strides = array<i32>} : memref<15x512xf32, #tpu.memory_space<vmem>>, vector<16xf32>,
      %add3A_443 = arith.addf %add3A_438, %get3A_442 : vector<16xf32>
      %swap3A = arith.index_cast %mul3A_422 : i32 to index
      %swap3A_444 = tpu.vector_load %arg24[%swap3A] {strides = array<i32>} : memref<512xf32, #tpu.memory_space<vmem>>, vector<16xf32>,
      tpu.vector_store %arg24[%swap3A], %add3A_443 {strides = array<i32>} : memref<512xf32, #tpu.memory_space<vmem>>, vector<16xf32>,
    }
    %scan3A_337 = arith.constant 32 : i32
    %dma_wait3A_338 = arith.constant 8 : i32
    %dma_wait3A_339 = arith.constant 8 : i32
    %dma_wait3A_340 = arith.constant 0 : i32
    %dma_wait3A_341 = tpu.memref_slice %arg23[%dma_wait3A_339, %dma_wait3A_340] : memref<15x512xf32, #tpu.memory_space<vmem>> -> memref<1x512xf32, #tpu.memory_space<vmem>>
    %dma_wait3A_342 = tpu.memref_squeeze %dma_wait3A_341 : memref<1x512xf32, #tpu.memory_space<vmem>> -> memref<512xf32, #tpu.memory_space<vmem>>
    %dma_wait3A_343 = arith.constant 0 : i32
    %dma_wait3A_344 = tpu.memref_slice %arg22[%dma_wait3A_338, %dma_wait3A_343] : memref<15x512xi32, #tpu.memory_space<vmem>> -> memref<1x512xi32, #tpu.memory_space<vmem>>
    %dma_wait3A_345 = tpu.memref_squeeze %dma_wait3A_344 : memref<1x512xi32, #tpu.memory_space<vmem>> -> memref<512xi32, #tpu.memory_space<vmem>>
    %dma_wait3A_346 = arith.constant 0 : i32
    %dma_wait3A_347 = tpu.memref_slice %arg11[%dma_wait3A_346] : memref<100000xf32, #tpu.memory_space<hbm>> -> memref<100000xf32, #tpu.memory_space<hbm>>
    tpu.wait_indirect_dma semaphore(%arg34 : memref<!tpu.dma_semaphore, #tpu.memory_space<semaphore_mem>>) src(%dma_wait3A_347 : memref<100000xf32, #tpu.memory_space<hbm>>) dst(%dma_wait3A_342 : memref<512xf32, #tpu.memory_space<vmem>>)
    %dma_wait3A_348 = arith.constant 9 : i32
    %dma_wait3A_349 = arith.constant 9 : i32
    %dma_wait3A_350 = arith.constant 0 : i32
    %dma_wait3A_351 = tpu.memref_slice %arg23[%dma_wait3A_349, %dma_wait3A_350] : memref<15x512xf32, #tpu.memory_space<vmem>> -> memref<1x512xf32, #tpu.memory_space<vmem>>
    %dma_wait3A_352 = tpu.memref_squeeze %dma_wait3A_351 : memref<1x512xf32, #tpu.memory_space<vmem>> -> memref<512xf32, #tpu.memory_space<vmem>>
    %dma_wait3A_353 = arith.constant 0 : i32
    %dma_wait3A_354 = tpu.memref_slice %arg22[%dma_wait3A_348, %dma_wait3A_353] : memref<15x512xi32, #tpu.memory_space<vmem>> -> memref<1x512xi32, #tpu.memory_space<vmem>>
    %dma_wait3A_355 = tpu.memref_squeeze %dma_wait3A_354 : memref<1x512xi32, #tpu.memory_space<vmem>> -> memref<512xi32, #tpu.memory_space<vmem>>
    %dma_wait3A_356 = arith.constant 0 : i32
    %dma_wait3A_357 = tpu.memref_slice %arg12[%dma_wait3A_356] : memref<100000xf32, #tpu.memory_space<hbm>> -> memref<100000xf32, #tpu.memory_space<hbm>>
    tpu.wait_indirect_dma semaphore(%arg35 : memref<!tpu.dma_semaphore, #tpu.memory_space<semaphore_mem>>) src(%dma_wait3A_357 : memref<100000xf32, #tpu.memory_space<hbm>>) dst(%dma_wait3A_352 : memref<512xf32, #tpu.memory_space<vmem>>)
    %dma_wait3A_358 = arith.constant 10 : i32
    %dma_wait3A_359 = arith.constant 10 : i32
    %dma_wait3A_360 = arith.constant 0 : i32
    %dma_wait3A_361 = tpu.memref_slice %arg23[%dma_wait3A_359, %dma_wait3A_360] : memref<15x512xf32, #tpu.memory_space<vmem>> -> memref<1x512xf32, #tpu.memory_space<vmem>>
    %dma_wait3A_362 = tpu.memref_squeeze %dma_wait3A_361 : memref<1x512xf32, #tpu.memory_space<vmem>> -> memref<512xf32, #tpu.memory_space<vmem>>
    %dma_wait3A_363 = arith.constant 0 : i32
    %dma_wait3A_364 = tpu.memref_slice %arg22[%dma_wait3A_358, %dma_wait3A_363] : memref<15x512xi32, #tpu.memory_space<vmem>> -> memref<1x512xi32, #tpu.memory_space<vmem>>
    %dma_wait3A_365 = tpu.memref_squeeze %dma_wait3A_364 : memref<1x512xi32, #tpu.memory_space<vmem>> -> memref<512xi32, #tpu.memory_space<vmem>>
    %dma_wait3A_366 = arith.constant 0 : i32
    %dma_wait3A_367 = tpu.memref_slice %arg13[%dma_wait3A_366] : memref<100000xf32, #tpu.memory_space<hbm>> -> memref<100000xf32, #tpu.memory_space<hbm>>
    tpu.wait_indirect_dma semaphore(%arg36 : memref<!tpu.dma_semaphore, #tpu.memory_space<semaphore_mem>>) src(%dma_wait3A_367 : memref<100000xf32, #tpu.memory_space<hbm>>) dst(%dma_wait3A_362 : memref<512xf32, #tpu.memory_space<vmem>>)
    %dma_wait3A_368 = arith.constant 11 : i32
    %dma_wait3A_369 = arith.constant 11 : i32
    %dma_wait3A_370 = arith.constant 0 : i32
    %dma_wait3A_371 = tpu.memref_slice %arg23[%dma_wait3A_369, %dma_wait3A_370] : memref<15x512xf32, #tpu.memory_space<vmem>> -> memref<1x512xf32, #tpu.memory_space<vmem>>
    %dma_wait3A_372 = tpu.memref_squeeze %dma_wait3A_371 : memref<1x512xf32, #tpu.memory_space<vmem>> -> memref<512xf32, #tpu.memory_space<vmem>>
    %dma_wait3A_373 = arith.constant 0 : i32
    %dma_wait3A_374 = tpu.memref_slice %arg22[%dma_wait3A_368, %dma_wait3A_373] : memref<15x512xi32, #tpu.memory_space<vmem>> -> memref<1x512xi32, #tpu.memory_space<vmem>>
    %dma_wait3A_375 = tpu.memref_squeeze %dma_wait3A_374 : memref<1x512xi32, #tpu.memory_space<vmem>> -> memref<512xi32, #tpu.memory_space<vmem>>
    %dma_wait3A_376 = arith.constant 0 : i32
    %dma_wait3A_377 = tpu.memref_slice %arg14[%dma_wait3A_376] : memref<100000xf32, #tpu.memory_space<hbm>> -> memref<100000xf32, #tpu.memory_space<hbm>>
    tpu.wait_indirect_dma semaphore(%arg37 : memref<!tpu.dma_semaphore, #tpu.memory_space<semaphore_mem>>) src(%dma_wait3A_377 : memref<100000xf32, #tpu.memory_space<hbm>>) dst(%dma_wait3A_372 : memref<512xf32, #tpu.memory_space<vmem>>)
    %scan3A_378 = arith.constant 0 : i32
    %scan3A_379 = arith.constant 0 : i32
    %scan3A_380 = arith.constant 32 : i32
    %scan3A_381 = arith.addi %scan3A_379, %scan3A_380 : i32
    %scan3A_382 = arith.constant 1 : i32
    scf.for %scan3A_420 = %scan3A_379 to %scan3A_381 step %scan3A_382  : i32 {
      %mul3A_421 = arith.constant 16 : i32
      %mul3A_422 = arith.muli %scan3A_420, %mul3A_421 : i32
      %get3A = arith.index_cast %mul3A_422 : i32 to index
      %get3A_423 = tpu.vector_load %arg24[%get3A] {strides = array<i32>} : memref<512xf32, #tpu.memory_space<vmem>>, vector<16xf32>,
      %get3A_424 = arith.constant 8 : i32
      %get3A_425 = arith.index_cast %get3A_424 : i32 to index
      %get3A_426 = arith.index_cast %mul3A_422 : i32 to index
      %get3A_427 = tpu.vector_load %arg23[%get3A_425, %get3A_426] {strides = array<i32>} : memref<15x512xf32, #tpu.memory_space<vmem>>, vector<16xf32>,
      %add3A_428 = arith.addf %get3A_423, %get3A_427 : vector<16xf32>
      %get3A_429 = arith.constant 9 : i32
      %get3A_430 = arith.index_cast %get3A_429 : i32 to index
      %get3A_431 = arith.index_cast %mul3A_422 : i32 to index
      %get3A_432 = tpu.vector_load %arg23[%get3A_430, %get3A_431] {strides = array<i32>} : memref<15x512xf32, #tpu.memory_space<vmem>>, vector<16xf32>,
      %add3A_433 = arith.addf %add3A_428, %get3A_432 : vector<16xf32>
      %get3A_434 = arith.constant 10 : i32
      %get3A_435 = arith.index_cast %get3A_434 : i32 to index
      %get3A_436 = arith.index_cast %mul3A_422 : i32 to index
      %get3A_437 = tpu.vector_load %arg23[%get3A_435, %get3A_436] {strides = array<i32>} : memref<15x512xf32, #tpu.memory_space<vmem>>, vector<16xf32>,
      %add3A_438 = arith.addf %add3A_433, %get3A_437 : vector<16xf32>
      %get3A_439 = arith.constant 11 : i32
      %get3A_440 = arith.index_cast %get3A_439 : i32 to index
      %get3A_441 = arith.index_cast %mul3A_422 : i32 to index
      %get3A_442 = tpu.vector_load %arg23[%get3A_440, %get3A_441] {strides = array<i32>} : memref<15x512xf32, #tpu.memory_space<vmem>>, vector<16xf32>,
      %add3A_443 = arith.addf %add3A_438, %get3A_442 : vector<16xf32>
      %swap3A = arith.index_cast %mul3A_422 : i32 to index
      %swap3A_444 = tpu.vector_load %arg24[%swap3A] {strides = array<i32>} : memref<512xf32, #tpu.memory_space<vmem>>, vector<16xf32>,
      tpu.vector_store %arg24[%swap3A], %add3A_443 {strides = array<i32>} : memref<512xf32, #tpu.memory_space<vmem>>, vector<16xf32>,
    }
    %scan3A_383 = arith.constant 32 : i32
    %dma_wait3A_384 = arith.constant 12 : i32
    %dma_wait3A_385 = arith.constant 12 : i32
    %dma_wait3A_386 = arith.constant 0 : i32
    %dma_wait3A_387 = tpu.memref_slice %arg23[%dma_wait3A_385, %dma_wait3A_386] : memref<15x512xf32, #tpu.memory_space<vmem>> -> memref<1x512xf32, #tpu.memory_space<vmem>>
    %dma_wait3A_388 = tpu.memref_squeeze %dma_wait3A_387 : memref<1x512xf32, #tpu.memory_space<vmem>> -> memref<512xf32, #tpu.memory_space<vmem>>
    %dma_wait3A_389 = arith.constant 0 : i32
    %dma_wait3A_390 = tpu.memref_slice %arg22[%dma_wait3A_384, %dma_wait3A_389] : memref<15x512xi32, #tpu.memory_space<vmem>> -> memref<1x512xi32, #tpu.memory_space<vmem>>
    %dma_wait3A_391 = tpu.memref_squeeze %dma_wait3A_390 : memref<1x512xi32, #tpu.memory_space<vmem>> -> memref<512xi32, #tpu.memory_space<vmem>>
    %dma_wait3A_392 = arith.constant 0 : i32
    %dma_wait3A_393 = tpu.memref_slice %arg15[%dma_wait3A_392] : memref<100000xf32, #tpu.memory_space<hbm>> -> memref<100000xf32, #tpu.memory_space<hbm>>
    tpu.wait_indirect_dma semaphore(%arg38 : memref<!tpu.dma_semaphore, #tpu.memory_space<semaphore_mem>>) src(%dma_wait3A_393 : memref<100000xf32, #tpu.memory_space<hbm>>) dst(%dma_wait3A_388 : memref<512xf32, #tpu.memory_space<vmem>>)
    %dma_wait3A_394 = arith.constant 13 : i32
    %dma_wait3A_395 = arith.constant 13 : i32
    %dma_wait3A_396 = arith.constant 0 : i32
    %dma_wait3A_397 = tpu.memref_slice %arg23[%dma_wait3A_395, %dma_wait3A_396] : memref<15x512xf32, #tpu.memory_space<vmem>> -> memref<1x512xf32, #tpu.memory_space<vmem>>
    %dma_wait3A_398 = tpu.memref_squeeze %dma_wait3A_397 : memref<1x512xf32, #tpu.memory_space<vmem>> -> memref<512xf32, #tpu.memory_space<vmem>>
    %dma_wait3A_399 = arith.constant 0 : i32
    %dma_wait3A_400 = tpu.memref_slice %arg22[%dma_wait3A_394, %dma_wait3A_399] : memref<15x512xi32, #tpu.memory_space<vmem>> -> memref<1x512xi32, #tpu.memory_space<vmem>>
    %dma_wait3A_401 = tpu.memref_squeeze %dma_wait3A_400 : memref<1x512xi32, #tpu.memory_space<vmem>> -> memref<512xi32, #tpu.memory_space<vmem>>
    %dma_wait3A_402 = arith.constant 0 : i32
    %dma_wait3A_403 = tpu.memref_slice %arg16[%dma_wait3A_402] : memref<100000xf32, #tpu.memory_space<hbm>> -> memref<100000xf32, #tpu.memory_space<hbm>>
    tpu.wait_indirect_dma semaphore(%arg39 : memref<!tpu.dma_semaphore, #tpu.memory_space<semaphore_mem>>) src(%dma_wait3A_403 : memref<100000xf32, #tpu.memory_space<hbm>>) dst(%dma_wait3A_398 : memref<512xf32, #tpu.memory_space<vmem>>)
    %dma_wait3A_404 = arith.constant 14 : i32
    %dma_wait3A_405 = arith.constant 14 : i32
    %dma_wait3A_406 = arith.constant 0 : i32
    %dma_wait3A_407 = tpu.memref_slice %arg23[%dma_wait3A_405, %dma_wait3A_406] : memref<15x512xf32, #tpu.memory_space<vmem>> -> memref<1x512xf32, #tpu.memory_space<vmem>>
    %dma_wait3A_408 = tpu.memref_squeeze %dma_wait3A_407 : memref<1x512xf32, #tpu.memory_space<vmem>> -> memref<512xf32, #tpu.memory_space<vmem>>
    %dma_wait3A_409 = arith.constant 0 : i32
    %dma_wait3A_410 = tpu.memref_slice %arg22[%dma_wait3A_404, %dma_wait3A_409] : memref<15x512xi32, #tpu.memory_space<vmem>> -> memref<1x512xi32, #tpu.memory_space<vmem>>
    %dma_wait3A_411 = tpu.memref_squeeze %dma_wait3A_410 : memref<1x512xi32, #tpu.memory_space<vmem>> -> memref<512xi32, #tpu.memory_space<vmem>>
    %dma_wait3A_412 = arith.constant 0 : i32
    %dma_wait3A_413 = tpu.memref_slice %arg17[%dma_wait3A_412] : memref<100000xf32, #tpu.memory_space<hbm>> -> memref<100000xf32, #tpu.memory_space<hbm>>
    tpu.wait_indirect_dma semaphore(%arg40 : memref<!tpu.dma_semaphore, #tpu.memory_space<semaphore_mem>>) src(%dma_wait3A_413 : memref<100000xf32, #tpu.memory_space<hbm>>) dst(%dma_wait3A_408 : memref<512xf32, #tpu.memory_space<vmem>>)
    %scan3A_414 = arith.constant 0 : i32
    %scan3A_415 = arith.constant 0 : i32
    %scan3A_416 = arith.constant 32 : i32
    %scan3A_417 = arith.addi %scan3A_415, %scan3A_416 : i32
    %scan3A_418 = arith.constant 1 : i32
    scf.for %scan3A_420 = %scan3A_415 to %scan3A_417 step %scan3A_418  : i32 {
      %mul3A_421 = arith.constant 16 : i32
      %mul3A_422 = arith.muli %scan3A_420, %mul3A_421 : i32
      %get3A = arith.index_cast %mul3A_422 : i32 to index
      %get3A_423 = tpu.vector_load %arg24[%get3A] {strides = array<i32>} : memref<512xf32, #tpu.memory_space<vmem>>, vector<16xf32>,
      %get3A_424 = arith.constant 12 : i32
      %get3A_425 = arith.index_cast %get3A_424 : i32 to index
      %get3A_426 = arith.index_cast %mul3A_422 : i32 to index
      %get3A_427 = tpu.vector_load %arg23[%get3A_425, %get3A_426] {strides = array<i32>} : memref<15x512xf32, #tpu.memory_space<vmem>>, vector<16xf32>,
      %add3A_428 = arith.addf %get3A_423, %get3A_427 : vector<16xf32>
      %get3A_429 = arith.constant 13 : i32
      %get3A_430 = arith.index_cast %get3A_429 : i32 to index
      %get3A_431 = arith.index_cast %mul3A_422 : i32 to index
      %get3A_432 = tpu.vector_load %arg23[%get3A_430, %get3A_431] {strides = array<i32>} : memref<15x512xf32, #tpu.memory_space<vmem>>, vector<16xf32>,
      %add3A_433 = arith.addf %add3A_428, %get3A_432 : vector<16xf32>
      %get3A_434 = arith.constant 14 : i32
      %get3A_435 = arith.index_cast %get3A_434 : i32 to index
      %get3A_436 = arith.index_cast %mul3A_422 : i32 to index
      %get3A_437 = tpu.vector_load %arg23[%get3A_435, %get3A_436] {strides = array<i32>} : memref<15x512xf32, #tpu.memory_space<vmem>>, vector<16xf32>,
      %add3A_438 = arith.addf %add3A_433, %get3A_437 : vector<16xf32>
      %swap3A = arith.index_cast %mul3A_422 : i32 to index
      %swap3A_439 = tpu.vector_load %arg24[%swap3A] {strides = array<i32>} : memref<512xf32, #tpu.memory_space<vmem>>, vector<16xf32>,
      tpu.vector_store %arg24[%swap3A], %add3A_438 {strides = array<i32>} : memref<512xf32, #tpu.memory_space<vmem>>, vector<16xf32>,
    }
    %scan3A_419 = arith.constant 32 : i32
    "tpu.region"() ({
      %run_scoped3A = tpu.sem_alloc : memref<!tpu.dma_semaphore, #tpu.memory_space<semaphore_mem>>
      %dma_start3A_420 = tpu.memref_slice %arg19[%mul3A_2] : memref<16384xf32, #tpu.memory_space<hbm>> -> memref<512xf32, #tpu.memory_space<hbm>>
      %dma_start3A_421 = tpu.memref_slice %arg19[%mul3A_2] : memref<16384xf32, #tpu.memory_space<hbm>> -> memref<512xf32, #tpu.memory_space<hbm>>
      tpu.enqueue_dma source(%arg24 : memref<512xf32, #tpu.memory_space<vmem>>) target(%dma_start3A_421 : memref<512xf32, #tpu.memory_space<hbm>>) target_semaphore(%run_scoped3A : memref<!tpu.dma_semaphore, #tpu.memory_space<semaphore_mem>>)
      %dma_wait3A_422 = tpu.memref_slice %arg19[%mul3A_2] : memref<16384xf32, #tpu.memory_space<hbm>> -> memref<512xf32, #tpu.memory_space<hbm>>
      %dma_wait3A_423 = tpu.memref_slice %arg19[%mul3A_2] : memref<16384xf32, #tpu.memory_space<hbm>> -> memref<512xf32, #tpu.memory_space<hbm>>
      tpu.wait_dma2 semaphore(%run_scoped3A : memref<!tpu.dma_semaphore, #tpu.memory_space<semaphore_mem>>) src(%arg24 : memref<512xf32, #tpu.memory_space<vmem>>) dst(%dma_wait3A_423 : memref<512xf32, #tpu.memory_space<hbm>>)
      tpu.yield
    }) : () -> ()
    return
  }
}

#map = affine_map<(d0, d1) -> (0, 0)>
#map1 = affine_map<(d0, d1) -> (0)>
module attributes {stable_mosaic.version = 14 : i64} {
  func.func @body(%arg0: i32, %arg1: i32, %arg2: memref<39x16384xf32, #tpu.memory_space<hbm>>, %arg3: memref<100000xf32, #tpu.memory_space<hbm>>, %arg4: memref<100000xf32, #tpu.memory_space<hbm>>, %arg5: memref<100000xf32, #tpu.memory_space<hbm>>, %arg6: memref<100000xf32, #tpu.memory_space<hbm>>, %arg7: memref<100000xf32, #tpu.memory_space<hbm>>, %arg8: memref<100000xf32, #tpu.memory_space<hbm>>, %arg9: memref<100000xf32, #tpu.memory_space<hbm>>, %arg10: memref<100000xf32, #tpu.memory_space<hbm>>, %arg11: memref<100000xf32, #tpu.memory_space<hbm>>, %arg12: memref<100000xf32, #tpu.memory_space<hbm>>, %arg13: memref<100000xf32, #tpu.memory_space<hbm>>, %arg14: memref<16384xf32, #tpu.memory_space<hbm>>, %arg15: memref<16384xf32, #tpu.memory_space<hbm>>, %arg16: memref<11x512xf32, #tpu.memory_space<vmem>>, %arg17: memref<11x512xi32, #tpu.memory_space<vmem>>, %arg18: memref<11x512xf32, #tpu.memory_space<vmem>>, %arg19: memref<512xf32, #tpu.memory_space<vmem>>, %arg20: memref<!tpu.dma_semaphore, #tpu.memory_space<semaphore_mem>>, %arg21: memref<!tpu.dma_semaphore, #tpu.memory_space<semaphore_mem>>, %arg22: memref<!tpu.dma_semaphore, #tpu.memory_space<semaphore_mem>>, %arg23: memref<!tpu.dma_semaphore, #tpu.memory_space<semaphore_mem>>, %arg24: memref<!tpu.dma_semaphore, #tpu.memory_space<semaphore_mem>>, %arg25: memref<!tpu.dma_semaphore, #tpu.memory_space<semaphore_mem>>, %arg26: memref<!tpu.dma_semaphore, #tpu.memory_space<semaphore_mem>>, %arg27: memref<!tpu.dma_semaphore, #tpu.memory_space<semaphore_mem>>, %arg28: memref<!tpu.dma_semaphore, #tpu.memory_space<semaphore_mem>>, %arg29: memref<!tpu.dma_semaphore, #tpu.memory_space<semaphore_mem>>, %arg30: memref<!tpu.dma_semaphore, #tpu.memory_space<semaphore_mem>>) attributes {dimension_semantics = [#tpu.dimension_semantics<core_parallel>, #tpu.dimension_semantics<subcore_parallel>], iteration_bounds = array<i64: 2, 16>, scalar_prefetch = 0 : i64, scratch_operands = 15 : i64, tpu.core_type = #tpu.core_type<sc_vector_subcore>, window_params = [{transform_indices = #map}, {transform_indices = #map1}, {transform_indices = #map1}, {transform_indices = #map1}, {transform_indices = #map1}, {transform_indices = #map1}, {transform_indices = #map1}, {transform_indices = #map1}, {transform_indices = #map1}, {transform_indices = #map1}, {transform_indices = #map1}, {transform_indices = #map1}, {transform_indices = #map1}, {transform_indices = #map1}]} {
    %mul3A = arith.constant 2 : i32
    %mul3A_0 = arith.muli %arg1, %mul3A : i32
    %add3A = arith.addi %mul3A_0, %arg0 : i32
    %mul3A_1 = arith.constant 512 : i32
    %mul3A_2 = arith.muli %add3A, %mul3A_1 : i32
    "tpu.region"() ({
      %run_scoped3A = tpu.sem_alloc : memref<!tpu.dma_semaphore, #tpu.memory_space<semaphore_mem>>
      %dma_start3A_304 = arith.constant 15 : i32
      %dma_start3A_305 = tpu.memref_slice %arg2[%dma_start3A_304, %mul3A_2] : memref<39x16384xf32, #tpu.memory_space<hbm>> -> memref<11x512xf32, #tpu.memory_space<hbm>>
      %dma_start3A_306 = arith.constant 15 : i32
      %dma_start3A_307 = tpu.memref_slice %arg2[%dma_start3A_306, %mul3A_2] : memref<39x16384xf32, #tpu.memory_space<hbm>> -> memref<11x512xf32, #tpu.memory_space<hbm>>
      tpu.enqueue_dma source(%dma_start3A_307 : memref<11x512xf32, #tpu.memory_space<hbm>>) target(%arg16 : memref<11x512xf32, #tpu.memory_space<vmem>>) target_semaphore(%run_scoped3A : memref<!tpu.dma_semaphore, #tpu.memory_space<semaphore_mem>>)
      %dma_wait3A_308 = arith.constant 15 : i32
      %dma_wait3A_309 = tpu.memref_slice %arg2[%dma_wait3A_308, %mul3A_2] : memref<39x16384xf32, #tpu.memory_space<hbm>> -> memref<11x512xf32, #tpu.memory_space<hbm>>
      %dma_wait3A_310 = arith.constant 15 : i32
      %dma_wait3A_311 = tpu.memref_slice %arg2[%dma_wait3A_310, %mul3A_2] : memref<39x16384xf32, #tpu.memory_space<hbm>> -> memref<11x512xf32, #tpu.memory_space<hbm>>
      tpu.wait_dma2 semaphore(%run_scoped3A : memref<!tpu.dma_semaphore, #tpu.memory_space<semaphore_mem>>) src(%dma_wait3A_311 : memref<11x512xf32, #tpu.memory_space<hbm>>) dst(%arg16 : memref<11x512xf32, #tpu.memory_space<vmem>>)
      tpu.yield
    }) : () -> ()
    "tpu.region"() ({
      %run_scoped3A = tpu.sem_alloc : memref<!tpu.dma_semaphore, #tpu.memory_space<semaphore_mem>>
      %dma_start3A_304 = tpu.memref_slice %arg14[%mul3A_2] : memref<16384xf32, #tpu.memory_space<hbm>> -> memref<512xf32, #tpu.memory_space<hbm>>
      %dma_start3A_305 = tpu.memref_slice %arg14[%mul3A_2] : memref<16384xf32, #tpu.memory_space<hbm>> -> memref<512xf32, #tpu.memory_space<hbm>>
      tpu.enqueue_dma source(%dma_start3A_305 : memref<512xf32, #tpu.memory_space<hbm>>) target(%arg19 : memref<512xf32, #tpu.memory_space<vmem>>) target_semaphore(%run_scoped3A : memref<!tpu.dma_semaphore, #tpu.memory_space<semaphore_mem>>)
      %dma_wait3A_306 = tpu.memref_slice %arg14[%mul3A_2] : memref<16384xf32, #tpu.memory_space<hbm>> -> memref<512xf32, #tpu.memory_space<hbm>>
      %dma_wait3A_307 = tpu.memref_slice %arg14[%mul3A_2] : memref<16384xf32, #tpu.memory_space<hbm>> -> memref<512xf32, #tpu.memory_space<hbm>>
      tpu.wait_dma2 semaphore(%run_scoped3A : memref<!tpu.dma_semaphore, #tpu.memory_space<semaphore_mem>>) src(%dma_wait3A_307 : memref<512xf32, #tpu.memory_space<hbm>>) dst(%arg19 : memref<512xf32, #tpu.memory_space<vmem>>)
      tpu.yield
    }) : () -> ()
    %scan3A = arith.constant 0 : i32
    %scan3A_3 = arith.constant 0 : i32
    %scan3A_4 = arith.constant 32 : i32
    %scan3A_5 = arith.addi %scan3A_3, %scan3A_4 : i32
    %scan3A_6 = arith.constant 1 : i32
    scf.for %scan3A_304 = %scan3A_3 to %scan3A_5 step %scan3A_6  : i32 {
      %mul3A_305 = arith.constant 16 : i32
      %mul3A_306 = arith.muli %scan3A_304, %mul3A_305 : i32
      %get3A = arith.constant 0 : i32
      %get3A_307 = arith.index_cast %get3A : i32 to index
      %get3A_308 = arith.index_cast %mul3A_306 : i32 to index
      %get3A_309 = tpu.vector_load %arg16[%get3A_307, %get3A_308] {strides = array<i32>} : memref<11x512xf32, #tpu.memory_space<vmem>>, vector<16xf32>,
      %convert_element_type3A = arith.fptosi %get3A_309 : vector<16xf32> to vector<16xi32>
      %swap3A = arith.constant 0 : i32
      %swap3A_310 = arith.index_cast %swap3A : i32 to index
      %swap3A_311 = arith.index_cast %mul3A_306 : i32 to index
      %swap3A_312 = tpu.vector_load %arg17[%swap3A_310, %swap3A_311] {strides = array<i32>} : memref<11x512xi32, #tpu.memory_space<vmem>>, vector<16xi32>,
      tpu.vector_store %arg17[%swap3A_310, %swap3A_311], %convert_element_type3A {strides = array<i32>} : memref<11x512xi32, #tpu.memory_space<vmem>>, vector<16xi32>,
    }
    %scan3A_7 = arith.constant 32 : i32
    %dma_start3A = arith.constant 0 : i32
    %dma_start3A_8 = arith.constant 0 : i32
    %dma_start3A_9 = arith.constant 0 : i32
    %dma_start3A_10 = tpu.memref_slice %arg18[%dma_start3A_8, %dma_start3A_9] : memref<11x512xf32, #tpu.memory_space<vmem>> -> memref<1x512xf32, #tpu.memory_space<vmem>>
    %dma_start3A_11 = tpu.memref_squeeze %dma_start3A_10 : memref<1x512xf32, #tpu.memory_space<vmem>> -> memref<512xf32, #tpu.memory_space<vmem>>
    %dma_start3A_12 = arith.constant 0 : i32
    %dma_start3A_13 = tpu.memref_slice %arg17[%dma_start3A, %dma_start3A_12] : memref<11x512xi32, #tpu.memory_space<vmem>> -> memref<1x512xi32, #tpu.memory_space<vmem>>
    %dma_start3A_14 = tpu.memref_squeeze %dma_start3A_13 : memref<1x512xi32, #tpu.memory_space<vmem>> -> memref<512xi32, #tpu.memory_space<vmem>>
    %dma_start3A_15 = arith.constant 0 : i32
    %dma_start3A_16 = tpu.memref_slice %arg3[%dma_start3A_15] : memref<100000xf32, #tpu.memory_space<hbm>> -> memref<100000xf32, #tpu.memory_space<hbm>>
    tpu.enqueue_indirect_dma source(%dma_start3A_16 : memref<100000xf32, #tpu.memory_space<hbm>>) target(%dma_start3A_11 : memref<512xf32, #tpu.memory_space<vmem>>) offsets(%dma_start3A_14 : memref<512xi32, #tpu.memory_space<vmem>>) semaphore(%arg20 : memref<!tpu.dma_semaphore, #tpu.memory_space<semaphore_mem>>)
    %scan3A_17 = arith.constant 0 : i32
    %scan3A_18 = arith.constant 0 : i32
    %scan3A_19 = arith.constant 32 : i32
    %scan3A_20 = arith.addi %scan3A_18, %scan3A_19 : i32
    %scan3A_21 = arith.constant 1 : i32
    scf.for %scan3A_304 = %scan3A_18 to %scan3A_20 step %scan3A_21  : i32 {
      %mul3A_305 = arith.constant 16 : i32
      %mul3A_306 = arith.muli %scan3A_304, %mul3A_305 : i32
      %get3A = arith.constant 1 : i32
      %get3A_307 = arith.index_cast %get3A : i32 to index
      %get3A_308 = arith.index_cast %mul3A_306 : i32 to index
      %get3A_309 = tpu.vector_load %arg16[%get3A_307, %get3A_308] {strides = array<i32>} : memref<11x512xf32, #tpu.memory_space<vmem>>, vector<16xf32>,
      %convert_element_type3A = arith.fptosi %get3A_309 : vector<16xf32> to vector<16xi32>
      %swap3A = arith.constant 1 : i32
      %swap3A_310 = arith.index_cast %swap3A : i32 to index
      %swap3A_311 = arith.index_cast %mul3A_306 : i32 to index
      %swap3A_312 = tpu.vector_load %arg17[%swap3A_310, %swap3A_311] {strides = array<i32>} : memref<11x512xi32, #tpu.memory_space<vmem>>, vector<16xi32>,
      tpu.vector_store %arg17[%swap3A_310, %swap3A_311], %convert_element_type3A {strides = array<i32>} : memref<11x512xi32, #tpu.memory_space<vmem>>, vector<16xi32>,
    }
    %scan3A_22 = arith.constant 32 : i32
    %dma_start3A_23 = arith.constant 1 : i32
    %dma_start3A_24 = arith.constant 1 : i32
    %dma_start3A_25 = arith.constant 0 : i32
    %dma_start3A_26 = tpu.memref_slice %arg18[%dma_start3A_24, %dma_start3A_25] : memref<11x512xf32, #tpu.memory_space<vmem>> -> memref<1x512xf32, #tpu.memory_space<vmem>>
    %dma_start3A_27 = tpu.memref_squeeze %dma_start3A_26 : memref<1x512xf32, #tpu.memory_space<vmem>> -> memref<512xf32, #tpu.memory_space<vmem>>
    %dma_start3A_28 = arith.constant 0 : i32
    %dma_start3A_29 = tpu.memref_slice %arg17[%dma_start3A_23, %dma_start3A_28] : memref<11x512xi32, #tpu.memory_space<vmem>> -> memref<1x512xi32, #tpu.memory_space<vmem>>
    %dma_start3A_30 = tpu.memref_squeeze %dma_start3A_29 : memref<1x512xi32, #tpu.memory_space<vmem>> -> memref<512xi32, #tpu.memory_space<vmem>>
    %dma_start3A_31 = arith.constant 0 : i32
    %dma_start3A_32 = tpu.memref_slice %arg4[%dma_start3A_31] : memref<100000xf32, #tpu.memory_space<hbm>> -> memref<100000xf32, #tpu.memory_space<hbm>>
    tpu.enqueue_indirect_dma source(%dma_start3A_32 : memref<100000xf32, #tpu.memory_space<hbm>>) target(%dma_start3A_27 : memref<512xf32, #tpu.memory_space<vmem>>) offsets(%dma_start3A_30 : memref<512xi32, #tpu.memory_space<vmem>>) semaphore(%arg21 : memref<!tpu.dma_semaphore, #tpu.memory_space<semaphore_mem>>)
    %scan3A_33 = arith.constant 0 : i32
    %scan3A_34 = arith.constant 0 : i32
    %scan3A_35 = arith.constant 32 : i32
    %scan3A_36 = arith.addi %scan3A_34, %scan3A_35 : i32
    %scan3A_37 = arith.constant 1 : i32
    scf.for %scan3A_304 = %scan3A_34 to %scan3A_36 step %scan3A_37  : i32 {
      %mul3A_305 = arith.constant 16 : i32
      %mul3A_306 = arith.muli %scan3A_304, %mul3A_305 : i32
      %get3A = arith.constant 2 : i32
      %get3A_307 = arith.index_cast %get3A : i32 to index
      %get3A_308 = arith.index_cast %mul3A_306 : i32 to index
      %get3A_309 = tpu.vector_load %arg16[%get3A_307, %get3A_308] {strides = array<i32>} : memref<11x512xf32, #tpu.memory_space<vmem>>, vector<16xf32>,
      %convert_element_type3A = arith.fptosi %get3A_309 : vector<16xf32> to vector<16xi32>
      %swap3A = arith.constant 2 : i32
      %swap3A_310 = arith.index_cast %swap3A : i32 to index
      %swap3A_311 = arith.index_cast %mul3A_306 : i32 to index
      %swap3A_312 = tpu.vector_load %arg17[%swap3A_310, %swap3A_311] {strides = array<i32>} : memref<11x512xi32, #tpu.memory_space<vmem>>, vector<16xi32>,
      tpu.vector_store %arg17[%swap3A_310, %swap3A_311], %convert_element_type3A {strides = array<i32>} : memref<11x512xi32, #tpu.memory_space<vmem>>, vector<16xi32>,
    }
    %scan3A_38 = arith.constant 32 : i32
    %dma_start3A_39 = arith.constant 2 : i32
    %dma_start3A_40 = arith.constant 2 : i32
    %dma_start3A_41 = arith.constant 0 : i32
    %dma_start3A_42 = tpu.memref_slice %arg18[%dma_start3A_40, %dma_start3A_41] : memref<11x512xf32, #tpu.memory_space<vmem>> -> memref<1x512xf32, #tpu.memory_space<vmem>>
    %dma_start3A_43 = tpu.memref_squeeze %dma_start3A_42 : memref<1x512xf32, #tpu.memory_space<vmem>> -> memref<512xf32, #tpu.memory_space<vmem>>
    %dma_start3A_44 = arith.constant 0 : i32
    %dma_start3A_45 = tpu.memref_slice %arg17[%dma_start3A_39, %dma_start3A_44] : memref<11x512xi32, #tpu.memory_space<vmem>> -> memref<1x512xi32, #tpu.memory_space<vmem>>
    %dma_start3A_46 = tpu.memref_squeeze %dma_start3A_45 : memref<1x512xi32, #tpu.memory_space<vmem>> -> memref<512xi32, #tpu.memory_space<vmem>>
    %dma_start3A_47 = arith.constant 0 : i32
    %dma_start3A_48 = tpu.memref_slice %arg5[%dma_start3A_47] : memref<100000xf32, #tpu.memory_space<hbm>> -> memref<100000xf32, #tpu.memory_space<hbm>>
    tpu.enqueue_indirect_dma source(%dma_start3A_48 : memref<100000xf32, #tpu.memory_space<hbm>>) target(%dma_start3A_43 : memref<512xf32, #tpu.memory_space<vmem>>) offsets(%dma_start3A_46 : memref<512xi32, #tpu.memory_space<vmem>>) semaphore(%arg22 : memref<!tpu.dma_semaphore, #tpu.memory_space<semaphore_mem>>)
    %scan3A_49 = arith.constant 0 : i32
    %scan3A_50 = arith.constant 0 : i32
    %scan3A_51 = arith.constant 32 : i32
    %scan3A_52 = arith.addi %scan3A_50, %scan3A_51 : i32
    %scan3A_53 = arith.constant 1 : i32
    scf.for %scan3A_304 = %scan3A_50 to %scan3A_52 step %scan3A_53  : i32 {
      %mul3A_305 = arith.constant 16 : i32
      %mul3A_306 = arith.muli %scan3A_304, %mul3A_305 : i32
      %get3A = arith.constant 3 : i32
      %get3A_307 = arith.index_cast %get3A : i32 to index
      %get3A_308 = arith.index_cast %mul3A_306 : i32 to index
      %get3A_309 = tpu.vector_load %arg16[%get3A_307, %get3A_308] {strides = array<i32>} : memref<11x512xf32, #tpu.memory_space<vmem>>, vector<16xf32>,
      %convert_element_type3A = arith.fptosi %get3A_309 : vector<16xf32> to vector<16xi32>
      %swap3A = arith.constant 3 : i32
      %swap3A_310 = arith.index_cast %swap3A : i32 to index
      %swap3A_311 = arith.index_cast %mul3A_306 : i32 to index
      %swap3A_312 = tpu.vector_load %arg17[%swap3A_310, %swap3A_311] {strides = array<i32>} : memref<11x512xi32, #tpu.memory_space<vmem>>, vector<16xi32>,
      tpu.vector_store %arg17[%swap3A_310, %swap3A_311], %convert_element_type3A {strides = array<i32>} : memref<11x512xi32, #tpu.memory_space<vmem>>, vector<16xi32>,
    }
    %scan3A_54 = arith.constant 32 : i32
    %dma_start3A_55 = arith.constant 3 : i32
    %dma_start3A_56 = arith.constant 3 : i32
    %dma_start3A_57 = arith.constant 0 : i32
    %dma_start3A_58 = tpu.memref_slice %arg18[%dma_start3A_56, %dma_start3A_57] : memref<11x512xf32, #tpu.memory_space<vmem>> -> memref<1x512xf32, #tpu.memory_space<vmem>>
    %dma_start3A_59 = tpu.memref_squeeze %dma_start3A_58 : memref<1x512xf32, #tpu.memory_space<vmem>> -> memref<512xf32, #tpu.memory_space<vmem>>
    %dma_start3A_60 = arith.constant 0 : i32
    %dma_start3A_61 = tpu.memref_slice %arg17[%dma_start3A_55, %dma_start3A_60] : memref<11x512xi32, #tpu.memory_space<vmem>> -> memref<1x512xi32, #tpu.memory_space<vmem>>
    %dma_start3A_62 = tpu.memref_squeeze %dma_start3A_61 : memref<1x512xi32, #tpu.memory_space<vmem>> -> memref<512xi32, #tpu.memory_space<vmem>>
    %dma_start3A_63 = arith.constant 0 : i32
    %dma_start3A_64 = tpu.memref_slice %arg6[%dma_start3A_63] : memref<100000xf32, #tpu.memory_space<hbm>> -> memref<100000xf32, #tpu.memory_space<hbm>>
    tpu.enqueue_indirect_dma source(%dma_start3A_64 : memref<100000xf32, #tpu.memory_space<hbm>>) target(%dma_start3A_59 : memref<512xf32, #tpu.memory_space<vmem>>) offsets(%dma_start3A_62 : memref<512xi32, #tpu.memory_space<vmem>>) semaphore(%arg23 : memref<!tpu.dma_semaphore, #tpu.memory_space<semaphore_mem>>)
    %scan3A_65 = arith.constant 0 : i32
    %scan3A_66 = arith.constant 0 : i32
    %scan3A_67 = arith.constant 32 : i32
    %scan3A_68 = arith.addi %scan3A_66, %scan3A_67 : i32
    %scan3A_69 = arith.constant 1 : i32
    scf.for %scan3A_304 = %scan3A_66 to %scan3A_68 step %scan3A_69  : i32 {
      %mul3A_305 = arith.constant 16 : i32
      %mul3A_306 = arith.muli %scan3A_304, %mul3A_305 : i32
      %get3A = arith.constant 4 : i32
      %get3A_307 = arith.index_cast %get3A : i32 to index
      %get3A_308 = arith.index_cast %mul3A_306 : i32 to index
      %get3A_309 = tpu.vector_load %arg16[%get3A_307, %get3A_308] {strides = array<i32>} : memref<11x512xf32, #tpu.memory_space<vmem>>, vector<16xf32>,
      %convert_element_type3A = arith.fptosi %get3A_309 : vector<16xf32> to vector<16xi32>
      %swap3A = arith.constant 4 : i32
      %swap3A_310 = arith.index_cast %swap3A : i32 to index
      %swap3A_311 = arith.index_cast %mul3A_306 : i32 to index
      %swap3A_312 = tpu.vector_load %arg17[%swap3A_310, %swap3A_311] {strides = array<i32>} : memref<11x512xi32, #tpu.memory_space<vmem>>, vector<16xi32>,
      tpu.vector_store %arg17[%swap3A_310, %swap3A_311], %convert_element_type3A {strides = array<i32>} : memref<11x512xi32, #tpu.memory_space<vmem>>, vector<16xi32>,
    }
    %scan3A_70 = arith.constant 32 : i32
    %dma_start3A_71 = arith.constant 4 : i32
    %dma_start3A_72 = arith.constant 4 : i32
    %dma_start3A_73 = arith.constant 0 : i32
    %dma_start3A_74 = tpu.memref_slice %arg18[%dma_start3A_72, %dma_start3A_73] : memref<11x512xf32, #tpu.memory_space<vmem>> -> memref<1x512xf32, #tpu.memory_space<vmem>>
    %dma_start3A_75 = tpu.memref_squeeze %dma_start3A_74 : memref<1x512xf32, #tpu.memory_space<vmem>> -> memref<512xf32, #tpu.memory_space<vmem>>
    %dma_start3A_76 = arith.constant 0 : i32
    %dma_start3A_77 = tpu.memref_slice %arg17[%dma_start3A_71, %dma_start3A_76] : memref<11x512xi32, #tpu.memory_space<vmem>> -> memref<1x512xi32, #tpu.memory_space<vmem>>
    %dma_start3A_78 = tpu.memref_squeeze %dma_start3A_77 : memref<1x512xi32, #tpu.memory_space<vmem>> -> memref<512xi32, #tpu.memory_space<vmem>>
    %dma_start3A_79 = arith.constant 0 : i32
    %dma_start3A_80 = tpu.memref_slice %arg7[%dma_start3A_79] : memref<100000xf32, #tpu.memory_space<hbm>> -> memref<100000xf32, #tpu.memory_space<hbm>>
    tpu.enqueue_indirect_dma source(%dma_start3A_80 : memref<100000xf32, #tpu.memory_space<hbm>>) target(%dma_start3A_75 : memref<512xf32, #tpu.memory_space<vmem>>) offsets(%dma_start3A_78 : memref<512xi32, #tpu.memory_space<vmem>>) semaphore(%arg24 : memref<!tpu.dma_semaphore, #tpu.memory_space<semaphore_mem>>)
    %scan3A_81 = arith.constant 0 : i32
    %scan3A_82 = arith.constant 0 : i32
    %scan3A_83 = arith.constant 32 : i32
    %scan3A_84 = arith.addi %scan3A_82, %scan3A_83 : i32
    %scan3A_85 = arith.constant 1 : i32
    scf.for %scan3A_304 = %scan3A_82 to %scan3A_84 step %scan3A_85  : i32 {
      %mul3A_305 = arith.constant 16 : i32
      %mul3A_306 = arith.muli %scan3A_304, %mul3A_305 : i32
      %get3A = arith.constant 5 : i32
      %get3A_307 = arith.index_cast %get3A : i32 to index
      %get3A_308 = arith.index_cast %mul3A_306 : i32 to index
      %get3A_309 = tpu.vector_load %arg16[%get3A_307, %get3A_308] {strides = array<i32>} : memref<11x512xf32, #tpu.memory_space<vmem>>, vector<16xf32>,
      %convert_element_type3A = arith.fptosi %get3A_309 : vector<16xf32> to vector<16xi32>
      %swap3A = arith.constant 5 : i32
      %swap3A_310 = arith.index_cast %swap3A : i32 to index
      %swap3A_311 = arith.index_cast %mul3A_306 : i32 to index
      %swap3A_312 = tpu.vector_load %arg17[%swap3A_310, %swap3A_311] {strides = array<i32>} : memref<11x512xi32, #tpu.memory_space<vmem>>, vector<16xi32>,
      tpu.vector_store %arg17[%swap3A_310, %swap3A_311], %convert_element_type3A {strides = array<i32>} : memref<11x512xi32, #tpu.memory_space<vmem>>, vector<16xi32>,
    }
    %scan3A_86 = arith.constant 32 : i32
    %dma_start3A_87 = arith.constant 5 : i32
    %dma_start3A_88 = arith.constant 5 : i32
    %dma_start3A_89 = arith.constant 0 : i32
    %dma_start3A_90 = tpu.memref_slice %arg18[%dma_start3A_88, %dma_start3A_89] : memref<11x512xf32, #tpu.memory_space<vmem>> -> memref<1x512xf32, #tpu.memory_space<vmem>>
    %dma_start3A_91 = tpu.memref_squeeze %dma_start3A_90 : memref<1x512xf32, #tpu.memory_space<vmem>> -> memref<512xf32, #tpu.memory_space<vmem>>
    %dma_start3A_92 = arith.constant 0 : i32
    %dma_start3A_93 = tpu.memref_slice %arg17[%dma_start3A_87, %dma_start3A_92] : memref<11x512xi32, #tpu.memory_space<vmem>> -> memref<1x512xi32, #tpu.memory_space<vmem>>
    %dma_start3A_94 = tpu.memref_squeeze %dma_start3A_93 : memref<1x512xi32, #tpu.memory_space<vmem>> -> memref<512xi32, #tpu.memory_space<vmem>>
    %dma_start3A_95 = arith.constant 0 : i32
    %dma_start3A_96 = tpu.memref_slice %arg8[%dma_start3A_95] : memref<100000xf32, #tpu.memory_space<hbm>> -> memref<100000xf32, #tpu.memory_space<hbm>>
    tpu.enqueue_indirect_dma source(%dma_start3A_96 : memref<100000xf32, #tpu.memory_space<hbm>>) target(%dma_start3A_91 : memref<512xf32, #tpu.memory_space<vmem>>) offsets(%dma_start3A_94 : memref<512xi32, #tpu.memory_space<vmem>>) semaphore(%arg25 : memref<!tpu.dma_semaphore, #tpu.memory_space<semaphore_mem>>)
    %scan3A_97 = arith.constant 0 : i32
    %scan3A_98 = arith.constant 0 : i32
    %scan3A_99 = arith.constant 32 : i32
    %scan3A_100 = arith.addi %scan3A_98, %scan3A_99 : i32
    %scan3A_101 = arith.constant 1 : i32
    scf.for %scan3A_304 = %scan3A_98 to %scan3A_100 step %scan3A_101  : i32 {
      %mul3A_305 = arith.constant 16 : i32
      %mul3A_306 = arith.muli %scan3A_304, %mul3A_305 : i32
      %get3A = arith.constant 6 : i32
      %get3A_307 = arith.index_cast %get3A : i32 to index
      %get3A_308 = arith.index_cast %mul3A_306 : i32 to index
      %get3A_309 = tpu.vector_load %arg16[%get3A_307, %get3A_308] {strides = array<i32>} : memref<11x512xf32, #tpu.memory_space<vmem>>, vector<16xf32>,
      %convert_element_type3A = arith.fptosi %get3A_309 : vector<16xf32> to vector<16xi32>
      %swap3A = arith.constant 6 : i32
      %swap3A_310 = arith.index_cast %swap3A : i32 to index
      %swap3A_311 = arith.index_cast %mul3A_306 : i32 to index
      %swap3A_312 = tpu.vector_load %arg17[%swap3A_310, %swap3A_311] {strides = array<i32>} : memref<11x512xi32, #tpu.memory_space<vmem>>, vector<16xi32>,
      tpu.vector_store %arg17[%swap3A_310, %swap3A_311], %convert_element_type3A {strides = array<i32>} : memref<11x512xi32, #tpu.memory_space<vmem>>, vector<16xi32>,
    }
    %scan3A_102 = arith.constant 32 : i32
    %dma_start3A_103 = arith.constant 6 : i32
    %dma_start3A_104 = arith.constant 6 : i32
    %dma_start3A_105 = arith.constant 0 : i32
    %dma_start3A_106 = tpu.memref_slice %arg18[%dma_start3A_104, %dma_start3A_105] : memref<11x512xf32, #tpu.memory_space<vmem>> -> memref<1x512xf32, #tpu.memory_space<vmem>>
    %dma_start3A_107 = tpu.memref_squeeze %dma_start3A_106 : memref<1x512xf32, #tpu.memory_space<vmem>> -> memref<512xf32, #tpu.memory_space<vmem>>
    %dma_start3A_108 = arith.constant 0 : i32
    %dma_start3A_109 = tpu.memref_slice %arg17[%dma_start3A_103, %dma_start3A_108] : memref<11x512xi32, #tpu.memory_space<vmem>> -> memref<1x512xi32, #tpu.memory_space<vmem>>
    %dma_start3A_110 = tpu.memref_squeeze %dma_start3A_109 : memref<1x512xi32, #tpu.memory_space<vmem>> -> memref<512xi32, #tpu.memory_space<vmem>>
    %dma_start3A_111 = arith.constant 0 : i32
    %dma_start3A_112 = tpu.memref_slice %arg9[%dma_start3A_111] : memref<100000xf32, #tpu.memory_space<hbm>> -> memref<100000xf32, #tpu.memory_space<hbm>>
    tpu.enqueue_indirect_dma source(%dma_start3A_112 : memref<100000xf32, #tpu.memory_space<hbm>>) target(%dma_start3A_107 : memref<512xf32, #tpu.memory_space<vmem>>) offsets(%dma_start3A_110 : memref<512xi32, #tpu.memory_space<vmem>>) semaphore(%arg26 : memref<!tpu.dma_semaphore, #tpu.memory_space<semaphore_mem>>)
    %scan3A_113 = arith.constant 0 : i32
    %scan3A_114 = arith.constant 0 : i32
    %scan3A_115 = arith.constant 32 : i32
    %scan3A_116 = arith.addi %scan3A_114, %scan3A_115 : i32
    %scan3A_117 = arith.constant 1 : i32
    scf.for %scan3A_304 = %scan3A_114 to %scan3A_116 step %scan3A_117  : i32 {
      %mul3A_305 = arith.constant 16 : i32
      %mul3A_306 = arith.muli %scan3A_304, %mul3A_305 : i32
      %get3A = arith.constant 7 : i32
      %get3A_307 = arith.index_cast %get3A : i32 to index
      %get3A_308 = arith.index_cast %mul3A_306 : i32 to index
      %get3A_309 = tpu.vector_load %arg16[%get3A_307, %get3A_308] {strides = array<i32>} : memref<11x512xf32, #tpu.memory_space<vmem>>, vector<16xf32>,
      %convert_element_type3A = arith.fptosi %get3A_309 : vector<16xf32> to vector<16xi32>
      %swap3A = arith.constant 7 : i32
      %swap3A_310 = arith.index_cast %swap3A : i32 to index
      %swap3A_311 = arith.index_cast %mul3A_306 : i32 to index
      %swap3A_312 = tpu.vector_load %arg17[%swap3A_310, %swap3A_311] {strides = array<i32>} : memref<11x512xi32, #tpu.memory_space<vmem>>, vector<16xi32>,
      tpu.vector_store %arg17[%swap3A_310, %swap3A_311], %convert_element_type3A {strides = array<i32>} : memref<11x512xi32, #tpu.memory_space<vmem>>, vector<16xi32>,
    }
    %scan3A_118 = arith.constant 32 : i32
    %dma_start3A_119 = arith.constant 7 : i32
    %dma_start3A_120 = arith.constant 7 : i32
    %dma_start3A_121 = arith.constant 0 : i32
    %dma_start3A_122 = tpu.memref_slice %arg18[%dma_start3A_120, %dma_start3A_121] : memref<11x512xf32, #tpu.memory_space<vmem>> -> memref<1x512xf32, #tpu.memory_space<vmem>>
    %dma_start3A_123 = tpu.memref_squeeze %dma_start3A_122 : memref<1x512xf32, #tpu.memory_space<vmem>> -> memref<512xf32, #tpu.memory_space<vmem>>
    %dma_start3A_124 = arith.constant 0 : i32
    %dma_start3A_125 = tpu.memref_slice %arg17[%dma_start3A_119, %dma_start3A_124] : memref<11x512xi32, #tpu.memory_space<vmem>> -> memref<1x512xi32, #tpu.memory_space<vmem>>
    %dma_start3A_126 = tpu.memref_squeeze %dma_start3A_125 : memref<1x512xi32, #tpu.memory_space<vmem>> -> memref<512xi32, #tpu.memory_space<vmem>>
    %dma_start3A_127 = arith.constant 0 : i32
    %dma_start3A_128 = tpu.memref_slice %arg10[%dma_start3A_127] : memref<100000xf32, #tpu.memory_space<hbm>> -> memref<100000xf32, #tpu.memory_space<hbm>>
    tpu.enqueue_indirect_dma source(%dma_start3A_128 : memref<100000xf32, #tpu.memory_space<hbm>>) target(%dma_start3A_123 : memref<512xf32, #tpu.memory_space<vmem>>) offsets(%dma_start3A_126 : memref<512xi32, #tpu.memory_space<vmem>>) semaphore(%arg27 : memref<!tpu.dma_semaphore, #tpu.memory_space<semaphore_mem>>)
    %scan3A_129 = arith.constant 0 : i32
    %scan3A_130 = arith.constant 0 : i32
    %scan3A_131 = arith.constant 32 : i32
    %scan3A_132 = arith.addi %scan3A_130, %scan3A_131 : i32
    %scan3A_133 = arith.constant 1 : i32
    scf.for %scan3A_304 = %scan3A_130 to %scan3A_132 step %scan3A_133  : i32 {
      %mul3A_305 = arith.constant 16 : i32
      %mul3A_306 = arith.muli %scan3A_304, %mul3A_305 : i32
      %get3A = arith.constant 8 : i32
      %get3A_307 = arith.index_cast %get3A : i32 to index
      %get3A_308 = arith.index_cast %mul3A_306 : i32 to index
      %get3A_309 = tpu.vector_load %arg16[%get3A_307, %get3A_308] {strides = array<i32>} : memref<11x512xf32, #tpu.memory_space<vmem>>, vector<16xf32>,
      %convert_element_type3A = arith.fptosi %get3A_309 : vector<16xf32> to vector<16xi32>
      %swap3A = arith.constant 8 : i32
      %swap3A_310 = arith.index_cast %swap3A : i32 to index
      %swap3A_311 = arith.index_cast %mul3A_306 : i32 to index
      %swap3A_312 = tpu.vector_load %arg17[%swap3A_310, %swap3A_311] {strides = array<i32>} : memref<11x512xi32, #tpu.memory_space<vmem>>, vector<16xi32>,
      tpu.vector_store %arg17[%swap3A_310, %swap3A_311], %convert_element_type3A {strides = array<i32>} : memref<11x512xi32, #tpu.memory_space<vmem>>, vector<16xi32>,
    }
    %scan3A_134 = arith.constant 32 : i32
    %dma_start3A_135 = arith.constant 8 : i32
    %dma_start3A_136 = arith.constant 8 : i32
    %dma_start3A_137 = arith.constant 0 : i32
    %dma_start3A_138 = tpu.memref_slice %arg18[%dma_start3A_136, %dma_start3A_137] : memref<11x512xf32, #tpu.memory_space<vmem>> -> memref<1x512xf32, #tpu.memory_space<vmem>>
    %dma_start3A_139 = tpu.memref_squeeze %dma_start3A_138 : memref<1x512xf32, #tpu.memory_space<vmem>> -> memref<512xf32, #tpu.memory_space<vmem>>
    %dma_start3A_140 = arith.constant 0 : i32
    %dma_start3A_141 = tpu.memref_slice %arg17[%dma_start3A_135, %dma_start3A_140] : memref<11x512xi32, #tpu.memory_space<vmem>> -> memref<1x512xi32, #tpu.memory_space<vmem>>
    %dma_start3A_142 = tpu.memref_squeeze %dma_start3A_141 : memref<1x512xi32, #tpu.memory_space<vmem>> -> memref<512xi32, #tpu.memory_space<vmem>>
    %dma_start3A_143 = arith.constant 0 : i32
    %dma_start3A_144 = tpu.memref_slice %arg11[%dma_start3A_143] : memref<100000xf32, #tpu.memory_space<hbm>> -> memref<100000xf32, #tpu.memory_space<hbm>>
    tpu.enqueue_indirect_dma source(%dma_start3A_144 : memref<100000xf32, #tpu.memory_space<hbm>>) target(%dma_start3A_139 : memref<512xf32, #tpu.memory_space<vmem>>) offsets(%dma_start3A_142 : memref<512xi32, #tpu.memory_space<vmem>>) semaphore(%arg28 : memref<!tpu.dma_semaphore, #tpu.memory_space<semaphore_mem>>)
    %scan3A_145 = arith.constant 0 : i32
    %scan3A_146 = arith.constant 0 : i32
    %scan3A_147 = arith.constant 32 : i32
    %scan3A_148 = arith.addi %scan3A_146, %scan3A_147 : i32
    %scan3A_149 = arith.constant 1 : i32
    scf.for %scan3A_304 = %scan3A_146 to %scan3A_148 step %scan3A_149  : i32 {
      %mul3A_305 = arith.constant 16 : i32
      %mul3A_306 = arith.muli %scan3A_304, %mul3A_305 : i32
      %get3A = arith.constant 9 : i32
      %get3A_307 = arith.index_cast %get3A : i32 to index
      %get3A_308 = arith.index_cast %mul3A_306 : i32 to index
      %get3A_309 = tpu.vector_load %arg16[%get3A_307, %get3A_308] {strides = array<i32>} : memref<11x512xf32, #tpu.memory_space<vmem>>, vector<16xf32>,
      %convert_element_type3A = arith.fptosi %get3A_309 : vector<16xf32> to vector<16xi32>
      %swap3A = arith.constant 9 : i32
      %swap3A_310 = arith.index_cast %swap3A : i32 to index
      %swap3A_311 = arith.index_cast %mul3A_306 : i32 to index
      %swap3A_312 = tpu.vector_load %arg17[%swap3A_310, %swap3A_311] {strides = array<i32>} : memref<11x512xi32, #tpu.memory_space<vmem>>, vector<16xi32>,
      tpu.vector_store %arg17[%swap3A_310, %swap3A_311], %convert_element_type3A {strides = array<i32>} : memref<11x512xi32, #tpu.memory_space<vmem>>, vector<16xi32>,
    }
    %scan3A_150 = arith.constant 32 : i32
    %dma_start3A_151 = arith.constant 9 : i32
    %dma_start3A_152 = arith.constant 9 : i32
    %dma_start3A_153 = arith.constant 0 : i32
    %dma_start3A_154 = tpu.memref_slice %arg18[%dma_start3A_152, %dma_start3A_153] : memref<11x512xf32, #tpu.memory_space<vmem>> -> memref<1x512xf32, #tpu.memory_space<vmem>>
    %dma_start3A_155 = tpu.memref_squeeze %dma_start3A_154 : memref<1x512xf32, #tpu.memory_space<vmem>> -> memref<512xf32, #tpu.memory_space<vmem>>
    %dma_start3A_156 = arith.constant 0 : i32
    %dma_start3A_157 = tpu.memref_slice %arg17[%dma_start3A_151, %dma_start3A_156] : memref<11x512xi32, #tpu.memory_space<vmem>> -> memref<1x512xi32, #tpu.memory_space<vmem>>
    %dma_start3A_158 = tpu.memref_squeeze %dma_start3A_157 : memref<1x512xi32, #tpu.memory_space<vmem>> -> memref<512xi32, #tpu.memory_space<vmem>>
    %dma_start3A_159 = arith.constant 0 : i32
    %dma_start3A_160 = tpu.memref_slice %arg12[%dma_start3A_159] : memref<100000xf32, #tpu.memory_space<hbm>> -> memref<100000xf32, #tpu.memory_space<hbm>>
    tpu.enqueue_indirect_dma source(%dma_start3A_160 : memref<100000xf32, #tpu.memory_space<hbm>>) target(%dma_start3A_155 : memref<512xf32, #tpu.memory_space<vmem>>) offsets(%dma_start3A_158 : memref<512xi32, #tpu.memory_space<vmem>>) semaphore(%arg29 : memref<!tpu.dma_semaphore, #tpu.memory_space<semaphore_mem>>)
    %scan3A_161 = arith.constant 0 : i32
    %scan3A_162 = arith.constant 0 : i32
    %scan3A_163 = arith.constant 32 : i32
    %scan3A_164 = arith.addi %scan3A_162, %scan3A_163 : i32
    %scan3A_165 = arith.constant 1 : i32
    scf.for %scan3A_304 = %scan3A_162 to %scan3A_164 step %scan3A_165  : i32 {
      %mul3A_305 = arith.constant 16 : i32
      %mul3A_306 = arith.muli %scan3A_304, %mul3A_305 : i32
      %get3A = arith.constant 10 : i32
      %get3A_307 = arith.index_cast %get3A : i32 to index
      %get3A_308 = arith.index_cast %mul3A_306 : i32 to index
      %get3A_309 = tpu.vector_load %arg16[%get3A_307, %get3A_308] {strides = array<i32>} : memref<11x512xf32, #tpu.memory_space<vmem>>, vector<16xf32>,
      %convert_element_type3A = arith.fptosi %get3A_309 : vector<16xf32> to vector<16xi32>
      %swap3A = arith.constant 10 : i32
      %swap3A_310 = arith.index_cast %swap3A : i32 to index
      %swap3A_311 = arith.index_cast %mul3A_306 : i32 to index
      %swap3A_312 = tpu.vector_load %arg17[%swap3A_310, %swap3A_311] {strides = array<i32>} : memref<11x512xi32, #tpu.memory_space<vmem>>, vector<16xi32>,
      tpu.vector_store %arg17[%swap3A_310, %swap3A_311], %convert_element_type3A {strides = array<i32>} : memref<11x512xi32, #tpu.memory_space<vmem>>, vector<16xi32>,
    }
    %scan3A_166 = arith.constant 32 : i32
    %dma_start3A_167 = arith.constant 10 : i32
    %dma_start3A_168 = arith.constant 10 : i32
    %dma_start3A_169 = arith.constant 0 : i32
    %dma_start3A_170 = tpu.memref_slice %arg18[%dma_start3A_168, %dma_start3A_169] : memref<11x512xf32, #tpu.memory_space<vmem>> -> memref<1x512xf32, #tpu.memory_space<vmem>>
    %dma_start3A_171 = tpu.memref_squeeze %dma_start3A_170 : memref<1x512xf32, #tpu.memory_space<vmem>> -> memref<512xf32, #tpu.memory_space<vmem>>
    %dma_start3A_172 = arith.constant 0 : i32
    %dma_start3A_173 = tpu.memref_slice %arg17[%dma_start3A_167, %dma_start3A_172] : memref<11x512xi32, #tpu.memory_space<vmem>> -> memref<1x512xi32, #tpu.memory_space<vmem>>
    %dma_start3A_174 = tpu.memref_squeeze %dma_start3A_173 : memref<1x512xi32, #tpu.memory_space<vmem>> -> memref<512xi32, #tpu.memory_space<vmem>>
    %dma_start3A_175 = arith.constant 0 : i32
    %dma_start3A_176 = tpu.memref_slice %arg13[%dma_start3A_175] : memref<100000xf32, #tpu.memory_space<hbm>> -> memref<100000xf32, #tpu.memory_space<hbm>>
    tpu.enqueue_indirect_dma source(%dma_start3A_176 : memref<100000xf32, #tpu.memory_space<hbm>>) target(%dma_start3A_171 : memref<512xf32, #tpu.memory_space<vmem>>) offsets(%dma_start3A_174 : memref<512xi32, #tpu.memory_space<vmem>>) semaphore(%arg30 : memref<!tpu.dma_semaphore, #tpu.memory_space<semaphore_mem>>)
    %dma_wait3A = arith.constant 0 : i32
    %dma_wait3A_177 = arith.constant 0 : i32
    %dma_wait3A_178 = arith.constant 0 : i32
    %dma_wait3A_179 = tpu.memref_slice %arg18[%dma_wait3A_177, %dma_wait3A_178] : memref<11x512xf32, #tpu.memory_space<vmem>> -> memref<1x512xf32, #tpu.memory_space<vmem>>
    %dma_wait3A_180 = tpu.memref_squeeze %dma_wait3A_179 : memref<1x512xf32, #tpu.memory_space<vmem>> -> memref<512xf32, #tpu.memory_space<vmem>>
    %dma_wait3A_181 = arith.constant 0 : i32
    %dma_wait3A_182 = tpu.memref_slice %arg17[%dma_wait3A, %dma_wait3A_181] : memref<11x512xi32, #tpu.memory_space<vmem>> -> memref<1x512xi32, #tpu.memory_space<vmem>>
    %dma_wait3A_183 = tpu.memref_squeeze %dma_wait3A_182 : memref<1x512xi32, #tpu.memory_space<vmem>> -> memref<512xi32, #tpu.memory_space<vmem>>
    %dma_wait3A_184 = arith.constant 0 : i32
    %dma_wait3A_185 = tpu.memref_slice %arg3[%dma_wait3A_184] : memref<100000xf32, #tpu.memory_space<hbm>> -> memref<100000xf32, #tpu.memory_space<hbm>>
    tpu.wait_indirect_dma semaphore(%arg20 : memref<!tpu.dma_semaphore, #tpu.memory_space<semaphore_mem>>) src(%dma_wait3A_185 : memref<100000xf32, #tpu.memory_space<hbm>>) dst(%dma_wait3A_180 : memref<512xf32, #tpu.memory_space<vmem>>)
    %dma_wait3A_186 = arith.constant 1 : i32
    %dma_wait3A_187 = arith.constant 1 : i32
    %dma_wait3A_188 = arith.constant 0 : i32
    %dma_wait3A_189 = tpu.memref_slice %arg18[%dma_wait3A_187, %dma_wait3A_188] : memref<11x512xf32, #tpu.memory_space<vmem>> -> memref<1x512xf32, #tpu.memory_space<vmem>>
    %dma_wait3A_190 = tpu.memref_squeeze %dma_wait3A_189 : memref<1x512xf32, #tpu.memory_space<vmem>> -> memref<512xf32, #tpu.memory_space<vmem>>
    %dma_wait3A_191 = arith.constant 0 : i32
    %dma_wait3A_192 = tpu.memref_slice %arg17[%dma_wait3A_186, %dma_wait3A_191] : memref<11x512xi32, #tpu.memory_space<vmem>> -> memref<1x512xi32, #tpu.memory_space<vmem>>
    %dma_wait3A_193 = tpu.memref_squeeze %dma_wait3A_192 : memref<1x512xi32, #tpu.memory_space<vmem>> -> memref<512xi32, #tpu.memory_space<vmem>>
    %dma_wait3A_194 = arith.constant 0 : i32
    %dma_wait3A_195 = tpu.memref_slice %arg4[%dma_wait3A_194] : memref<100000xf32, #tpu.memory_space<hbm>> -> memref<100000xf32, #tpu.memory_space<hbm>>
    tpu.wait_indirect_dma semaphore(%arg21 : memref<!tpu.dma_semaphore, #tpu.memory_space<semaphore_mem>>) src(%dma_wait3A_195 : memref<100000xf32, #tpu.memory_space<hbm>>) dst(%dma_wait3A_190 : memref<512xf32, #tpu.memory_space<vmem>>)
    %dma_wait3A_196 = arith.constant 2 : i32
    %dma_wait3A_197 = arith.constant 2 : i32
    %dma_wait3A_198 = arith.constant 0 : i32
    %dma_wait3A_199 = tpu.memref_slice %arg18[%dma_wait3A_197, %dma_wait3A_198] : memref<11x512xf32, #tpu.memory_space<vmem>> -> memref<1x512xf32, #tpu.memory_space<vmem>>
    %dma_wait3A_200 = tpu.memref_squeeze %dma_wait3A_199 : memref<1x512xf32, #tpu.memory_space<vmem>> -> memref<512xf32, #tpu.memory_space<vmem>>
    %dma_wait3A_201 = arith.constant 0 : i32
    %dma_wait3A_202 = tpu.memref_slice %arg17[%dma_wait3A_196, %dma_wait3A_201] : memref<11x512xi32, #tpu.memory_space<vmem>> -> memref<1x512xi32, #tpu.memory_space<vmem>>
    %dma_wait3A_203 = tpu.memref_squeeze %dma_wait3A_202 : memref<1x512xi32, #tpu.memory_space<vmem>> -> memref<512xi32, #tpu.memory_space<vmem>>
    %dma_wait3A_204 = arith.constant 0 : i32
    %dma_wait3A_205 = tpu.memref_slice %arg5[%dma_wait3A_204] : memref<100000xf32, #tpu.memory_space<hbm>> -> memref<100000xf32, #tpu.memory_space<hbm>>
    tpu.wait_indirect_dma semaphore(%arg22 : memref<!tpu.dma_semaphore, #tpu.memory_space<semaphore_mem>>) src(%dma_wait3A_205 : memref<100000xf32, #tpu.memory_space<hbm>>) dst(%dma_wait3A_200 : memref<512xf32, #tpu.memory_space<vmem>>)
    %dma_wait3A_206 = arith.constant 3 : i32
    %dma_wait3A_207 = arith.constant 3 : i32
    %dma_wait3A_208 = arith.constant 0 : i32
    %dma_wait3A_209 = tpu.memref_slice %arg18[%dma_wait3A_207, %dma_wait3A_208] : memref<11x512xf32, #tpu.memory_space<vmem>> -> memref<1x512xf32, #tpu.memory_space<vmem>>
    %dma_wait3A_210 = tpu.memref_squeeze %dma_wait3A_209 : memref<1x512xf32, #tpu.memory_space<vmem>> -> memref<512xf32, #tpu.memory_space<vmem>>
    %dma_wait3A_211 = arith.constant 0 : i32
    %dma_wait3A_212 = tpu.memref_slice %arg17[%dma_wait3A_206, %dma_wait3A_211] : memref<11x512xi32, #tpu.memory_space<vmem>> -> memref<1x512xi32, #tpu.memory_space<vmem>>
    %dma_wait3A_213 = tpu.memref_squeeze %dma_wait3A_212 : memref<1x512xi32, #tpu.memory_space<vmem>> -> memref<512xi32, #tpu.memory_space<vmem>>
    %dma_wait3A_214 = arith.constant 0 : i32
    %dma_wait3A_215 = tpu.memref_slice %arg6[%dma_wait3A_214] : memref<100000xf32, #tpu.memory_space<hbm>> -> memref<100000xf32, #tpu.memory_space<hbm>>
    tpu.wait_indirect_dma semaphore(%arg23 : memref<!tpu.dma_semaphore, #tpu.memory_space<semaphore_mem>>) src(%dma_wait3A_215 : memref<100000xf32, #tpu.memory_space<hbm>>) dst(%dma_wait3A_210 : memref<512xf32, #tpu.memory_space<vmem>>)
    %scan3A_216 = arith.constant 0 : i32
    %scan3A_217 = arith.constant 0 : i32
    %scan3A_218 = arith.constant 32 : i32
    %scan3A_219 = arith.addi %scan3A_217, %scan3A_218 : i32
    %scan3A_220 = arith.constant 1 : i32
    scf.for %scan3A_304 = %scan3A_217 to %scan3A_219 step %scan3A_220  : i32 {
      %mul3A_305 = arith.constant 16 : i32
      %mul3A_306 = arith.muli %scan3A_304, %mul3A_305 : i32
      %get3A = arith.index_cast %mul3A_306 : i32 to index
      %get3A_307 = tpu.vector_load %arg19[%get3A] {strides = array<i32>} : memref<512xf32, #tpu.memory_space<vmem>>, vector<16xf32>,
      %get3A_308 = arith.constant 0 : i32
      %get3A_309 = arith.index_cast %get3A_308 : i32 to index
      %get3A_310 = arith.index_cast %mul3A_306 : i32 to index
      %get3A_311 = tpu.vector_load %arg18[%get3A_309, %get3A_310] {strides = array<i32>} : memref<11x512xf32, #tpu.memory_space<vmem>>, vector<16xf32>,
      %add3A_312 = arith.addf %get3A_307, %get3A_311 : vector<16xf32>
      %get3A_313 = arith.constant 1 : i32
      %get3A_314 = arith.index_cast %get3A_313 : i32 to index
      %get3A_315 = arith.index_cast %mul3A_306 : i32 to index
      %get3A_316 = tpu.vector_load %arg18[%get3A_314, %get3A_315] {strides = array<i32>} : memref<11x512xf32, #tpu.memory_space<vmem>>, vector<16xf32>,
      %add3A_317 = arith.addf %add3A_312, %get3A_316 : vector<16xf32>
      %get3A_318 = arith.constant 2 : i32
      %get3A_319 = arith.index_cast %get3A_318 : i32 to index
      %get3A_320 = arith.index_cast %mul3A_306 : i32 to index
      %get3A_321 = tpu.vector_load %arg18[%get3A_319, %get3A_320] {strides = array<i32>} : memref<11x512xf32, #tpu.memory_space<vmem>>, vector<16xf32>,
      %add3A_322 = arith.addf %add3A_317, %get3A_321 : vector<16xf32>
      %get3A_323 = arith.constant 3 : i32
      %get3A_324 = arith.index_cast %get3A_323 : i32 to index
      %get3A_325 = arith.index_cast %mul3A_306 : i32 to index
      %get3A_326 = tpu.vector_load %arg18[%get3A_324, %get3A_325] {strides = array<i32>} : memref<11x512xf32, #tpu.memory_space<vmem>>, vector<16xf32>,
      %add3A_327 = arith.addf %add3A_322, %get3A_326 : vector<16xf32>
      %swap3A = arith.index_cast %mul3A_306 : i32 to index
      %swap3A_328 = tpu.vector_load %arg19[%swap3A] {strides = array<i32>} : memref<512xf32, #tpu.memory_space<vmem>>, vector<16xf32>,
      tpu.vector_store %arg19[%swap3A], %add3A_327 {strides = array<i32>} : memref<512xf32, #tpu.memory_space<vmem>>, vector<16xf32>,
    }
    %scan3A_221 = arith.constant 32 : i32
    %dma_wait3A_222 = arith.constant 4 : i32
    %dma_wait3A_223 = arith.constant 4 : i32
    %dma_wait3A_224 = arith.constant 0 : i32
    %dma_wait3A_225 = tpu.memref_slice %arg18[%dma_wait3A_223, %dma_wait3A_224] : memref<11x512xf32, #tpu.memory_space<vmem>> -> memref<1x512xf32, #tpu.memory_space<vmem>>
    %dma_wait3A_226 = tpu.memref_squeeze %dma_wait3A_225 : memref<1x512xf32, #tpu.memory_space<vmem>> -> memref<512xf32, #tpu.memory_space<vmem>>
    %dma_wait3A_227 = arith.constant 0 : i32
    %dma_wait3A_228 = tpu.memref_slice %arg17[%dma_wait3A_222, %dma_wait3A_227] : memref<11x512xi32, #tpu.memory_space<vmem>> -> memref<1x512xi32, #tpu.memory_space<vmem>>
    %dma_wait3A_229 = tpu.memref_squeeze %dma_wait3A_228 : memref<1x512xi32, #tpu.memory_space<vmem>> -> memref<512xi32, #tpu.memory_space<vmem>>
    %dma_wait3A_230 = arith.constant 0 : i32
    %dma_wait3A_231 = tpu.memref_slice %arg7[%dma_wait3A_230] : memref<100000xf32, #tpu.memory_space<hbm>> -> memref<100000xf32, #tpu.memory_space<hbm>>
    tpu.wait_indirect_dma semaphore(%arg24 : memref<!tpu.dma_semaphore, #tpu.memory_space<semaphore_mem>>) src(%dma_wait3A_231 : memref<100000xf32, #tpu.memory_space<hbm>>) dst(%dma_wait3A_226 : memref<512xf32, #tpu.memory_space<vmem>>)
    %dma_wait3A_232 = arith.constant 5 : i32
    %dma_wait3A_233 = arith.constant 5 : i32
    %dma_wait3A_234 = arith.constant 0 : i32
    %dma_wait3A_235 = tpu.memref_slice %arg18[%dma_wait3A_233, %dma_wait3A_234] : memref<11x512xf32, #tpu.memory_space<vmem>> -> memref<1x512xf32, #tpu.memory_space<vmem>>
    %dma_wait3A_236 = tpu.memref_squeeze %dma_wait3A_235 : memref<1x512xf32, #tpu.memory_space<vmem>> -> memref<512xf32, #tpu.memory_space<vmem>>
    %dma_wait3A_237 = arith.constant 0 : i32
    %dma_wait3A_238 = tpu.memref_slice %arg17[%dma_wait3A_232, %dma_wait3A_237] : memref<11x512xi32, #tpu.memory_space<vmem>> -> memref<1x512xi32, #tpu.memory_space<vmem>>
    %dma_wait3A_239 = tpu.memref_squeeze %dma_wait3A_238 : memref<1x512xi32, #tpu.memory_space<vmem>> -> memref<512xi32, #tpu.memory_space<vmem>>
    %dma_wait3A_240 = arith.constant 0 : i32
    %dma_wait3A_241 = tpu.memref_slice %arg8[%dma_wait3A_240] : memref<100000xf32, #tpu.memory_space<hbm>> -> memref<100000xf32, #tpu.memory_space<hbm>>
    tpu.wait_indirect_dma semaphore(%arg25 : memref<!tpu.dma_semaphore, #tpu.memory_space<semaphore_mem>>) src(%dma_wait3A_241 : memref<100000xf32, #tpu.memory_space<hbm>>) dst(%dma_wait3A_236 : memref<512xf32, #tpu.memory_space<vmem>>)
    %dma_wait3A_242 = arith.constant 6 : i32
    %dma_wait3A_243 = arith.constant 6 : i32
    %dma_wait3A_244 = arith.constant 0 : i32
    %dma_wait3A_245 = tpu.memref_slice %arg18[%dma_wait3A_243, %dma_wait3A_244] : memref<11x512xf32, #tpu.memory_space<vmem>> -> memref<1x512xf32, #tpu.memory_space<vmem>>
    %dma_wait3A_246 = tpu.memref_squeeze %dma_wait3A_245 : memref<1x512xf32, #tpu.memory_space<vmem>> -> memref<512xf32, #tpu.memory_space<vmem>>
    %dma_wait3A_247 = arith.constant 0 : i32
    %dma_wait3A_248 = tpu.memref_slice %arg17[%dma_wait3A_242, %dma_wait3A_247] : memref<11x512xi32, #tpu.memory_space<vmem>> -> memref<1x512xi32, #tpu.memory_space<vmem>>
    %dma_wait3A_249 = tpu.memref_squeeze %dma_wait3A_248 : memref<1x512xi32, #tpu.memory_space<vmem>> -> memref<512xi32, #tpu.memory_space<vmem>>
    %dma_wait3A_250 = arith.constant 0 : i32
    %dma_wait3A_251 = tpu.memref_slice %arg9[%dma_wait3A_250] : memref<100000xf32, #tpu.memory_space<hbm>> -> memref<100000xf32, #tpu.memory_space<hbm>>
    tpu.wait_indirect_dma semaphore(%arg26 : memref<!tpu.dma_semaphore, #tpu.memory_space<semaphore_mem>>) src(%dma_wait3A_251 : memref<100000xf32, #tpu.memory_space<hbm>>) dst(%dma_wait3A_246 : memref<512xf32, #tpu.memory_space<vmem>>)
    %dma_wait3A_252 = arith.constant 7 : i32
    %dma_wait3A_253 = arith.constant 7 : i32
    %dma_wait3A_254 = arith.constant 0 : i32
    %dma_wait3A_255 = tpu.memref_slice %arg18[%dma_wait3A_253, %dma_wait3A_254] : memref<11x512xf32, #tpu.memory_space<vmem>> -> memref<1x512xf32, #tpu.memory_space<vmem>>
    %dma_wait3A_256 = tpu.memref_squeeze %dma_wait3A_255 : memref<1x512xf32, #tpu.memory_space<vmem>> -> memref<512xf32, #tpu.memory_space<vmem>>
    %dma_wait3A_257 = arith.constant 0 : i32
    %dma_wait3A_258 = tpu.memref_slice %arg17[%dma_wait3A_252, %dma_wait3A_257] : memref<11x512xi32, #tpu.memory_space<vmem>> -> memref<1x512xi32, #tpu.memory_space<vmem>>
    %dma_wait3A_259 = tpu.memref_squeeze %dma_wait3A_258 : memref<1x512xi32, #tpu.memory_space<vmem>> -> memref<512xi32, #tpu.memory_space<vmem>>
    %dma_wait3A_260 = arith.constant 0 : i32
    %dma_wait3A_261 = tpu.memref_slice %arg10[%dma_wait3A_260] : memref<100000xf32, #tpu.memory_space<hbm>> -> memref<100000xf32, #tpu.memory_space<hbm>>
    tpu.wait_indirect_dma semaphore(%arg27 : memref<!tpu.dma_semaphore, #tpu.memory_space<semaphore_mem>>) src(%dma_wait3A_261 : memref<100000xf32, #tpu.memory_space<hbm>>) dst(%dma_wait3A_256 : memref<512xf32, #tpu.memory_space<vmem>>)
    %scan3A_262 = arith.constant 0 : i32
    %scan3A_263 = arith.constant 0 : i32
    %scan3A_264 = arith.constant 32 : i32
    %scan3A_265 = arith.addi %scan3A_263, %scan3A_264 : i32
    %scan3A_266 = arith.constant 1 : i32
    scf.for %scan3A_304 = %scan3A_263 to %scan3A_265 step %scan3A_266  : i32 {
      %mul3A_305 = arith.constant 16 : i32
      %mul3A_306 = arith.muli %scan3A_304, %mul3A_305 : i32
      %get3A = arith.index_cast %mul3A_306 : i32 to index
      %get3A_307 = tpu.vector_load %arg19[%get3A] {strides = array<i32>} : memref<512xf32, #tpu.memory_space<vmem>>, vector<16xf32>,
      %get3A_308 = arith.constant 4 : i32
      %get3A_309 = arith.index_cast %get3A_308 : i32 to index
      %get3A_310 = arith.index_cast %mul3A_306 : i32 to index
      %get3A_311 = tpu.vector_load %arg18[%get3A_309, %get3A_310] {strides = array<i32>} : memref<11x512xf32, #tpu.memory_space<vmem>>, vector<16xf32>,
      %add3A_312 = arith.addf %get3A_307, %get3A_311 : vector<16xf32>
      %get3A_313 = arith.constant 5 : i32
      %get3A_314 = arith.index_cast %get3A_313 : i32 to index
      %get3A_315 = arith.index_cast %mul3A_306 : i32 to index
      %get3A_316 = tpu.vector_load %arg18[%get3A_314, %get3A_315] {strides = array<i32>} : memref<11x512xf32, #tpu.memory_space<vmem>>, vector<16xf32>,
      %add3A_317 = arith.addf %add3A_312, %get3A_316 : vector<16xf32>
      %get3A_318 = arith.constant 6 : i32
      %get3A_319 = arith.index_cast %get3A_318 : i32 to index
      %get3A_320 = arith.index_cast %mul3A_306 : i32 to index
      %get3A_321 = tpu.vector_load %arg18[%get3A_319, %get3A_320] {strides = array<i32>} : memref<11x512xf32, #tpu.memory_space<vmem>>, vector<16xf32>,
      %add3A_322 = arith.addf %add3A_317, %get3A_321 : vector<16xf32>
      %get3A_323 = arith.constant 7 : i32
      %get3A_324 = arith.index_cast %get3A_323 : i32 to index
      %get3A_325 = arith.index_cast %mul3A_306 : i32 to index
      %get3A_326 = tpu.vector_load %arg18[%get3A_324, %get3A_325] {strides = array<i32>} : memref<11x512xf32, #tpu.memory_space<vmem>>, vector<16xf32>,
      %add3A_327 = arith.addf %add3A_322, %get3A_326 : vector<16xf32>
      %swap3A = arith.index_cast %mul3A_306 : i32 to index
      %swap3A_328 = tpu.vector_load %arg19[%swap3A] {strides = array<i32>} : memref<512xf32, #tpu.memory_space<vmem>>, vector<16xf32>,
      tpu.vector_store %arg19[%swap3A], %add3A_327 {strides = array<i32>} : memref<512xf32, #tpu.memory_space<vmem>>, vector<16xf32>,
    }
    %scan3A_267 = arith.constant 32 : i32
    %dma_wait3A_268 = arith.constant 8 : i32
    %dma_wait3A_269 = arith.constant 8 : i32
    %dma_wait3A_270 = arith.constant 0 : i32
    %dma_wait3A_271 = tpu.memref_slice %arg18[%dma_wait3A_269, %dma_wait3A_270] : memref<11x512xf32, #tpu.memory_space<vmem>> -> memref<1x512xf32, #tpu.memory_space<vmem>>
    %dma_wait3A_272 = tpu.memref_squeeze %dma_wait3A_271 : memref<1x512xf32, #tpu.memory_space<vmem>> -> memref<512xf32, #tpu.memory_space<vmem>>
    %dma_wait3A_273 = arith.constant 0 : i32
    %dma_wait3A_274 = tpu.memref_slice %arg17[%dma_wait3A_268, %dma_wait3A_273] : memref<11x512xi32, #tpu.memory_space<vmem>> -> memref<1x512xi32, #tpu.memory_space<vmem>>
    %dma_wait3A_275 = tpu.memref_squeeze %dma_wait3A_274 : memref<1x512xi32, #tpu.memory_space<vmem>> -> memref<512xi32, #tpu.memory_space<vmem>>
    %dma_wait3A_276 = arith.constant 0 : i32
    %dma_wait3A_277 = tpu.memref_slice %arg11[%dma_wait3A_276] : memref<100000xf32, #tpu.memory_space<hbm>> -> memref<100000xf32, #tpu.memory_space<hbm>>
    tpu.wait_indirect_dma semaphore(%arg28 : memref<!tpu.dma_semaphore, #tpu.memory_space<semaphore_mem>>) src(%dma_wait3A_277 : memref<100000xf32, #tpu.memory_space<hbm>>) dst(%dma_wait3A_272 : memref<512xf32, #tpu.memory_space<vmem>>)
    %dma_wait3A_278 = arith.constant 9 : i32
    %dma_wait3A_279 = arith.constant 9 : i32
    %dma_wait3A_280 = arith.constant 0 : i32
    %dma_wait3A_281 = tpu.memref_slice %arg18[%dma_wait3A_279, %dma_wait3A_280] : memref<11x512xf32, #tpu.memory_space<vmem>> -> memref<1x512xf32, #tpu.memory_space<vmem>>
    %dma_wait3A_282 = tpu.memref_squeeze %dma_wait3A_281 : memref<1x512xf32, #tpu.memory_space<vmem>> -> memref<512xf32, #tpu.memory_space<vmem>>
    %dma_wait3A_283 = arith.constant 0 : i32
    %dma_wait3A_284 = tpu.memref_slice %arg17[%dma_wait3A_278, %dma_wait3A_283] : memref<11x512xi32, #tpu.memory_space<vmem>> -> memref<1x512xi32, #tpu.memory_space<vmem>>
    %dma_wait3A_285 = tpu.memref_squeeze %dma_wait3A_284 : memref<1x512xi32, #tpu.memory_space<vmem>> -> memref<512xi32, #tpu.memory_space<vmem>>
    %dma_wait3A_286 = arith.constant 0 : i32
    %dma_wait3A_287 = tpu.memref_slice %arg12[%dma_wait3A_286] : memref<100000xf32, #tpu.memory_space<hbm>> -> memref<100000xf32, #tpu.memory_space<hbm>>
    tpu.wait_indirect_dma semaphore(%arg29 : memref<!tpu.dma_semaphore, #tpu.memory_space<semaphore_mem>>) src(%dma_wait3A_287 : memref<100000xf32, #tpu.memory_space<hbm>>) dst(%dma_wait3A_282 : memref<512xf32, #tpu.memory_space<vmem>>)
    %dma_wait3A_288 = arith.constant 10 : i32
    %dma_wait3A_289 = arith.constant 10 : i32
    %dma_wait3A_290 = arith.constant 0 : i32
    %dma_wait3A_291 = tpu.memref_slice %arg18[%dma_wait3A_289, %dma_wait3A_290] : memref<11x512xf32, #tpu.memory_space<vmem>> -> memref<1x512xf32, #tpu.memory_space<vmem>>
    %dma_wait3A_292 = tpu.memref_squeeze %dma_wait3A_291 : memref<1x512xf32, #tpu.memory_space<vmem>> -> memref<512xf32, #tpu.memory_space<vmem>>
    %dma_wait3A_293 = arith.constant 0 : i32
    %dma_wait3A_294 = tpu.memref_slice %arg17[%dma_wait3A_288, %dma_wait3A_293] : memref<11x512xi32, #tpu.memory_space<vmem>> -> memref<1x512xi32, #tpu.memory_space<vmem>>
    %dma_wait3A_295 = tpu.memref_squeeze %dma_wait3A_294 : memref<1x512xi32, #tpu.memory_space<vmem>> -> memref<512xi32, #tpu.memory_space<vmem>>
    %dma_wait3A_296 = arith.constant 0 : i32
    %dma_wait3A_297 = tpu.memref_slice %arg13[%dma_wait3A_296] : memref<100000xf32, #tpu.memory_space<hbm>> -> memref<100000xf32, #tpu.memory_space<hbm>>
    tpu.wait_indirect_dma semaphore(%arg30 : memref<!tpu.dma_semaphore, #tpu.memory_space<semaphore_mem>>) src(%dma_wait3A_297 : memref<100000xf32, #tpu.memory_space<hbm>>) dst(%dma_wait3A_292 : memref<512xf32, #tpu.memory_space<vmem>>)
    %scan3A_298 = arith.constant 0 : i32
    %scan3A_299 = arith.constant 0 : i32
    %scan3A_300 = arith.constant 32 : i32
    %scan3A_301 = arith.addi %scan3A_299, %scan3A_300 : i32
    %scan3A_302 = arith.constant 1 : i32
    scf.for %scan3A_304 = %scan3A_299 to %scan3A_301 step %scan3A_302  : i32 {
      %mul3A_305 = arith.constant 16 : i32
      %mul3A_306 = arith.muli %scan3A_304, %mul3A_305 : i32
      %get3A = arith.index_cast %mul3A_306 : i32 to index
      %get3A_307 = tpu.vector_load %arg19[%get3A] {strides = array<i32>} : memref<512xf32, #tpu.memory_space<vmem>>, vector<16xf32>,
      %get3A_308 = arith.constant 8 : i32
      %get3A_309 = arith.index_cast %get3A_308 : i32 to index
      %get3A_310 = arith.index_cast %mul3A_306 : i32 to index
      %get3A_311 = tpu.vector_load %arg18[%get3A_309, %get3A_310] {strides = array<i32>} : memref<11x512xf32, #tpu.memory_space<vmem>>, vector<16xf32>,
      %add3A_312 = arith.addf %get3A_307, %get3A_311 : vector<16xf32>
      %get3A_313 = arith.constant 9 : i32
      %get3A_314 = arith.index_cast %get3A_313 : i32 to index
      %get3A_315 = arith.index_cast %mul3A_306 : i32 to index
      %get3A_316 = tpu.vector_load %arg18[%get3A_314, %get3A_315] {strides = array<i32>} : memref<11x512xf32, #tpu.memory_space<vmem>>, vector<16xf32>,
      %add3A_317 = arith.addf %add3A_312, %get3A_316 : vector<16xf32>
      %get3A_318 = arith.constant 10 : i32
      %get3A_319 = arith.index_cast %get3A_318 : i32 to index
      %get3A_320 = arith.index_cast %mul3A_306 : i32 to index
      %get3A_321 = tpu.vector_load %arg18[%get3A_319, %get3A_320] {strides = array<i32>} : memref<11x512xf32, #tpu.memory_space<vmem>>, vector<16xf32>,
      %add3A_322 = arith.addf %add3A_317, %get3A_321 : vector<16xf32>
      %swap3A = arith.index_cast %mul3A_306 : i32 to index
      %swap3A_323 = tpu.vector_load %arg19[%swap3A] {strides = array<i32>} : memref<512xf32, #tpu.memory_space<vmem>>, vector<16xf32>,
      tpu.vector_store %arg19[%swap3A], %add3A_322 {strides = array<i32>} : memref<512xf32, #tpu.memory_space<vmem>>, vector<16xf32>,
    }
    %scan3A_303 = arith.constant 32 : i32
    "tpu.region"() ({
      %run_scoped3A = tpu.sem_alloc : memref<!tpu.dma_semaphore, #tpu.memory_space<semaphore_mem>>
      %dma_start3A_304 = tpu.memref_slice %arg15[%mul3A_2] : memref<16384xf32, #tpu.memory_space<hbm>> -> memref<512xf32, #tpu.memory_space<hbm>>
      %dma_start3A_305 = tpu.memref_slice %arg15[%mul3A_2] : memref<16384xf32, #tpu.memory_space<hbm>> -> memref<512xf32, #tpu.memory_space<hbm>>
      tpu.enqueue_dma source(%arg19 : memref<512xf32, #tpu.memory_space<vmem>>) target(%dma_start3A_305 : memref<512xf32, #tpu.memory_space<hbm>>) target_semaphore(%run_scoped3A : memref<!tpu.dma_semaphore, #tpu.memory_space<semaphore_mem>>)
      %dma_wait3A_306 = tpu.memref_slice %arg15[%mul3A_2] : memref<16384xf32, #tpu.memory_space<hbm>> -> memref<512xf32, #tpu.memory_space<hbm>>
      %dma_wait3A_307 = tpu.memref_slice %arg15[%mul3A_2] : memref<16384xf32, #tpu.memory_space<hbm>> -> memref<512xf32, #tpu.memory_space<hbm>>
      tpu.wait_dma2 semaphore(%run_scoped3A : memref<!tpu.dma_semaphore, #tpu.memory_space<semaphore_mem>>) src(%arg19 : memref<512xf32, #tpu.memory_space<vmem>>) dst(%dma_wait3A_307 : memref<512xf32, #tpu.memory_space<hbm>>)
      tpu.yield
    }) : () -> ()
    return
  }
}

</mosaic_0001>

<sc_bundles>
// kernel: kernel.4.cloned.1.call-start
scs
__scs_entry_jumppad:
0x0: {  	(pc) =	sbr.rel $0x88, $3  }
0x1: {  	(tag) =	ssettag $0x0;
	lr =	simm.s32 $0x1  }
0x2: {  	[smem:$0x3F9E] =	sst lr;
	_ =	strace $0xD0000000  }
0x3: {  	_ = 	snop  }
0x4: {  	_ = 	snop  }
0x5: {  	_ = 	snop  }
0x6: {  	_ = 	snop  }
0x7: {  	_ = 	snop  }
__scs_overlays_trampoline_lowered:
0x8: {  	[smem:$0x3FAD] =	sst s0  }
0x9: {  	[smem:$0x3FAE] =	sst s1  }
0xa: {  	[smem:$0x3FAF] =	sst s2  }
0xb: {  	[smem:$0x3FB0] =	sst s3  }
0xc: {  	[smem:$0x3FB1] =	sst s4  }
0xd: {  	[smem:$0x3FB2] =	sst s5  }
0xe: {  	[smem:$0x3FB3] =	sst s6  }
0xf: {  	[smem:$0x3FB4] =	sst s7  }
0x10: {  	[smem:$0x3FB5] =	sst s8  }
0x11: {  	[smem:$0x3FB6] =	sst s9;
	s0 =	simm.s32 @!p0 $0x0  }
0x12: {  	s1 =	sld [smem:$0x3F9C];
	s0 =	simm.s32 @p0 $0x1  }
0x13: {  	[smem:$0x3FB7] =	sst s0;
	s0 =	simm.s32 @!p1 $0x0  }
0x14: {  	s2 =	sld [smem:$0x3F9B];
	s0 =	simm.s32 @p1 $0x1  }
0x15: {  	[smem:$0x3FB8] =	sst s0;
	s0 =	simm.s32 @!p2 $0x0  }
0x16: {  	s3 =	sld [smem:$0x3FDB];
	s0 =	simm.s32 @p2 $0x1  }
0x17: {  	s4 =	simm.s32 $0x1BF5;
	[smem:$0x3FBA] =	sst s0  }
0x18: {  	s0 =	sld [smem:$0x3F9D];
	_ =	swait.ge [sflag:s4], $0x0  }
0x19: {  	s7 =	sld [smem:$0x3F9E]  }
0x1a: {  	s8 =	sadd.s32 $0xFFFFE003, lr  }
0x1b: {  	s9 =	sadd.s32 $0xFFFFFEF7, lr;
	s5 =	simm.s32 $0xFFFFFFFF;
	p2 =	slt.u32 s8, $0xFFFFF086  }
0x1c: {  	p1 =	slt.u32 s9, $0xF7A;
	s5 =	simm.s32 @!p2 $0x0  }
0x1d: {  	s5 =	simm.s32 @p1 $0x1;
	p0 =	seq.s32 s7, s2  }
0x1e: {  	s7 =	smul.u32 @!p0 $0xF7A, s2;
	p2 =	seq.s32 @!p0 s5, $0x0  }
0x1f: {  	s9 =	smul.u32 $0xF7A, s1;
	s8 =	simm.s32 @!p0 $0x1BF5;
	p2 =	por !p2, p0  }
0x20: {  	[sflag:s8] =	ssyncset.s32 @!p0 $0xFFFFF086;
	s6 =	sadd.s32 @!p0 s3, s7;
	s7 =	simm.s32 @!p0 $0x108  }
0x21: {  	s3 =	sadd.s32 s3, s9;
	s6 =	sadd.s32 @!p0 $0x88, s6;
	s7 =	simm.s32 @p2 $0x1082  }
0x22: {  	[simem:s7], [sflag:s8] =	dma.local @!p0 [hbm:s6], $0xF7A  }
0x23: {  	s9 =	sor.u32 $0xD0000000, s2;
	s6 =	simm.s32 $0x108;
	_ =	swait.ge @!p0 [sflag:s8], $0x0  }
0x24: {  	s3 =	sadd.s32 $0x88, s3;
	s6 =	simm.s32 @!p1 $0x1082;
	[sflag:s4] =	ssyncset.s32 $0xFFFFF086  }
0x25: {  	[simem:s6], [sflag:s4] =	dma.local [hbm:s3], $0xF7A  }
0x26: {  	[smem:$0x3F9E] =	sst s1;
	(tag) =	ssettag s2;
	_ =	strace s9  }
0x27: {  	s1 =	sld [smem:$0x3FAE]  }
0x28: {  	s2 =	sld [smem:$0x3FAF]  }
0x29: {  	s4 =	sld [smem:$0x3FB1]  }
0x2a: {  	p0 =	seq.s32 s5, $0x0;
	s5 =	sld [smem:$0x3FB2]  }
0x2b: {  	s6 =	sld [smem:$0x3FB3]  }
0x2c: {  	s7 =	sld [smem:$0x3FB4]  }
0x2d: {  	s3 =	simm.s32 $0x108;
	s8 =	sld [smem:$0x3FB5]  }
0x2e: {  	s3 =	simm.s32 @!p0 $0x1082;
	s9 =	sld [smem:$0x3FB6]  }
0x2f: {  	lr =	sadd.s32 s0, s3;
	s0 =	sld [smem:$0x3FAD]  }
0x30: {  	s3 =	sld [smem:$0x3FB0]  }
0x31: {  	[smem:$0x3FB9] =	sst s10  }
0x32: {  	s10 =	sld [smem:$0x3FB7];
	_ =	sdelay $0x3  }
0x33: {  	p0 =	seq.s32 s10, $0x1;
	s10 =	sld [smem:$0x3FB9];
	_ =	sdelay $0x3  }
0x34: {  	[smem:$0x3FB9] =	sst s10  }
0x35: {  	s10 =	sld [smem:$0x3FB8];
	_ =	sdelay $0x3  }
0x36: {  	p1 =	seq.s32 s10, $0x1;
	s10 =	sld [smem:$0x3FB9];
	_ =	sdelay $0x3  }
0x37: {  	[smem:$0x3FB9] =	sst s10  }
0x38: {  	s10 =	sld [smem:$0x3FBA]  }
0x39: {  	_ = 	snop;
	(pc) =	sbr.ind lr, $3  }
0x3a: {  	_ = 	snop  }
0x3b: {  	_ = 	snop  }
0x3c: {  	p2 =	seq.s32 s10, $0x1;
	s10 =	sld [smem:$0x3FB9]  }
0x3d: {  	_ =	shalt  }
0x3e: {  	_ =	shalt  }
0x3f: {  	_ =	shalt  }
0x40: {  	_ =	shalt  }
0x41: {  	_ =	shalt  }
0x42: {  	_ =	shalt  }
0x43: {  	_ =	shalt  }
0x44: {  	_ =	shalt  }
0x45: {  	_ =	shalt  }
0x46: {  	_ =	shalt  }
0x47: {  	_ =	shalt  }
0x48: {  	_ =	shalt  }
0x49: {  	_ =	shalt  }
0x4a: {  	_ =	shalt  }
0x4b: {  	_ =	shalt  }
0x4c: {  	_ =	shalt  }
0x4d: {  	_ =	shalt  }
0x4e: {  	_ =	shalt  }
0x4f: {  	_ =	shalt  }
0x50: {  	_ =	shalt  }
0x51: {  	_ =	shalt  }
0x52: {  	_ =	shalt  }
0x53: {  	_ =	shalt  }
0x54: {  	_ =	shalt  }
0x55: {  	_ =	shalt  }
0x56: {  	_ =	shalt  }
0x57: {  	_ =	shalt  }
0x58: {  	_ =	shalt  }
0x59: {  	_ =	shalt  }
0x5a: {  	_ =	shalt  }
0x5b: {  	_ =	shalt  }
0x5c: {  	_ =	shalt  }
0x5d: {  	_ =	shalt  }
0x5e: {  	_ =	shalt  }
0x5f: {  	_ =	shalt  }
0x60: {  	_ =	shalt  }
0x61: {  	_ =	shalt  }
0x62: {  	_ =	shalt  }
0x63: {  	_ =	shalt  }
0x64: {  	_ =	shalt  }
0x65: {  	_ =	shalt  }
0x66: {  	_ =	shalt  }
0x67: {  	_ =	shalt  }
0x68: {  	_ =	shalt  }
0x69: {  	_ =	shalt  }
0x6a: {  	_ =	shalt  }
0x6b: {  	_ =	shalt  }
0x6c: {  	_ =	shalt  }
0x6d: {  	_ =	shalt  }
0x6e: {  	_ =	shalt  }
0x6f: {  	_ =	shalt  }
0x70: {  	_ =	shalt  }
0x71: {  	_ =	shalt  }
0x72: {  	_ =	shalt  }
0x73: {  	_ =	shalt  }
0x74: {  	_ =	shalt  }
0x75: {  	_ =	shalt  }
0x76: {  	_ =	shalt  }
0x77: {  	_ =	shalt  }
0x78: {  	_ =	shalt  }
0x79: {  	_ =	shalt  }
0x7a: {  	_ =	shalt  }
0x7b: {  	_ =	shalt  }
0x7c: {  	_ =	shalt  }
0x7d: {  	_ =	shalt  }
0x7e: {  	_ =	shalt  }
0x7f: {  	_ =	shalt  }
0x80: {  	_ =	shalt  }
0x81: {  	_ =	shalt  }
0x82: {  	_ =	shalt  }
0x83: {  	_ =	shalt  }
0x84: {  	_ =	shalt  }
0x85: {  	_ =	shalt  }
0x86: {  	_ =	shalt  }
0x87: {  	_ =	shalt  }
.Lfunc_end0:
.L_simem_size_0:
called_computation_lowered:
.L_overlay_start_0:
0x88: {  	s2 =	sld [smem:$0x3FD9]  }
0x89: {  	s3 =	sld [smem:$0x3FFE];
	_ =	sdelay $0x1  }
0x8a: {  	s1 =	srdreg.scid  }
0x8b: {  	s0 =	sand.u32 $0x1, s1  }
0x8c: {  	s17 =	sshll.u32 s0, $0xA;
	s2 =	sadd.s32 s3, s2  }
0x8d: {  	s2 =	sadd.s32 s2, s17  }
0x8e: {  	[smem:$0x3FC5] =	sst s2  }
0x8f: {  	_ = 	snop  }
0x90: {  	s2 =	sld [smem:$0x3FD0];
	(tm) =	ssettm $0x1  }
0x91: {  	s18 =	sld [smem:$0x3FFB];
	_ =	sdelay $0x3  }
0x92: {  	_ =	strace s18  }
0x93: {  	s3 =	sld [smem:$0x3FFC];
	_ =	sdelay $0x3  }
0x94: {  	_ =	strace s3  }
0x95: {  	s3 =	sld [smem:$0x3FFD];
	_ =	sdelay $0x3  }
0x96: {  	_ =	strace s3  }
0x97: {  	_ =	strace $0x8FFFFFFF  }
0x98: {  	s19 =	sld [smem:$0x3FDB];
	_ =	sdelay $0x1  }
0x99: {  	s4 =	simm.s32 $_scs_section_size  }
0x9a: {  	s5 =	simm.s32 $_size__tile_overlayer_lowered;
	s6 =	simm.s32 $_tile_overlayer_lowered  }
0x9b: {  	s22 =	simm.s32 $0x1BFF;
	s21 =	sshll.u32 s6, $0x1;
	s3 =	sadd.s32 s4, s19  }
0x9c: {  	s7 =	simm.s32 $0x0;
	s20 =	sshll.u32 s5, $0x1;
	s5 =	sadd.s32 s21, s3  }
0x9d: {  	[timem:s7], [sflag:s22] =	dma.local [hbm:s5], s20  }
0x9e: {  	_ =	swait.ge [sflag:s22], s20  }
0x9f: {  	s4 =	ssub.s32 $0x0, s20;
	[sflag:s22] =	ssyncset.done $0x0  }
0xa0: {  	[sflag:s22] =	ssyncadd.s32 s4;
	_ =	sdelay $0x1  }
0xa1: {  	s23 =	simm.s32 $0x1B8B  }
0xa2: {  	_ =	swait.ge [sflag:s23], $0x1  }
0xa3: {  	[sflag:s23] =	ssyncset.done $0x0  }
0xa4: {  	s25 =	simm.s32 $0x1B8E;
	s24 =	sld [smem:$0x3FFE];
	[sflag:s23] =	ssyncadd.s32 $0xFFFFFFFF  }
0xa5: {  	s26 =	simm.s32 $execute0_lowered;
	[smem:$0x3FD2] =	sst s25  }
0xa6: {  	s5 =	sshll.u32 s26, $0x1;
	_ =	strace $0x80000046;
	[dreg:$0x1] =	wrdreg $0xFFFFFFFF  }
0xa7: {  	s28 =	simm.s32 $_size_execute0_lowered;
	s3 =	sadd.s32 s3, s5;
	[dreg:$0x0] =	wrdreg $0x0  }
0xa8: {  	s5 =	sshll.u32 s28, $0x1;
	[dreg:$0x2] =	wrdreg s3  }
0xa9: {  	[dreg:$0x3] =	wrdreg s5  }
0xaa: {  	[dreg:$0x4] =	wrdreg $0xC0  }
0xab: {  	_ =	task [dreg:s7], $0x5FFFF  }
0xac: {  	[dreg:$0x1] =	wrdreg $0xFFFFFFFF  }
0xad: {  	[dreg:$0x0] =	wrdreg $0x60  }
0xae: {  	[dreg:$0x2] =	wrdreg s24  }
0xaf: {  	[dreg:$0x3] =	wrdreg s2  }
0xb0: {  	[dreg:$0x4] =	wrdreg $0x9  }
0xb1: {  	_ =	task.clear_ibuf [dreg:s7], $0x5FFFF;
	_ =	strace $0x90000046  }
0xb2: {  	s29 =	simm.s32 $0x9;
	_ =	strace $0x80000048  }
0xb3: {  	_ =	swait.ge [sflag:s29], $0x1  }
0xb4: {  	[sflag:s29] =	ssyncadd.s32 $0xFFFFFFFF  }
0xb5: {  	_ =	strace $0x90000048  }
0xb6: {  	_ =	sfence  }
0xb7: {  	s30 =	sld [smem:$0x0];
	_ =	sdelay $0x2  }
0xb8: {  	s31 =	sshll.u32 s1, $0xD;
	s1 =	sshrl.u32 s1, $0x2  }
0xb9: {  	s3 =	sand.u32 $0x4000, s31;
	s1 =	sadd.s32 s1, s30  }
0xba: {  	s0 =	sor.u32 s3, s0;
	s1 =	sshll.u32 s1, $0x11  }
0xbb: {  	s0 =	sor.u32 s1, s0  }
0xbc: {  	s0 =	sadd.s32 $0x8F2B, s0  }
0xbd: {  	[sflag:s0] =	ssyncadd.remote.s32 $0x1  }
0xbe: {  	_ =	sfence.sel $0xFFFF  }
0xbf: {  	[dreg:$0x0] =	wrdreg $0xFFFFFFFF;
	(pc) =	sbr.abs _section_cstart, $3  }
0xc0: {  	[dreg:$0x1] =	wrdreg $0xFFFFFFFF  }
0xc1: {  	_ =	task.clear_ibuf [dreg:s7], $0x2FFFF;
	_ =	strace $0x9FFFFFFF  }
0xc2: {  	(tm) =	ssettm $0x7FFFFFFF  }
0xc3: {  	_ =	shalt  }
tec
execute0_lowered:
.L_overlay_start_1:
0x0: {  	(tag) =	ssettag $0x1  }
0x1: {  	s4 =	rddreg [dreg:$0x0]  }
0x2: {  	s3 =	simm.s32 $0x0;
	s24 =	srdreg.scid;
	s25 =	stileid.u32  }
0x3: {  	s28 =	simm.s32 $0x3;
	s29 =	simm.s32 $0x4;
	s30 =	simm.s32 $0x5  }
0x4: {  	s31 =	simm.s32 $0x6;
	[smem:$0x7FF] =	sst s3;
	s0 =	sadd.s32 $0x2BC00, s4  }
0x5: {  	s16 =	sadd.s32 $0x28A00, s4;
	_ =	strace $0x80000047;
	[dreg:$0x3] =	wrdreg s0  }
0x6: {  	s11 =	simm.s32 $0x8;
	s17 =	sadd.s32 $0x25800, s4;
	[dreg:$0x4] =	wrdreg s16  }
0x7: {  	s5 =	simm.s32 $0xB;
	s18 =	sadd.s32 $0x22600, s4;
	[dreg:$0x5] =	wrdreg s17  }
0x8: {  	s6 =	simm.s32 $0xC;
	s19 =	sadd.s32 $0x1F400, s4;
	[dreg:$0x6] =	wrdreg s18  }
0x9: {  	s7 =	simm.s32 $0xD;
	s20 =	sadd.s32 $0x1C200, s4;
	[dreg:$0x7] =	wrdreg s19  }
0xa: {  	s8 =	simm.s32 $0xE;
	s21 =	sadd.s32 $0x19000, s4;
	[dreg:$0x8] =	wrdreg s20  }
0xb: {  	s9 =	simm.s32 $0xF;
	s22 =	sadd.s32 $0x15E00, s4;
	[dreg:$0x9] =	wrdreg s21  }
0xc: {  	s10 =	simm.s32 $0x0;
	s23 =	sadd.s32 $0x12C00, s4;
	[dreg:$0xa] =	wrdreg s22  }
0xd: {  	s1 =	sadd.s32 $0xFA00, s4;
	s15 =	sadd.s32 $0xC800, s4;
	[dreg:$0xb] =	wrdreg s23  }
0xe: {  	[dreg:$0xc] =	wrdreg s1;
	s0 =	sand.u32 $0x1, s24;
	s1 =	sshll.u32 s25, $0x7  }
0xf: {  	s16 =	sadd.s32 $0x9600, s4;
	s17 =	sadd.s32 $0x6400, s4;
	s18 =	sadd.s32 $0x3200, s4  }
0x10: {  	s23 =	simm.s32 $0x200;
	s24 =	simm.s32 $0x4000;
	s2 =	sshll.u32 s0, $0x6  }
0x11: {  	s25 =	simm.s32 $0x10;
	s0 =	ssub.s32 $0x2, s0;
	s1 =	sor.u32 s2, s1  }
0x12: {  	s26 =	sshrl.u32 s0, $0x1;
	s2 =	simm.s32 $0x1;
	s1 =	sadd.s32 s1, s4  }
0x13: {  	s0 =	ssub.s32 s0, s26;
	s26 =	simm.s32 $0x2;
	s4 =	simm.s32 $0xA  }
0x14: {  	s19 =	sadd.s32 $0x3B600, s1;
	s20 =	sadd.s32 $0x48600, s1;
	s21 =	sadd.s32 $0x4EE00, s1  }
0x15: {  	s22 =	smax.u32 s0, $0x1;
	s0 =	simm.s32 $0x7;
	s1 =	simm.s32 $0x9  }
.LBB2_1:
0x16: {  	[tilespmem:s3], [sflag:$0x10] =	stream.strided.gather [hbm4b:s19+s23], $0x1E00, s24, s23, $0x38;
	[tilespmem:$0x76D0] =	vst v63  }
0x17: {  	_ =	swait.ge [sflag:s25], $0x1E00  }
0x18: {  	[sflag:s25] =	ssyncset.done $0x0  }
0x19: {  	s12 =	simm.s32 $0x1E00;
	[sflag:s25] =	ssyncadd.s32 $0xFFFFE200  }
0x1a: {  	[tilespmem:s12], [sflag:$0x10] =	stream.strided.gather [hbm4b:s20+s23], $0x1A00, s24, s23, $0x38;
	[tilespmem:$0x76D0] =	vst v63  }
0x1b: {  	_ =	swait.ge [sflag:s25], $0x1A00  }
0x1c: {  	[sflag:s25] =	ssyncset.done $0x0  }
0x1d: {  	[sflag:s25] =	ssyncadd.s32 $0xFFFFE600  }
0x1e: {  	s13 =	simm.s32 $0x7600;
	s14 =	rddreg [dreg:$0x1]  }
0x1f: {  	[tilespmem:s13], [sflag:$0x10] =	stream.linear.gather [hbm4b:s14+s3], $0xD0, $0x38;
	[tilespmem:$0x76D0] =	vst v63  }
0x20: {  	_ =	swait.ge [sflag:s25], $0xD0  }
0x21: {  	[sflag:s25] =	ssyncset.done $0x0  }
0x22: {  	s12 =	simm.s32 $0x0;
	[sflag:s25] =	ssyncadd.s32 $0xFFFFFF30  }
0x23: {  	s13 =	simm.s32 $0x40;
	v0 =	vld [tilespmem:s12+$0x0]  }
.LBB2_2:
0x24: {  	_ =	sdelay $0x1  }
0x25: {  	p0 =	sne.s32 s13, $0x7C0  }
.Ltmp0:
0x26: {  	_ = 	snop;
	(pc) =	sbr.rel @p0 .LBB2_2-.Ltmp0, $4  }
0x27: {  	v1 =	vtrunc.f32 v0  }
0x28: {  	v1 =	vcvt.f32.s32 v1  }
0x29: {  	s14 =	sshra.s32 s13, $0x2  }
0x2a: {  	s13 =	sadd.s32 $0x40, s13;
	v0 =	vld [tilespmem:s14+$0x0];
	[tilespmem:s12+$0x3800] =	vst v1;
	s12 =	smov.u32 s14  }
0x2b: {  	_ =	sdelay $0x3  }
0x2c: {  	v0 =	vtrunc.f32 v0  }
0x2d: {  	v0 =	vcvt.f32.s32 v0;
	_ =	sdelay $0x1  }
0x2e: {  	s13 =	simm.s32 $0x3800;
	s14 =	simm.s32 $0x5600;
	[tilespmem:s12+$0x3800] =	vst v0;
	s12 =	rddreg [dreg:$0x3]  }
0x2f: {  	[tilespmem:s14], [sflag:$0x1] =	stream.indirect.gather [hbm4b:s12+s23], $0x1, s13, s23, $0xb8;
	[tilespmem:$0x76D0] =	vst v63  }
0x30: {  	s12 =	simm.s32 $0x0  }
0x31: {  	s13 =	simm.s32 $0x40;
	v0 =	vld [tilespmem:s12+$0x200]  }
.LBB2_4:
0x32: {  	_ =	sdelay $0x1  }
0x33: {  	p0 =	sne.s32 s13, $0x7C0  }
.Ltmp1:
0x34: {  	_ = 	snop;
	(pc) =	sbr.rel @p0 .LBB2_4-.Ltmp1, $4  }
0x35: {  	v1 =	vtrunc.f32 v0  }
0x36: {  	v1 =	vcvt.f32.s32 v1  }
0x37: {  	s14 =	sshra.s32 s13, $0x2  }
0x38: {  	s13 =	sadd.s32 $0x40, s13;
	v0 =	vld [tilespmem:s14+$0x200];
	[tilespmem:s12+$0x3A00] =	vst v1;
	s12 =	smov.u32 s14  }
0x39: {  	_ =	sdelay $0x3  }
0x3a: {  	v0 =	vtrunc.f32 v0  }
0x3b: {  	v0 =	vcvt.f32.s32 v0;
	_ =	sdelay $0x1  }
0x3c: {  	s13 =	simm.s32 $0x3A00;
	s14 =	simm.s32 $0x5800;
	[tilespmem:s12+$0x3A00] =	vst v0;
	s12 =	rddreg [dreg:$0x4]  }
0x3d: {  	[tilespmem:s14], [sflag:$0x2] =	stream.indirect.gather [hbm4b:s12+s23], $0x1, s13, s23, $0xb8;
	[tilespmem:$0x76D0] =	vst v63  }
0x3e: {  	s12 =	simm.s32 $0x0  }
0x3f: {  	s13 =	simm.s32 $0x40;
	v0 =	vld [tilespmem:s12+$0x400]  }
.LBB2_6:
0x40: {  	_ =	sdelay $0x1  }
0x41: {  	p0 =	sne.s32 s13, $0x7C0  }
.Ltmp2:
0x42: {  	_ = 	snop;
	(pc) =	sbr.rel @p0 .LBB2_6-.Ltmp2, $4  }
0x43: {  	v1 =	vtrunc.f32 v0  }
0x44: {  	v1 =	vcvt.f32.s32 v1  }
0x45: {  	s14 =	sshra.s32 s13, $0x2  }
0x46: {  	s13 =	sadd.s32 $0x40, s13;
	v0 =	vld [tilespmem:s14+$0x400];
	[tilespmem:s12+$0x3C00] =	vst v1;
	s12 =	smov.u32 s14  }
0x47: {  	_ =	sdelay $0x3  }
0x48: {  	v0 =	vtrunc.f32 v0  }
0x49: {  	v0 =	vcvt.f32.s32 v0;
	_ =	sdelay $0x1  }
0x4a: {  	s13 =	simm.s32 $0x3C00;
	s14 =	simm.s32 $0x5A00;
	[tilespmem:s12+$0x3C00] =	vst v0;
	s12 =	rddreg [dreg:$0x5]  }
0x4b: {  	[tilespmem:s14], [sflag:$0x3] =	stream.indirect.gather [hbm4b:s12+s23], $0x1, s13, s23, $0xb8;
	[tilespmem:$0x76D0] =	vst v63  }
0x4c: {  	s12 =	simm.s32 $0x0  }
0x4d: {  	s13 =	simm.s32 $0x40;
	v0 =	vld [tilespmem:s12+$0x600]  }
.LBB2_8:
0x4e: {  	_ =	sdelay $0x1  }
0x4f: {  	p0 =	sne.s32 s13, $0x7C0  }
.Ltmp3:
0x50: {  	_ = 	snop;
	(pc) =	sbr.rel @p0 .LBB2_8-.Ltmp3, $4  }
0x51: {  	v1 =	vtrunc.f32 v0  }
0x52: {  	v1 =	vcvt.f32.s32 v1  }
0x53: {  	s14 =	sshra.s32 s13, $0x2  }
0x54: {  	s13 =	sadd.s32 $0x40, s13;
	v0 =	vld [tilespmem:s14+$0x600];
	[tilespmem:s12+$0x3E00] =	vst v1;
	s12 =	smov.u32 s14  }
0x55: {  	_ =	sdelay $0x3  }
0x56: {  	v0 =	vtrunc.f32 v0  }
0x57: {  	v0 =	vcvt.f32.s32 v0;
	_ =	sdelay $0x1  }
0x58: {  	s13 =	simm.s32 $0x3E00;
	s14 =	simm.s32 $0x5C00;
	[tilespmem:s12+$0x3E00] =	vst v0;
	s12 =	rddreg [dreg:$0x6]  }
0x59: {  	[tilespmem:s14], [sflag:$0x4] =	stream.indirect.gather [hbm4b:s12+s23], $0x1, s13, s23, $0xb8;
	[tilespmem:$0x76D0] =	vst v63  }
0x5a: {  	s12 =	simm.s32 $0x0  }
0x5b: {  	s13 =	simm.s32 $0x40;
	v0 =	vld [tilespmem:s12+$0x800]  }
.LBB2_10:
0x5c: {  	_ =	sdelay $0x1  }
0x5d: {  	p0 =	sne.s32 s13, $0x7C0  }
.Ltmp4:
0x5e: {  	_ = 	snop;
	(pc) =	sbr.rel @p0 .LBB2_10-.Ltmp4, $4  }
0x5f: {  	v1 =	vtrunc.f32 v0  }
0x60: {  	v1 =	vcvt.f32.s32 v1  }
0x61: {  	s14 =	sshra.s32 s13, $0x2  }
0x62: {  	s13 =	sadd.s32 $0x40, s13;
	v0 =	vld [tilespmem:s14+$0x800];
	[tilespmem:s12+$0x4000] =	vst v1;
	s12 =	smov.u32 s14  }
0x63: {  	_ =	sdelay $0x3  }
0x64: {  	v0 =	vtrunc.f32 v0  }
0x65: {  	v0 =	vcvt.f32.s32 v0;
	_ =	sdelay $0x1  }
0x66: {  	s14 =	rddreg [dreg:$0x7];
	s13 =	simm.s32 $0x5E00;
	[tilespmem:s12+$0x4000] =	vst v0;
	s12 =	simm.s32 $0x0  }
0x67: {  	[tilespmem:s13], [sflag:$0x5] =	stream.indirect.gather [hbm4b:s14+s23], $0x1, s24, s23, $0xb8;
	[tilespmem:$0x76D0] =	vst v63  }
0x68: {  	s13 =	simm.s32 $0x40;
	v0 =	vld [tilespmem:s12+$0xA00]  }
.LBB2_12:
0x69: {  	_ =	sdelay $0x1  }
0x6a: {  	p0 =	sne.s32 s13, $0x7C0  }
.Ltmp5:
0x6b: {  	_ = 	snop;
	(pc) =	sbr.rel @p0 .LBB2_12-.Ltmp5, $4  }
0x6c: {  	v1 =	vtrunc.f32 v0  }
0x6d: {  	v1 =	vcvt.f32.s32 v1  }
0x6e: {  	s14 =	sshra.s32 s13, $0x2  }
0x6f: {  	s13 =	sadd.s32 $0x40, s13;
	v0 =	vld [tilespmem:s14+$0xA00];
	[tilespmem:s12+$0x4200] =	vst v1;
	s12 =	smov.u32 s14  }
0x70: {  	_ =	sdelay $0x3  }
0x71: {  	v0 =	vtrunc.f32 v0  }
0x72: {  	v0 =	vcvt.f32.s32 v0;
	_ =	sdelay $0x1  }
0x73: {  	s13 =	simm.s32 $0x4200;
	s14 =	simm.s32 $0x6000;
	[tilespmem:s12+$0x4200] =	vst v0;
	s12 =	rddreg [dreg:$0x8]  }
0x74: {  	[tilespmem:s14], [sflag:$0x6] =	stream.indirect.gather [hbm4b:s12+s23], $0x1, s13, s23, $0xb8;
	[tilespmem:$0x76D0] =	vst v63  }
0x75: {  	s12 =	simm.s32 $0x0  }
0x76: {  	s13 =	simm.s32 $0x40;
	v0 =	vld [tilespmem:s12+$0xC00]  }
.LBB2_14:
0x77: {  	_ =	sdelay $0x1  }
0x78: {  	p0 =	sne.s32 s13, $0x7C0  }
.Ltmp6:
0x79: {  	_ = 	snop;
	(pc) =	sbr.rel @p0 .LBB2_14-.Ltmp6, $4  }
0x7a: {  	v1 =	vtrunc.f32 v0  }
0x7b: {  	v1 =	vcvt.f32.s32 v1  }
0x7c: {  	s14 =	sshra.s32 s13, $0x2  }
0x7d: {  	s13 =	sadd.s32 $0x40, s13;
	v0 =	vld [tilespmem:s14+$0xC00];
	[tilespmem:s12+$0x4400] =	vst v1;
	s12 =	smov.u32 s14  }
0x7e: {  	_ =	sdelay $0x3  }
0x7f: {  	v0 =	vtrunc.f32 v0  }
0x80: {  	v0 =	vcvt.f32.s32 v0;
	_ =	sdelay $0x1  }
0x81: {  	s13 =	simm.s32 $0x4400;
	s14 =	simm.s32 $0x6200;
	[tilespmem:s12+$0x4400] =	vst v0;
	s12 =	rddreg [dreg:$0x9]  }
0x82: {  	[tilespmem:s14], [sflag:$0x7] =	stream.indirect.gather [hbm4b:s12+s23], $0x1, s13, s23, $0xb8;
	[tilespmem:$0x76D0] =	vst v63  }
0x83: {  	s12 =	simm.s32 $0x0  }
0x84: {  	s13 =	simm.s32 $0x40;
	v0 =	vld [tilespmem:s12+$0xE00]  }
.LBB2_16:
0x85: {  	_ =	sdelay $0x1  }
0x86: {  	p0 =	sne.s32 s13, $0x7C0  }
.Ltmp7:
0x87: {  	_ = 	snop;
	(pc) =	sbr.rel @p0 .LBB2_16-.Ltmp7, $4  }
0x88: {  	v1 =	vtrunc.f32 v0  }
0x89: {  	v1 =	vcvt.f32.s32 v1  }
0x8a: {  	s14 =	sshra.s32 s13, $0x2  }
0x8b: {  	s13 =	sadd.s32 $0x40, s13;
	v0 =	vld [tilespmem:s14+$0xE00];
	[tilespmem:s12+$0x4600] =	vst v1;
	s12 =	smov.u32 s14  }
0x8c: {  	_ =	sdelay $0x3  }
0x8d: {  	v0 =	vtrunc.f32 v0  }
0x8e: {  	v0 =	vcvt.f32.s32 v0;
	_ =	sdelay $0x1  }
0x8f: {  	s13 =	simm.s32 $0x4600;
	s14 =	simm.s32 $0x6400;
	[tilespmem:s12+$0x4600] =	vst v0;
	s12 =	rddreg [dreg:$0xa]  }
0x90: {  	[tilespmem:s14], [sflag:$0x8] =	stream.indirect.gather [hbm4b:s12+s23], $0x1, s13, s23, $0xb8;
	[tilespmem:$0x76D0] =	vst v63  }
0x91: {  	s12 =	simm.s32 $0x0  }
0x92: {  	s13 =	simm.s32 $0x40;
	v0 =	vld [tilespmem:s12+$0x1000]  }
.LBB2_18:
0x93: {  	_ =	sdelay $0x1  }
0x94: {  	p0 =	sne.s32 s13, $0x7C0  }
.Ltmp8:
0x95: {  	_ = 	snop;
	(pc) =	sbr.rel @p0 .LBB2_18-.Ltmp8, $4  }
0x96: {  	v1 =	vtrunc.f32 v0  }
0x97: {  	v1 =	vcvt.f32.s32 v1  }
0x98: {  	s14 =	sshra.s32 s13, $0x2  }
0x99: {  	s13 =	sadd.s32 $0x40, s13;
	v0 =	vld [tilespmem:s14+$0x1000];
	[tilespmem:s12+$0x4800] =	vst v1;
	s12 =	smov.u32 s14  }
0x9a: {  	_ =	sdelay $0x3  }
0x9b: {  	v0 =	vtrunc.f32 v0  }
0x9c: {  	v0 =	vcvt.f32.s32 v0;
	_ =	sdelay $0x1  }
0x9d: {  	s13 =	simm.s32 $0x4800;
	s14 =	simm.s32 $0x6600;
	[tilespmem:s12+$0x4800] =	vst v0;
	s12 =	rddreg [dreg:$0xb]  }
0x9e: {  	[tilespmem:s14], [sflag:$0x9] =	stream.indirect.gather [hbm4b:s12+s23], $0x1, s13, s23, $0xb8;
	[tilespmem:$0x76D0] =	vst v63  }
0x9f: {  	s12 =	simm.s32 $0x0  }
0xa0: {  	s13 =	simm.s32 $0x40;
	v0 =	vld [tilespmem:s12+$0x1200]  }
.LBB2_20:
0xa1: {  	_ =	sdelay $0x1  }
0xa2: {  	p0 =	sne.s32 s13, $0x7C0  }
.Ltmp9:
0xa3: {  	_ = 	snop;
	(pc) =	sbr.rel @p0 .LBB2_20-.Ltmp9, $4  }
0xa4: {  	v1 =	vtrunc.f32 v0  }
0xa5: {  	v1 =	vcvt.f32.s32 v1  }
0xa6: {  	s14 =	sshra.s32 s13, $0x2  }
0xa7: {  	s13 =	sadd.s32 $0x40, s13;
	v0 =	vld [tilespmem:s14+$0x1200];
	[tilespmem:s12+$0x4A00] =	vst v1;
	s12 =	smov.u32 s14  }
0xa8: {  	_ =	sdelay $0x3  }
0xa9: {  	v0 =	vtrunc.f32 v0  }
0xaa: {  	v0 =	vcvt.f32.s32 v0;
	_ =	sdelay $0x1  }
0xab: {  	s13 =	simm.s32 $0x4A00;
	s14 =	simm.s32 $0x6800;
	[tilespmem:s12+$0x4A00] =	vst v0;
	s12 =	rddreg [dreg:$0xc]  }
0xac: {  	[tilespmem:s14], [sflag:$0xA] =	stream.indirect.gather [hbm4b:s12+s23], $0x1, s13, s23, $0xb8;
	[tilespmem:$0x76D0] =	vst v63  }
0xad: {  	s12 =	simm.s32 $0x0  }
0xae: {  	s13 =	simm.s32 $0x40;
	v0 =	vld [tilespmem:s12+$0x1400]  }
.LBB2_22:
0xaf: {  	_ =	sdelay $0x1  }
0xb0: {  	p0 =	sne.s32 s13, $0x7C0  }
.Ltmp10:
0xb1: {  	_ = 	snop;
	(pc) =	sbr.rel @p0 .LBB2_22-.Ltmp10, $4  }
0xb2: {  	v1 =	vtrunc.f32 v0  }
0xb3: {  	v1 =	vcvt.f32.s32 v1  }
0xb4: {  	s14 =	sshra.s32 s13, $0x2  }
0xb5: {  	s13 =	sadd.s32 $0x40, s13;
	v0 =	vld [tilespmem:s14+$0x1400];
	[tilespmem:s12+$0x4C00] =	vst v1;
	s12 =	smov.u32 s14  }
0xb6: {  	_ =	sdelay $0x3  }
0xb7: {  	v0 =	vtrunc.f32 v0  }
0xb8: {  	v0 =	vcvt.f32.s32 v0;
	_ =	sdelay $0x1  }
0xb9: {  	s14 =	simm.s32 $0x4C00;
	s13 =	simm.s32 $0x6A00;
	[tilespmem:s12+$0x4C00] =	vst v0;
	s12 =	simm.s32 $0x0  }
0xba: {  	[tilespmem:s13], [sflag:$0xB] =	stream.indirect.gather [hbm4b:s15+s23], $0x1, s14, s23, $0xb8;
	[tilespmem:$0x76D0] =	vst v63  }
0xbb: {  	s13 =	simm.s32 $0x40;
	v0 =	vld [tilespmem:s12+$0x1600]  }
.LBB2_24:
0xbc: {  	_ =	sdelay $0x1  }
0xbd: {  	p0 =	sne.s32 s13, $0x7C0  }
.Ltmp11:
0xbe: {  	_ = 	snop;
	(pc) =	sbr.rel @p0 .LBB2_24-.Ltmp11, $4  }
0xbf: {  	v1 =	vtrunc.f32 v0  }
0xc0: {  	v1 =	vcvt.f32.s32 v1  }
0xc1: {  	s14 =	sshra.s32 s13, $0x2  }
0xc2: {  	s13 =	sadd.s32 $0x40, s13;
	v0 =	vld [tilespmem:s14+$0x1600];
	[tilespmem:s12+$0x4E00] =	vst v1;
	s12 =	smov.u32 s14  }
0xc3: {  	_ =	sdelay $0x3  }
0xc4: {  	v0 =	vtrunc.f32 v0  }
0xc5: {  	v0 =	vcvt.f32.s32 v0;
	_ =	sdelay $0x1  }
0xc6: {  	s14 =	simm.s32 $0x4E00;
	s13 =	simm.s32 $0x6C00;
	[tilespmem:s12+$0x4E00] =	vst v0;
	s12 =	simm.s32 $0x0  }
0xc7: {  	[tilespmem:s13], [sflag:$0xC] =	stream.indirect.gather [hbm4b:s16+s23], $0x1, s14, s23, $0xb8;
	[tilespmem:$0x76D0] =	vst v63  }
0xc8: {  	s13 =	simm.s32 $0x40;
	v0 =	vld [tilespmem:s12+$0x1800]  }
.LBB2_26:
0xc9: {  	_ =	sdelay $0x1  }
0xca: {  	p0 =	sne.s32 s13, $0x7C0  }
.Ltmp12:
0xcb: {  	_ = 	snop;
	(pc) =	sbr.rel @p0 .LBB2_26-.Ltmp12, $4  }
0xcc: {  	v1 =	vtrunc.f32 v0  }
0xcd: {  	v1 =	vcvt.f32.s32 v1  }
0xce: {  	s14 =	sshra.s32 s13, $0x2  }
0xcf: {  	s13 =	sadd.s32 $0x40, s13;
	v0 =	vld [tilespmem:s14+$0x1800];
	[tilespmem:s12+$0x5000] =	vst v1;
	s12 =	smov.u32 s14  }
0xd0: {  	_ =	sdelay $0x3  }
0xd1: {  	v0 =	vtrunc.f32 v0  }
0xd2: {  	v0 =	vcvt.f32.s32 v0;
	_ =	sdelay $0x1  }
0xd3: {  	s14 =	simm.s32 $0x5000;
	s13 =	simm.s32 $0x6E00;
	[tilespmem:s12+$0x5000] =	vst v0;
	s12 =	simm.s32 $0x0  }
0xd4: {  	[tilespmem:s13], [sflag:$0xD] =	stream.indirect.gather [hbm4b:s17+s23], $0x1, s14, s23, $0xb8;
	[tilespmem:$0x76D0] =	vst v63  }
0xd5: {  	s13 =	simm.s32 $0x40;
	v0 =	vld [tilespmem:s12+$0x1A00]  }
.LBB2_28:
0xd6: {  	_ =	sdelay $0x1  }
0xd7: {  	p0 =	sne.s32 s13, $0x7C0  }
.Ltmp13:
0xd8: {  	_ = 	snop;
	(pc) =	sbr.rel @p0 .LBB2_28-.Ltmp13, $4  }
0xd9: {  	v1 =	vtrunc.f32 v0  }
0xda: {  	v1 =	vcvt.f32.s32 v1  }
0xdb: {  	s14 =	sshra.s32 s13, $0x2  }
0xdc: {  	s13 =	sadd.s32 $0x40, s13;
	v0 =	vld [tilespmem:s14+$0x1A00];
	[tilespmem:s12+$0x5200] =	vst v1;
	s12 =	smov.u32 s14  }
0xdd: {  	_ =	sdelay $0x3  }
0xde: {  	v0 =	vtrunc.f32 v0  }
0xdf: {  	v0 =	vcvt.f32.s32 v0;
	_ =	sdelay $0x1  }
0xe0: {  	s14 =	simm.s32 $0x5200;
	s13 =	simm.s32 $0x7000;
	[tilespmem:s12+$0x5200] =	vst v0;
	s12 =	simm.s32 $0x0  }
0xe1: {  	[tilespmem:s13], [sflag:$0xE] =	stream.indirect.gather [hbm4b:s18+s23], $0x1, s14, s23, $0xb8;
	[tilespmem:$0x76D0] =	vst v63  }
0xe2: {  	s13 =	simm.s32 $0x40;
	v0 =	vld [tilespmem:s12+$0x1C00]  }
.LBB2_30:
0xe3: {  	_ =	sdelay $0x1  }
0xe4: {  	p0 =	sne.s32 s13, $0x7C0  }
.Ltmp14:
0xe5: {  	_ = 	snop;
	(pc) =	sbr.rel @p0 .LBB2_30-.Ltmp14, $4  }
0xe6: {  	v1 =	vtrunc.f32 v0  }
0xe7: {  	v1 =	vcvt.f32.s32 v1  }
0xe8: {  	s14 =	sshra.s32 s13, $0x2  }
0xe9: {  	s13 =	sadd.s32 $0x40, s13;
	v0 =	vld [tilespmem:s14+$0x1C00];
	[tilespmem:s12+$0x5400] =	vst v1;
	s12 =	smov.u32 s14  }
0xea: {  	_ =	sdelay $0x3  }
0xeb: {  	v0 =	vtrunc.f32 v0  }
0xec: {  	v0 =	vcvt.f32.s32 v0;
	_ =	sdelay $0x1  }
0xed: {  	s13 =	simm.s32 $0x5400;
	s14 =	simm.s32 $0x7200;
	[tilespmem:s12+$0x5400] =	vst v0;
	s12 =	rddreg [dreg:$0x0]  }
0xee: {  	[tilespmem:s14], [sflag:$0xF] =	stream.indirect.gather [hbm4b:s12+s23], $0x1, s13, s23, $0xb8;
	[tilespmem:$0x76D0] =	vst v63  }
0xef: {  	s12 =	simm.s32 $0x0  }
0xf0: {  	s13 =	simm.s32 $0x40;
	v0 =	vld [tilespmem:s12+$0x1E00]  }
.LBB2_32:
0xf1: {  	p0 =	sne.s32 s13, $0x7C0;
	v1 =	vld [tilespmem:$0x7600]  }
0xf2: {  	v2 =	vld [tilespmem:s12+$0x2000]  }
0xf3: {  	v3 =	vld [tilespmem:$0x7610]  }
0xf4: {  	v4 =	vld [tilespmem:s12+$0x2200]  }
0xf5: {  	v5 =	vld [tilespmem:$0x7620]  }
0xf6: {  	v0 =	vmul.f32 v1, v0;
	v1 =	vld [tilespmem:s12+$0x2400]  }
0xf7: {  	v6 =	vld [tilespmem:$0x7630]  }
0xf8: {  	v0 =	vadd.f32 $0.0e+00, v0;
	v2 =	vmul.f32 v3, v2;
	v3 =	vld [tilespmem:s12+$0x2600]  }
0xf9: {  	v7 =	vld [tilespmem:$0x7640]  }
0xfa: {  	v0 =	vadd.f32 v2, v0;
	v2 =	vmul.f32 v5, v4;
	v4 =	vld [tilespmem:s12+$0x2800]  }
0xfb: {  	v5 =	vld [tilespmem:$0x7650]  }
0xfc: {  	v0 =	vadd.f32 v2, v0;
	v1 =	vmul.f32 v6, v1;
	v2 =	vld [tilespmem:s12+$0x2A00]  }
0xfd: {  	v6 =	vld [tilespmem:$0x7660]  }
0xfe: {  	v0 =	vadd.f32 v1, v0;
	v1 =	vmul.f32 v7, v3;
	v3 =	vld [tilespmem:s12+$0x2C00]  }
0xff: {  	v7 =	vld [tilespmem:$0x7670]  }
0x100: {  	v0 =	vadd.f32 v1, v0;
	v1 =	vmul.f32 v5, v4;
	v4 =	vld [tilespmem:s12+$0x2E00]  }
0x101: {  	v5 =	vld [tilespmem:$0x7680]  }
0x102: {  	v0 =	vadd.f32 v1, v0;
	v1 =	vmul.f32 v6, v2;
	v2 =	vld [tilespmem:s12+$0x3000]  }
0x103: {  	v6 =	vld [tilespmem:$0x7690]  }
0x104: {  	v0 =	vadd.f32 v1, v0;
	v1 =	vmul.f32 v7, v3;
	v3 =	vld [tilespmem:s12+$0x3200]  }
0x105: {  	v7 =	vld [tilespmem:$0x76A0]  }
0x106: {  	v0 =	vadd.f32 v1, v0;
	v1 =	vmul.f32 v5, v4;
	v4 =	vld [tilespmem:s12+$0x3400]  }
0x107: {  	v5 =	vld [tilespmem:$0x76B0]  }
0x108: {  	v0 =	vadd.f32 v1, v0;
	v1 =	vmul.f32 v6, v2;
	v2 =	vld [tilespmem:s12+$0x3600]  }
0x109: {  	v6 =	vld [tilespmem:$0x76C0]  }
0x10a: {  	v0 =	vadd.f32 v1, v0;
	v1 =	vmul.f32 v7, v3;
	_ =	sdelay $0x1  }
0x10b: {  	v0 =	vadd.f32 v1, v0;
	v1 =	vmul.f32 v5, v4;
	_ =	sdelay $0x1  }
.Ltmp15:
0x10c: {  	v0 =	vadd.f32 v1, v0;
	v1 =	vmul.f32 v6, v2;
	(pc) =	sbr.rel @p0 .LBB2_32-.Ltmp15, $4  }
0x10d: {  	_ = 	snop  }
0x10e: {  	v1 =	vadd.f32 v1, v0  }
0x10f: {  	s14 =	sshra.s32 s13, $0x2  }
0x110: {  	s13 =	sadd.s32 $0x40, s13;
	v0 =	vld [tilespmem:s14+$0x1E00];
	[tilespmem:s12+$0x7400] =	vst v1;
	s12 =	smov.u32 s14  }
0x111: {  	v1 =	vld [tilespmem:$0x7600]  }
0x112: {  	v2 =	vld [tilespmem:s12+$0x2000]  }
0x113: {  	v3 =	vld [tilespmem:$0x7610]  }
0x114: {  	v4 =	vld [tilespmem:s12+$0x2200]  }
0x115: {  	v5 =	vld [tilespmem:$0x7620]  }
0x116: {  	v6 =	vld [tilespmem:$0x7630];
	v0 =	vmul.f32 v1, v0  }
0x117: {  	v1 =	vld [tilespmem:s12+$0x2400]  }
0x118: {  	v7 =	vld [tilespmem:$0x7640];
	v2 =	vmul.f32 v3, v2;
	v0 =	vadd.f32 $0.0e+00, v0  }
0x119: {  	v3 =	vld [tilespmem:s12+$0x2600]  }
0x11a: {  	v53 =	vld [tilespmem:s12+$0x2800];
	v0 =	vadd.f32 v2, v0;
	v2 =	vmul.f32 v5, v4  }
0x11b: {  	v54 =	vld [tilespmem:$0x7650]  }
0x11c: {  	v55 =	vld [tilespmem:$0x7660];
	v1 =	vmul.f32 v6, v1;
	v0 =	vadd.f32 v2, v0  }
0x11d: {  	v2 =	vld [tilespmem:s12+$0x2A00]  }
0x11e: {  	v56 =	vld [tilespmem:$0x7670];
	v0 =	vadd.f32 v1, v0;
	v1 =	vmul.f32 v7, v3  }
0x11f: {  	v3 =	vld [tilespmem:s12+$0x2C00]  }
0x120: {  	v57 =	vld [tilespmem:s12+$0x2E00];
	v0 =	vadd.f32 v1, v0;
	v1 =	vmul.f32 v54, v53  }
0x121: {  	v58 =	vld [tilespmem:$0x7680]  }
0x122: {  	v59 =	vld [tilespmem:$0x7690];
	v0 =	vadd.f32 v1, v0;
	v1 =	vmul.f32 v55, v2  }
0x123: {  	v2 =	vld [tilespmem:s12+$0x3000]  }
0x124: {  	v60 =	vld [tilespmem:$0x76A0];
	v0 =	vadd.f32 v1, v0;
	v1 =	vmul.f32 v56, v3  }
0x125: {  	v3 =	vld [tilespmem:s12+$0x3200]  }
0x126: {  	v61 =	vld [tilespmem:s12+$0x3400];
	v0 =	vadd.f32 v1, v0;
	v1 =	vmul.f32 v58, v57  }
0x127: {  	v62 =	vld [tilespmem:$0x76B0]  }
0x128: {  	v63 =	vld [tilespmem:$0x76C0];
	v0 =	vadd.f32 v1, v0;
	v1 =	vmul.f32 v59, v2  }
0x129: {  	v2 =	vld [tilespmem:s12+$0x3600]  }
0x12a: {  	v0 =	vadd.f32 v1, v0;
	v1 =	vmul.f32 v60, v3;
	_ =	sdelay $0x1  }
0x12b: {  	v0 =	vadd.f32 v1, v0;
	v1 =	vmul.f32 v62, v61;
	_ =	sdelay $0x1  }
0x12c: {  	v0 =	vadd.f32 v1, v0;
	v1 =	vmul.f32 v63, v2;
	_ =	sdelay $0x1  }
0x12d: {  	v0 =	vadd.f32 v1, v0;
	_ =	sdelay $0x1  }
0x12e: {  	[tilespmem:s12+$0x7400] =	vst v0  }
0x12f: {  	_ =	swait.ge [sflag:s2], $0x200  }
0x130: {  	[sflag:s2] =	ssyncset.done $0x0  }
0x131: {  	[sflag:s2] =	ssyncadd.s32 $0xFFFFFE00  }
0x132: {  	_ =	swait.ge [sflag:s26], $0x200  }
0x133: {  	[sflag:s26] =	ssyncset.done $0x0  }
0x134: {  	[sflag:s26] =	ssyncadd.s32 $0xFFFFFE00  }
0x135: {  	_ =	swait.ge [sflag:s28], $0x200  }
0x136: {  	[sflag:s28] =	ssyncset.done $0x0  }
0x137: {  	[sflag:s28] =	ssyncadd.s32 $0xFFFFFE00  }
0x138: {  	_ =	swait.ge [sflag:s29], $0x200  }
0x139: {  	[sflag:s29] =	ssyncset.done $0x0  }
0x13a: {  	s12 =	simm.s32 $0x0;
	[sflag:s29] =	ssyncadd.s32 $0xFFFFFE00  }
0x13b: {  	s13 =	simm.s32 $0x40;
	v0 =	vld [tilespmem:s12+$0x5600]  }
.LBB2_34:
0x13c: {  	p0 =	sne.s32 s13, $0x7C0;
	v1 =	vld [tilespmem:s12+$0x7400];
	_ =	sdelay $0x1  }
0x13d: {  	v2 =	vld [tilespmem:s12+$0x5800];
	_ =	sdelay $0x1  }
0x13e: {  	v3 =	vld [tilespmem:s12+$0x5A00]  }
0x13f: {  	v0 =	vadd.f32 v0, v1  }
0x140: {  	v1 =	vld [tilespmem:s12+$0x5C00]  }
0x141: {  	v0 =	vadd.f32 v2, v0;
	_ =	sdelay $0x1  }
.Ltmp16:
0x142: {  	v0 =	vadd.f32 v3, v0;
	(pc) =	sbr.rel @p0 .LBB2_34-.Ltmp16, $4  }
0x143: {  	_ = 	snop  }
0x144: {  	v1 =	vadd.f32 v1, v0  }
0x145: {  	s14 =	sshra.s32 s13, $0x2  }
0x146: {  	s13 =	sadd.s32 $0x40, s13;
	v0 =	vld [tilespmem:s14+$0x5600];
	[tilespmem:s12+$0x7400] =	vst v1;
	s12 =	smov.u32 s14  }
0x147: {  	v1 =	vld [tilespmem:s12+$0x7400];
	_ =	sdelay $0x1  }
0x148: {  	v2 =	vld [tilespmem:s12+$0x5800];
	_ =	sdelay $0x1  }
0x149: {  	v3 =	vld [tilespmem:s12+$0x5A00]  }
0x14a: {  	v0 =	vadd.f32 v0, v1  }
0x14b: {  	v1 =	vld [tilespmem:s12+$0x5C00]  }
0x14c: {  	v0 =	vadd.f32 v2, v0;
	_ =	sdelay $0x1  }
0x14d: {  	v0 =	vadd.f32 v3, v0;
	_ =	sdelay $0x1  }
0x14e: {  	v0 =	vadd.f32 v1, v0;
	_ =	sdelay $0x1  }
0x14f: {  	[tilespmem:s12+$0x7400] =	vst v0  }
0x150: {  	_ =	swait.ge [sflag:s30], $0x200  }
0x151: {  	[sflag:s30] =	ssyncset.done $0x0  }
0x152: {  	[sflag:s30] =	ssyncadd.s32 $0xFFFFFE00  }
0x153: {  	_ =	swait.ge [sflag:s31], $0x200  }
0x154: {  	[sflag:s31] =	ssyncset.done $0x0  }
0x155: {  	[sflag:s31] =	ssyncadd.s32 $0xFFFFFE00  }
0x156: {  	_ =	swait.ge [sflag:s0], $0x200  }
0x157: {  	[sflag:s0] =	ssyncset.done $0x0  }
0x158: {  	[sflag:s0] =	ssyncadd.s32 $0xFFFFFE00  }
0x159: {  	_ =	swait.ge [sflag:s11], $0x200  }
0x15a: {  	[sflag:s11] =	ssyncset.done $0x0  }
0x15b: {  	s12 =	simm.s32 $0x0;
	[sflag:s11] =	ssyncadd.s32 $0xFFFFFE00  }
0x15c: {  	s13 =	simm.s32 $0x40;
	v0 =	vld [tilespmem:s12+$0x5E00]  }
.LBB2_36:
0x15d: {  	p0 =	sne.s32 s13, $0x7C0;
	v1 =	vld [tilespmem:s12+$0x7400];
	_ =	sdelay $0x1  }
0x15e: {  	v2 =	vld [tilespmem:s12+$0x6000];
	_ =	sdelay $0x1  }
0x15f: {  	v3 =	vld [tilespmem:s12+$0x6200]  }
0x160: {  	v0 =	vadd.f32 v0, v1  }
0x161: {  	v1 =	vld [tilespmem:s12+$0x6400]  }
0x162: {  	v0 =	vadd.f32 v2, v0;
	_ =	sdelay $0x1  }
.Ltmp17:
0x163: {  	v0 =	vadd.f32 v3, v0;
	(pc) =	sbr.rel @p0 .LBB2_36-.Ltmp17, $4  }
0x164: {  	_ = 	snop  }
0x165: {  	v1 =	vadd.f32 v1, v0  }
0x166: {  	s14 =	sshra.s32 s13, $0x2  }
0x167: {  	s13 =	sadd.s32 $0x40, s13;
	v0 =	vld [tilespmem:s14+$0x5E00];
	[tilespmem:s12+$0x7400] =	vst v1;
	s12 =	smov.u32 s14  }
0x168: {  	v1 =	vld [tilespmem:s12+$0x7400];
	_ =	sdelay $0x1  }
0x169: {  	v2 =	vld [tilespmem:s12+$0x6000];
	_ =	sdelay $0x1  }
0x16a: {  	v3 =	vld [tilespmem:s12+$0x6200]  }
0x16b: {  	v0 =	vadd.f32 v0, v1  }
0x16c: {  	v1 =	vld [tilespmem:s12+$0x6400]  }
0x16d: {  	v0 =	vadd.f32 v2, v0;
	_ =	sdelay $0x1  }
0x16e: {  	v0 =	vadd.f32 v3, v0;
	_ =	sdelay $0x1  }
0x16f: {  	v0 =	vadd.f32 v1, v0;
	_ =	sdelay $0x1  }
0x170: {  	[tilespmem:s12+$0x7400] =	vst v0  }
0x171: {  	_ =	swait.ge [sflag:s1], $0x200  }
0x172: {  	[sflag:s1] =	ssyncset.done $0x0  }
0x173: {  	[sflag:s1] =	ssyncadd.s32 $0xFFFFFE00  }
0x174: {  	_ =	swait.ge [sflag:s4], $0x200  }
0x175: {  	[sflag:s4] =	ssyncset.done $0x0  }
0x176: {  	[sflag:s4] =	ssyncadd.s32 $0xFFFFFE00  }
0x177: {  	_ =	swait.ge [sflag:s5], $0x200  }
0x178: {  	[sflag:s5] =	ssyncset.done $0x0  }
0x179: {  	[sflag:s5] =	ssyncadd.s32 $0xFFFFFE00  }
0x17a: {  	_ =	swait.ge [sflag:s6], $0x200  }
0x17b: {  	[sflag:s6] =	ssyncset.done $0x0  }
0x17c: {  	s12 =	simm.s32 $0x0;
	[sflag:s6] =	ssyncadd.s32 $0xFFFFFE00  }
0x17d: {  	s13 =	simm.s32 $0x40;
	v0 =	vld [tilespmem:s12+$0x6600]  }
.LBB2_38:
0x17e: {  	p0 =	sne.s32 s13, $0x7C0;
	v1 =	vld [tilespmem:s12+$0x7400];
	_ =	sdelay $0x1  }
0x17f: {  	v2 =	vld [tilespmem:s12+$0x6800];
	_ =	sdelay $0x1  }
0x180: {  	v3 =	vld [tilespmem:s12+$0x6A00]  }
0x181: {  	v0 =	vadd.f32 v0, v1  }
0x182: {  	v1 =	vld [tilespmem:s12+$0x6C00]  }
0x183: {  	v0 =	vadd.f32 v2, v0;
	_ =	sdelay $0x1  }
.Ltmp18:
0x184: {  	v0 =	vadd.f32 v3, v0;
	(pc) =	sbr.rel @p0 .LBB2_38-.Ltmp18, $4  }
0x185: {  	_ = 	snop  }
0x186: {  	v1 =	vadd.f32 v1, v0  }
0x187: {  	s14 =	sshra.s32 s13, $0x2  }
0x188: {  	s13 =	sadd.s32 $0x40, s13;
	v0 =	vld [tilespmem:s14+$0x6600];
	[tilespmem:s12+$0x7400] =	vst v1;
	s12 =	smov.u32 s14  }
0x189: {  	v1 =	vld [tilespmem:s12+$0x7400];
	_ =	sdelay $0x1  }
0x18a: {  	v2 =	vld [tilespmem:s12+$0x6800];
	_ =	sdelay $0x1  }
0x18b: {  	v3 =	vld [tilespmem:s12+$0x6A00]  }
0x18c: {  	v0 =	vadd.f32 v0, v1  }
0x18d: {  	v1 =	vld [tilespmem:s12+$0x6C00]  }
0x18e: {  	v0 =	vadd.f32 v2, v0;
	_ =	sdelay $0x1  }
0x18f: {  	v0 =	vadd.f32 v3, v0;
	_ =	sdelay $0x1  }
0x190: {  	v0 =	vadd.f32 v1, v0;
	_ =	sdelay $0x1  }
0x191: {  	[tilespmem:s12+$0x7400] =	vst v0  }
0x192: {  	_ =	swait.ge [sflag:s7], $0x200  }
0x193: {  	[sflag:s7] =	ssyncset.done $0x0  }
0x194: {  	[sflag:s7] =	ssyncadd.s32 $0xFFFFFE00  }
0x195: {  	_ =	swait.ge [sflag:s8], $0x200  }
0x196: {  	[sflag:s8] =	ssyncset.done $0x0  }
0x197: {  	[sflag:s8] =	ssyncadd.s32 $0xFFFFFE00  }
0x198: {  	_ =	swait.ge [sflag:s9], $0x200  }
0x199: {  	[sflag:s9] =	ssyncset.done $0x0  }
0x19a: {  	s12 =	simm.s32 $0x0;
	[sflag:s9] =	ssyncadd.s32 $0xFFFFFE00  }
0x19b: {  	s13 =	simm.s32 $0x40;
	v0 =	vld [tilespmem:s12+$0x6E00]  }
.LBB2_40:
0x19c: {  	p0 =	sne.s32 s13, $0x7C0;
	v1 =	vld [tilespmem:s12+$0x7400];
	_ =	sdelay $0x1  }
0x19d: {  	v2 =	vld [tilespmem:s12+$0x7000];
	_ =	sdelay $0x1  }
0x19e: {  	v3 =	vld [tilespmem:s12+$0x7200]  }
0x19f: {  	v0 =	vadd.f32 v0, v1;
	_ =	sdelay $0x1  }
.Ltmp19:
0x1a0: {  	v0 =	vadd.f32 v2, v0;
	(pc) =	sbr.rel @p0 .LBB2_40-.Ltmp19, $4  }
0x1a1: {  	_ = 	snop  }
0x1a2: {  	v1 =	vadd.f32 v3, v0  }
0x1a3: {  	s14 =	sshra.s32 s13, $0x2  }
0x1a4: {  	s13 =	sadd.s32 $0x40, s13;
	v0 =	vld [tilespmem:s14+$0x6E00];
	[tilespmem:s12+$0x7400] =	vst v1;
	s12 =	smov.u32 s14  }
0x1a5: {  	v1 =	vld [tilespmem:s12+$0x7400];
	_ =	sdelay $0x1  }
0x1a6: {  	v2 =	vld [tilespmem:s12+$0x7000];
	_ =	sdelay $0x1  }
0x1a7: {  	v3 =	vld [tilespmem:s12+$0x7200]  }
0x1a8: {  	v0 =	vadd.f32 v0, v1;
	_ =	sdelay $0x1  }
0x1a9: {  	v0 =	vadd.f32 v2, v0;
	_ =	sdelay $0x1  }
0x1aa: {  	s10 =	sadd.s32 $0x1, s10;
	v0 =	vadd.f32 v3, v0  }
0x1ab: {  	p0 =	sne.s32 s10, s22  }
.Ltmp20:
0x1ac: {  	s14 =	simm.s32 $0x7400;
	[tilespmem:s12+$0x7400] =	vst v0;
	(pc) =	sbr.rel @p0 .LBB2_1-.Ltmp20, $4  }
0x1ad: {  	[hbm4b:s21+s3] =	stream.linear.scatter [tilespmem:s14], [sflag:$0x10], $0x200, $0x38;
	[tilespmem:$0x76D0] =	vst v63  }
0x1ae: {  	_ =	swait.ge [sflag:s25], $0x200  }
0x1af: {  	[sflag:s25] =	ssyncset.done $0x0  }
0x1b0: {  	[sflag:s25] =	ssyncadd.s32 $0xFFFFFE00  }
0x1b1: {  	_ =	sfence.sel $0x180000  }
0x1b2: {  	[bflag:$0x0] =	sbarrier.arrive $0xFFFF  }
0x1b3: {  	_ =	strace $0x90000047  }
0x1b4: {  	s0 =	stileid.u32;
	[bflag:$0x2] =	sbarrier.arrive $0xFFFF  }
0x1b5: {  	p0 =	sne.s32 s0, $0x0;
	s0 =	rddreg [dreg:$0x2]  }
0x1b6: {  	s0 =	sadd.s32 @!p0 $0x100000, s0  }
0x1b7: {  	[sflag:s0] =	ssyncadd.tile.s32 @!p0 $0x1;
	_ =	shalt  }
.Lfunc_end2:
_tile_overlayer_lowered:
.L_overlay_start_2:
0x1b8: {  	(tag) =	ssettag $0x2  }
0x1b9: {  	s0 =	rddreg [dreg:$0x0];
	s2 =	stileid.u32  }
0x1ba: {  	s1 =	rddreg [dreg:$0x1];
	p0 =	sne.s32 s2, $0x0  }
0x1bb: {  	s3 =	rddreg [dreg:$0x2];
	[bflag:$0x3] =	sbarrier.arrive $0xFFFF;
	s2 =	simm.s32 @!p0 $0x1C10  }
0x1bc: {  	[timem:s3], [sflag:s2] =	dma.local @!p0 [hbm:s0], s1  }
0x1bd: {  	s0 =	simm.s32 @!p0 $0x10  }
0x1be: {  	_ =	swait.ge @!p0 [sflag:s0], s1  }
0x1bf: {  	s1 =	ssub.s32 @!p0 $0x0, s1;
	[sflag:s0] =	ssyncset.done @!p0 $0x0  }
0x1c0: {  	[sflag:s0] =	ssyncadd.s32 @!p0 s1  }
0x1c1: {  	[bflag:$0x3] =	sbarrier.arrive $0xFFFF  }
0x1c2: {  	_ =	shalt  }

// kernel: kernel.7.cloned.1.call-start
scs
__scs_entry_jumppad:
0x0: {  	(pc) =	sbr.rel $0x88, $3  }
0x1: {  	(tag) =	ssettag $0x0;
	lr =	simm.s32 $0x1  }
0x2: {  	[smem:$0x3F9E] =	sst lr;
	_ =	strace $0xD0000000  }
0x3: {  	_ = 	snop  }
0x4: {  	_ = 	snop  }
0x5: {  	_ = 	snop  }
0x6: {  	_ = 	snop  }
0x7: {  	_ = 	snop  }
__scs_overlays_trampoline_lowered:
0x8: {  	[smem:$0x3FAD] =	sst s0  }
0x9: {  	[smem:$0x3FAE] =	sst s1  }
0xa: {  	[smem:$0x3FAF] =	sst s2  }
0xb: {  	[smem:$0x3FB0] =	sst s3  }
0xc: {  	[smem:$0x3FB1] =	sst s4  }
0xd: {  	[smem:$0x3FB2] =	sst s5  }
0xe: {  	[smem:$0x3FB3] =	sst s6  }
0xf: {  	[smem:$0x3FB4] =	sst s7  }
0x10: {  	[smem:$0x3FB5] =	sst s8  }
0x11: {  	[smem:$0x3FB6] =	sst s9;
	s0 =	simm.s32 @!p0 $0x0  }
0x12: {  	s1 =	sld [smem:$0x3F9C];
	s0 =	simm.s32 @p0 $0x1  }
0x13: {  	[smem:$0x3FB7] =	sst s0;
	s0 =	simm.s32 @!p1 $0x0  }
0x14: {  	s2 =	sld [smem:$0x3F9B];
	s0 =	simm.s32 @p1 $0x1  }
0x15: {  	[smem:$0x3FB8] =	sst s0;
	s0 =	simm.s32 @!p2 $0x0  }
0x16: {  	s3 =	sld [smem:$0x3FDB];
	s0 =	simm.s32 @p2 $0x1  }
0x17: {  	s4 =	simm.s32 $0x1BF5;
	[smem:$0x3FBA] =	sst s0  }
0x18: {  	s0 =	sld [smem:$0x3F9D];
	_ =	swait.ge [sflag:s4], $0x0  }
0x19: {  	s7 =	sld [smem:$0x3F9E]  }
0x1a: {  	s8 =	sadd.s32 $0xFFFFE003, lr  }
0x1b: {  	s9 =	sadd.s32 $0xFFFFFEF7, lr;
	s5 =	simm.s32 $0xFFFFFFFF;
	p2 =	slt.u32 s8, $0xFFFFF086  }
0x1c: {  	p1 =	slt.u32 s9, $0xF7A;
	s5 =	simm.s32 @!p2 $0x0  }
0x1d: {  	s5 =	simm.s32 @p1 $0x1;
	p0 =	seq.s32 s7, s2  }
0x1e: {  	s7 =	smul.u32 @!p0 $0xF7A, s2;
	p2 =	seq.s32 @!p0 s5, $0x0  }
0x1f: {  	s9 =	smul.u32 $0xF7A, s1;
	s8 =	simm.s32 @!p0 $0x1BF5;
	p2 =	por !p2, p0  }
0x20: {  	[sflag:s8] =	ssyncset.s32 @!p0 $0xFFFFF086;
	s6 =	sadd.s32 @!p0 s3, s7;
	s7 =	simm.s32 @!p0 $0x108  }
0x21: {  	s3 =	sadd.s32 s3, s9;
	s6 =	sadd.s32 @!p0 $0x88, s6;
	s7 =	simm.s32 @p2 $0x1082  }
0x22: {  	[simem:s7], [sflag:s8] =	dma.local @!p0 [hbm:s6], $0xF7A  }
0x23: {  	s9 =	sor.u32 $0xD0000000, s2;
	s6 =	simm.s32 $0x108;
	_ =	swait.ge @!p0 [sflag:s8], $0x0  }
0x24: {  	s3 =	sadd.s32 $0x88, s3;
	s6 =	simm.s32 @!p1 $0x1082;
	[sflag:s4] =	ssyncset.s32 $0xFFFFF086  }
0x25: {  	[simem:s6], [sflag:s4] =	dma.local [hbm:s3], $0xF7A  }
0x26: {  	[smem:$0x3F9E] =	sst s1;
	(tag) =	ssettag s2;
	_ =	strace s9  }
0x27: {  	s1 =	sld [smem:$0x3FAE]  }
0x28: {  	s2 =	sld [smem:$0x3FAF]  }
0x29: {  	s4 =	sld [smem:$0x3FB1]  }
0x2a: {  	p0 =	seq.s32 s5, $0x0;
	s5 =	sld [smem:$0x3FB2]  }
0x2b: {  	s6 =	sld [smem:$0x3FB3]  }
0x2c: {  	s7 =	sld [smem:$0x3FB4]  }
0x2d: {  	s3 =	simm.s32 $0x108;
	s8 =	sld [smem:$0x3FB5]  }
0x2e: {  	s3 =	simm.s32 @!p0 $0x1082;
	s9 =	sld [smem:$0x3FB6]  }
0x2f: {  	lr =	sadd.s32 s0, s3;
	s0 =	sld [smem:$0x3FAD]  }
0x30: {  	s3 =	sld [smem:$0x3FB0]  }
0x31: {  	[smem:$0x3FB9] =	sst s10  }
0x32: {  	s10 =	sld [smem:$0x3FB7];
	_ =	sdelay $0x3  }
0x33: {  	p0 =	seq.s32 s10, $0x1;
	s10 =	sld [smem:$0x3FB9];
	_ =	sdelay $0x3  }
0x34: {  	[smem:$0x3FB9] =	sst s10  }
0x35: {  	s10 =	sld [smem:$0x3FB8];
	_ =	sdelay $0x3  }
0x36: {  	p1 =	seq.s32 s10, $0x1;
	s10 =	sld [smem:$0x3FB9];
	_ =	sdelay $0x3  }
0x37: {  	[smem:$0x3FB9] =	sst s10  }
0x38: {  	s10 =	sld [smem:$0x3FBA]  }
0x39: {  	_ = 	snop;
	(pc) =	sbr.ind lr, $3  }
0x3a: {  	_ = 	snop  }
0x3b: {  	_ = 	snop  }
0x3c: {  	p2 =	seq.s32 s10, $0x1;
	s10 =	sld [smem:$0x3FB9]  }
0x3d: {  	_ =	shalt  }
0x3e: {  	_ =	shalt  }
0x3f: {  	_ =	shalt  }
0x40: {  	_ =	shalt  }
0x41: {  	_ =	shalt  }
0x42: {  	_ =	shalt  }
0x43: {  	_ =	shalt  }
0x44: {  	_ =	shalt  }
0x45: {  	_ =	shalt  }
0x46: {  	_ =	shalt  }
0x47: {  	_ =	shalt  }
0x48: {  	_ =	shalt  }
0x49: {  	_ =	shalt  }
0x4a: {  	_ =	shalt  }
0x4b: {  	_ =	shalt  }
0x4c: {  	_ =	shalt  }
0x4d: {  	_ =	shalt  }
0x4e: {  	_ =	shalt  }
0x4f: {  	_ =	shalt  }
0x50: {  	_ =	shalt  }
0x51: {  	_ =	shalt  }
0x52: {  	_ =	shalt  }
0x53: {  	_ =	shalt  }
0x54: {  	_ =	shalt  }
0x55: {  	_ =	shalt  }
0x56: {  	_ =	shalt  }
0x57: {  	_ =	shalt  }
0x58: {  	_ =	shalt  }
0x59: {  	_ =	shalt  }
0x5a: {  	_ =	shalt  }
0x5b: {  	_ =	shalt  }
0x5c: {  	_ =	shalt  }
0x5d: {  	_ =	shalt  }
0x5e: {  	_ =	shalt  }
0x5f: {  	_ =	shalt  }
0x60: {  	_ =	shalt  }
0x61: {  	_ =	shalt  }
0x62: {  	_ =	shalt  }
0x63: {  	_ =	shalt  }
0x64: {  	_ =	shalt  }
0x65: {  	_ =	shalt  }
0x66: {  	_ =	shalt  }
0x67: {  	_ =	shalt  }
0x68: {  	_ =	shalt  }
0x69: {  	_ =	shalt  }
0x6a: {  	_ =	shalt  }
0x6b: {  	_ =	shalt  }
0x6c: {  	_ =	shalt  }
0x6d: {  	_ =	shalt  }
0x6e: {  	_ =	shalt  }
0x6f: {  	_ =	shalt  }
0x70: {  	_ =	shalt  }
0x71: {  	_ =	shalt  }
0x72: {  	_ =	shalt  }
0x73: {  	_ =	shalt  }
0x74: {  	_ =	shalt  }
0x75: {  	_ =	shalt  }
0x76: {  	_ =	shalt  }
0x77: {  	_ =	shalt  }
0x78: {  	_ =	shalt  }
0x79: {  	_ =	shalt  }
0x7a: {  	_ =	shalt  }
0x7b: {  	_ =	shalt  }
0x7c: {  	_ =	shalt  }
0x7d: {  	_ =	shalt  }
0x7e: {  	_ =	shalt  }
0x7f: {  	_ =	shalt  }
0x80: {  	_ =	shalt  }
0x81: {  	_ =	shalt  }
0x82: {  	_ =	shalt  }
0x83: {  	_ =	shalt  }
0x84: {  	_ =	shalt  }
0x85: {  	_ =	shalt  }
0x86: {  	_ =	shalt  }
0x87: {  	_ =	shalt  }
.Lfunc_end0:
.L_simem_size_0:
called_computation.1_lowered:
.L_overlay_start_0:
0x88: {  	s2 =	sld [smem:$0x3FD9]  }
0x89: {  	s3 =	sld [smem:$0x3FFE];
	_ =	sdelay $0x1  }
0x8a: {  	s1 =	srdreg.scid  }
0x8b: {  	s0 =	sand.u32 $0x1, s1  }
0x8c: {  	s17 =	sshll.u32 s0, $0xA;
	s2 =	sadd.s32 s3, s2  }
0x8d: {  	s2 =	sadd.s32 s2, s17  }
0x8e: {  	[smem:$0x3FC5] =	sst s2  }
0x8f: {  	_ = 	snop  }
0x90: {  	s2 =	sld [smem:$0x3FD0];
	(tm) =	ssettm $0x1  }
0x91: {  	s18 =	sld [smem:$0x3FFB];
	_ =	sdelay $0x3  }
0x92: {  	_ =	strace s18  }
0x93: {  	s3 =	sld [smem:$0x3FFC];
	_ =	sdelay $0x3  }
0x94: {  	_ =	strace s3  }
0x95: {  	s3 =	sld [smem:$0x3FFD];
	_ =	sdelay $0x3  }
0x96: {  	_ =	strace s3  }
0x97: {  	_ =	strace $0x8FFFFFFF  }
0x98: {  	s19 =	sld [smem:$0x3FDB];
	_ =	sdelay $0x1  }
0x99: {  	s4 =	simm.s32 $_scs_section_size  }
0x9a: {  	s5 =	simm.s32 $_size__tile_overlayer_lowered;
	s6 =	simm.s32 $_tile_overlayer_lowered  }
0x9b: {  	s22 =	simm.s32 $0x1BFF;
	s21 =	sshll.u32 s6, $0x1;
	s3 =	sadd.s32 s4, s19  }
0x9c: {  	s7 =	simm.s32 $0x0;
	s20 =	sshll.u32 s5, $0x1;
	s5 =	sadd.s32 s21, s3  }
0x9d: {  	[timem:s7], [sflag:s22] =	dma.local [hbm:s5], s20  }
0x9e: {  	_ =	swait.ge [sflag:s22], s20  }
0x9f: {  	s4 =	ssub.s32 $0x0, s20;
	[sflag:s22] =	ssyncset.done $0x0  }
0xa0: {  	[sflag:s22] =	ssyncadd.s32 s4;
	_ =	sdelay $0x1  }
0xa1: {  	s23 =	simm.s32 $0x1B8B  }
0xa2: {  	_ =	swait.ge [sflag:s23], $0x1  }
0xa3: {  	[sflag:s23] =	ssyncset.done $0x0  }
0xa4: {  	s25 =	simm.s32 $0x1B8E;
	s24 =	sld [smem:$0x3FFE];
	[sflag:s23] =	ssyncadd.s32 $0xFFFFFFFF  }
0xa5: {  	s26 =	simm.s32 $execute0_lowered;
	[smem:$0x3FD2] =	sst s25  }
0xa6: {  	s5 =	sshll.u32 s26, $0x1;
	_ =	strace $0x80000049;
	[dreg:$0x1] =	wrdreg $0xFFFFFFFF  }
0xa7: {  	s28 =	simm.s32 $_size_execute0_lowered;
	s3 =	sadd.s32 s3, s5;
	[dreg:$0x0] =	wrdreg $0x0  }
0xa8: {  	s5 =	sshll.u32 s28, $0x1;
	[dreg:$0x2] =	wrdreg s3  }
0xa9: {  	[dreg:$0x3] =	wrdreg s5  }
0xaa: {  	[dreg:$0x4] =	wrdreg $0xC0  }
0xab: {  	_ =	task [dreg:s7], $0x5FFFF  }
0xac: {  	[dreg:$0x1] =	wrdreg $0xFFFFFFFF  }
0xad: {  	[dreg:$0x0] =	wrdreg $0x60  }
0xae: {  	[dreg:$0x2] =	wrdreg s24  }
0xaf: {  	[dreg:$0x3] =	wrdreg s2  }
0xb0: {  	[dreg:$0x4] =	wrdreg $0x9  }
0xb1: {  	_ =	task.clear_ibuf [dreg:s7], $0x5FFFF;
	_ =	strace $0x90000049  }
0xb2: {  	s29 =	simm.s32 $0x9;
	_ =	strace $0x8000004B  }
0xb3: {  	_ =	swait.ge [sflag:s29], $0x1  }
0xb4: {  	[sflag:s29] =	ssyncadd.s32 $0xFFFFFFFF  }
0xb5: {  	_ =	strace $0x9000004B  }
0xb6: {  	_ =	sfence  }
0xb7: {  	s30 =	sld [smem:$0x0];
	_ =	sdelay $0x2  }
0xb8: {  	s31 =	sshll.u32 s1, $0xD;
	s1 =	sshrl.u32 s1, $0x2  }
0xb9: {  	s3 =	sand.u32 $0x4000, s31;
	s1 =	sadd.s32 s1, s30  }
0xba: {  	s0 =	sor.u32 s3, s0;
	s1 =	sshll.u32 s1, $0x11  }
0xbb: {  	s0 =	sor.u32 s1, s0  }
0xbc: {  	s0 =	sadd.s32 $0x8F2B, s0  }
0xbd: {  	[sflag:s0] =	ssyncadd.remote.s32 $0x1  }
0xbe: {  	_ =	sfence.sel $0xFFFF  }
0xbf: {  	[dreg:$0x0] =	wrdreg $0xFFFFFFFF;
	(pc) =	sbr.abs _section_cstart, $3  }
0xc0: {  	[dreg:$0x1] =	wrdreg $0xFFFFFFFF  }
0xc1: {  	_ =	task.clear_ibuf [dreg:s7], $0x2FFFF;
	_ =	strace $0x9FFFFFFF  }
0xc2: {  	(tm) =	ssettm $0x7FFFFFFF  }
0xc3: {  	_ =	shalt  }
tec
execute0_lowered:
.L_overlay_start_1:
0x0: {  	(tag) =	ssettag $0x1  }
0x1: {  	s0 =	rddreg [dreg:$0x0]  }
0x2: {  	s2 =	rddreg [dreg:$0x1]  }
0x3: {  	s1 =	simm.s32 $0x0;
	s25 =	srdreg.scid;
	s4 =	stileid.u32  }
0x4: {  	s18 =	simm.s32 $0x200;
	s19 =	simm.s32 $0x4000;
	s20 =	simm.s32 $0xC  }
0x5: {  	s21 =	simm.s32 $0x4200;
	s28 =	simm.s32 $0x7;
	s29 =	simm.s32 $0x8  }
0x6: {  	s30 =	simm.s32 $0x9;
	s31 =	simm.s32 $0xA;
	[smem:$0x7FF] =	sst s1  }
0x7: {  	s3 =	sadd.s32 $0x62200, s0;
	s22 =	sadd.s32 $0x5F000, s0;
	s23 =	sadd.s32 $0x5BE00, s0  }
0x8: {  	s24 =	sadd.s32 $0x58C00, s0;
	s6 =	sadd.s32 $0x55A00, s0;
	s8 =	sadd.s32 $0x52800, s0  }
0x9: {  	s9 =	sadd.s32 $0x4F600, s0;
	_ =	strace $0x8000004A;
	[dreg:$0x3] =	wrdreg s3  }
0xa: {  	s10 =	sadd.s32 $0x38400, s0;
	s11 =	sadd.s32 $0x35200, s0;
	[dreg:$0x4] =	wrdreg s22  }
0xb: {  	s4 =	sshll.u32 s4, $0x7;
	s12 =	sadd.s32 $0x32000, s0;
	[dreg:$0x5] =	wrdreg s23  }
0xc: {  	s13 =	sadd.s32 $0x2EE00, s0;
	[dreg:$0x6] =	wrdreg s24;
	s3 =	sand.u32 $0x1, s25  }
0xd: {  	s22 =	simm.s32 $0x2;
	s23 =	simm.s32 $0x3;
	s24 =	simm.s32 $0x4  }
0xe: {  	s25 =	simm.s32 $0x5;
	s7 =	sshll.u32 s3, $0x6;
	s3 =	ssub.s32 $0x2, s3  }
0xf: {  	s4 =	sor.u32 s7, s4;
	s26 =	sshrl.u32 s3, $0x1;
	s7 =	simm.s32 $0x1  }
0x10: {  	s0 =	sadd.s32 s4, s0;
	s3 =	ssub.s32 s3, s26;
	s16 =	sadd.s32 s2, s4  }
0x11: {  	s26 =	simm.s32 $0x6;
	s2 =	simm.s32 $0x0;
	s14 =	sadd.s32 $0x42E00, s0  }
0x12: {  	s15 =	sadd.s32 $0x4EE00, s0;
	s17 =	smax.u32 s3, $0x1;
	s0 =	simm.s32 $0xB  }
.LBB2_1:
0x13: {  	[tilespmem:s1], [sflag:$0xC] =	stream.strided.gather [hbm4b:s14+s18], $0x1600, s19, s18, $0x38;
	[tilespmem:$0x4400] =	vst v63  }
0x14: {  	_ =	swait.ge [sflag:s20], $0x1600  }
0x15: {  	[sflag:s20] =	ssyncset.done $0x0  }
0x16: {  	[sflag:s20] =	ssyncadd.s32 $0xFFFFEA00  }
0x17: {  	[tilespmem:s21], [sflag:$0xC] =	stream.linear.gather [hbm4b:s15+s1], $0x200, $0x38;
	[tilespmem:$0x4400] =	vst v63  }
0x18: {  	_ =	swait.ge [sflag:s20], $0x200  }
0x19: {  	[sflag:s20] =	ssyncset.done $0x0  }
0x1a: {  	s3 =	simm.s32 $0x0;
	[sflag:s20] =	ssyncadd.s32 $0xFFFFFE00  }
0x1b: {  	s4 =	simm.s32 $0x40;
	v0 =	vld [tilespmem:s3+$0x0]  }
.LBB2_2:
0x1c: {  	_ =	sdelay $0x1  }
0x1d: {  	p0 =	sne.s32 s4, $0x7C0  }
.Ltmp0:
0x1e: {  	_ = 	snop;
	(pc) =	sbr.rel @p0 .LBB2_2-.Ltmp0, $4  }
0x1f: {  	v1 =	vtrunc.f32 v0  }
0x20: {  	v1 =	vcvt.f32.s32 v1  }
0x21: {  	s5 =	sshra.s32 s4, $0x2  }
0x22: {  	s4 =	sadd.s32 $0x40, s4;
	v0 =	vld [tilespmem:s5+$0x0];
	[tilespmem:s3+$0x1600] =	vst v1;
	s3 =	smov.u32 s5  }
0x23: {  	_ =	sdelay $0x3  }
0x24: {  	v0 =	vtrunc.f32 v0  }
0x25: {  	v0 =	vcvt.f32.s32 v0;
	_ =	sdelay $0x1  }
0x26: {  	s4 =	simm.s32 $0x1600;
	s5 =	simm.s32 $0x2C00;
	[tilespmem:s3+$0x1600] =	vst v0;
	s3 =	rddreg [dreg:$0x3]  }
0x27: {  	[tilespmem:s5], [sflag:$0x1] =	stream.indirect.gather [hbm4b:s3+s18], $0x1, s4, s18, $0xb8;
	[tilespmem:$0x4400] =	vst v63  }
0x28: {  	s3 =	simm.s32 $0x0  }
0x29: {  	s4 =	simm.s32 $0x40;
	v0 =	vld [tilespmem:s3+$0x200]  }
.LBB2_4:
0x2a: {  	_ =	sdelay $0x1  }
0x2b: {  	p0 =	sne.s32 s4, $0x7C0  }
.Ltmp1:
0x2c: {  	_ = 	snop;
	(pc) =	sbr.rel @p0 .LBB2_4-.Ltmp1, $4  }
0x2d: {  	v1 =	vtrunc.f32 v0  }
0x2e: {  	v1 =	vcvt.f32.s32 v1  }
0x2f: {  	s5 =	sshra.s32 s4, $0x2  }
0x30: {  	s4 =	sadd.s32 $0x40, s4;
	v0 =	vld [tilespmem:s5+$0x200];
	[tilespmem:s3+$0x1800] =	vst v1;
	s3 =	smov.u32 s5  }
0x31: {  	_ =	sdelay $0x3  }
0x32: {  	v0 =	vtrunc.f32 v0  }
0x33: {  	v0 =	vcvt.f32.s32 v0;
	_ =	sdelay $0x1  }
0x34: {  	s4 =	simm.s32 $0x1800;
	s5 =	simm.s32 $0x2E00;
	[tilespmem:s3+$0x1800] =	vst v0;
	s3 =	rddreg [dreg:$0x4]  }
0x35: {  	[tilespmem:s5], [sflag:$0x2] =	stream.indirect.gather [hbm4b:s3+s18], $0x1, s4, s18, $0xb8;
	[tilespmem:$0x4400] =	vst v63  }
0x36: {  	s3 =	simm.s32 $0x0  }
0x37: {  	s4 =	simm.s32 $0x40;
	v0 =	vld [tilespmem:s3+$0x400]  }
.LBB2_6:
0x38: {  	_ =	sdelay $0x1  }
0x39: {  	p0 =	sne.s32 s4, $0x7C0  }
.Ltmp2:
0x3a: {  	_ = 	snop;
	(pc) =	sbr.rel @p0 .LBB2_6-.Ltmp2, $4  }
0x3b: {  	v1 =	vtrunc.f32 v0  }
0x3c: {  	v1 =	vcvt.f32.s32 v1  }
0x3d: {  	s5 =	sshra.s32 s4, $0x2  }
0x3e: {  	s4 =	sadd.s32 $0x40, s4;
	v0 =	vld [tilespmem:s5+$0x400];
	[tilespmem:s3+$0x1A00] =	vst v1;
	s3 =	smov.u32 s5  }
0x3f: {  	_ =	sdelay $0x3  }
0x40: {  	v0 =	vtrunc.f32 v0  }
0x41: {  	v0 =	vcvt.f32.s32 v0;
	_ =	sdelay $0x1  }
0x42: {  	s4 =	simm.s32 $0x1A00;
	s5 =	simm.s32 $0x3000;
	[tilespmem:s3+$0x1A00] =	vst v0;
	s3 =	rddreg [dreg:$0x5]  }
0x43: {  	[tilespmem:s5], [sflag:$0x3] =	stream.indirect.gather [hbm4b:s3+s18], $0x1, s4, s18, $0xb8;
	[tilespmem:$0x4400] =	vst v63  }
0x44: {  	s3 =	simm.s32 $0x0  }
0x45: {  	s4 =	simm.s32 $0x40;
	v0 =	vld [tilespmem:s3+$0x600]  }
.LBB2_8:
0x46: {  	_ =	sdelay $0x1  }
0x47: {  	p0 =	sne.s32 s4, $0x7C0  }
.Ltmp3:
0x48: {  	_ = 	snop;
	(pc) =	sbr.rel @p0 .LBB2_8-.Ltmp3, $4  }
0x49: {  	v1 =	vtrunc.f32 v0  }
0x4a: {  	v1 =	vcvt.f32.s32 v1  }
0x4b: {  	s5 =	sshra.s32 s4, $0x2  }
0x4c: {  	s4 =	sadd.s32 $0x40, s4;
	v0 =	vld [tilespmem:s5+$0x600];
	[tilespmem:s3+$0x1C00] =	vst v1;
	s3 =	smov.u32 s5  }
0x4d: {  	_ =	sdelay $0x3  }
0x4e: {  	v0 =	vtrunc.f32 v0  }
0x4f: {  	v0 =	vcvt.f32.s32 v0;
	_ =	sdelay $0x1  }
0x50: {  	s4 =	simm.s32 $0x1C00;
	s5 =	simm.s32 $0x3200;
	[tilespmem:s3+$0x1C00] =	vst v0;
	s3 =	rddreg [dreg:$0x6]  }
0x51: {  	[tilespmem:s5], [sflag:$0x4] =	stream.indirect.gather [hbm4b:s3+s18], $0x1, s4, s18, $0xb8;
	[tilespmem:$0x4400] =	vst v63  }
0x52: {  	s3 =	simm.s32 $0x0  }
0x53: {  	s4 =	simm.s32 $0x40;
	v0 =	vld [tilespmem:s3+$0x800]  }
.LBB2_10:
0x54: {  	_ =	sdelay $0x1  }
0x55: {  	p0 =	sne.s32 s4, $0x7C0  }
.Ltmp4:
0x56: {  	_ = 	snop;
	(pc) =	sbr.rel @p0 .LBB2_10-.Ltmp4, $4  }
0x57: {  	v1 =	vtrunc.f32 v0  }
0x58: {  	v1 =	vcvt.f32.s32 v1  }
0x59: {  	s5 =	sshra.s32 s4, $0x2  }
0x5a: {  	s4 =	sadd.s32 $0x40, s4;
	v0 =	vld [tilespmem:s5+$0x800];
	[tilespmem:s3+$0x1E00] =	vst v1;
	s3 =	smov.u32 s5  }
0x5b: {  	_ =	sdelay $0x3  }
0x5c: {  	v0 =	vtrunc.f32 v0  }
0x5d: {  	v0 =	vcvt.f32.s32 v0;
	_ =	sdelay $0x1  }
0x5e: {  	s5 =	simm.s32 $0x1E00;
	s4 =	simm.s32 $0x3400;
	[tilespmem:s3+$0x1E00] =	vst v0;
	s3 =	simm.s32 $0x0  }
0x5f: {  	[tilespmem:s4], [sflag:$0x5] =	stream.indirect.gather [hbm4b:s6+s18], $0x1, s5, s18, $0xb8;
	[tilespmem:$0x4400] =	vst v63  }
0x60: {  	s4 =	simm.s32 $0x40;
	v0 =	vld [tilespmem:s3+$0xA00]  }
.LBB2_12:
0x61: {  	_ =	sdelay $0x1  }
0x62: {  	p0 =	sne.s32 s4, $0x7C0  }
.Ltmp5:
0x63: {  	_ = 	snop;
	(pc) =	sbr.rel @p0 .LBB2_12-.Ltmp5, $4  }
0x64: {  	v1 =	vtrunc.f32 v0  }
0x65: {  	v1 =	vcvt.f32.s32 v1  }
0x66: {  	s5 =	sshra.s32 s4, $0x2  }
0x67: {  	s4 =	sadd.s32 $0x40, s4;
	v0 =	vld [tilespmem:s5+$0xA00];
	[tilespmem:s3+$0x2000] =	vst v1;
	s3 =	smov.u32 s5  }
0x68: {  	_ =	sdelay $0x3  }
0x69: {  	v0 =	vtrunc.f32 v0  }
0x6a: {  	v0 =	vcvt.f32.s32 v0;
	_ =	sdelay $0x1  }
0x6b: {  	s5 =	simm.s32 $0x2000;
	s4 =	simm.s32 $0x3600;
	[tilespmem:s3+$0x2000] =	vst v0;
	s3 =	simm.s32 $0x0  }
0x6c: {  	[tilespmem:s4], [sflag:$0x6] =	stream.indirect.gather [hbm4b:s8+s18], $0x1, s5, s18, $0xb8;
	[tilespmem:$0x4400] =	vst v63  }
0x6d: {  	s4 =	simm.s32 $0x40;
	v0 =	vld [tilespmem:s3+$0xC00]  }
.LBB2_14:
0x6e: {  	_ =	sdelay $0x1  }
0x6f: {  	p0 =	sne.s32 s4, $0x7C0  }
.Ltmp6:
0x70: {  	_ = 	snop;
	(pc) =	sbr.rel @p0 .LBB2_14-.Ltmp6, $4  }
0x71: {  	v1 =	vtrunc.f32 v0  }
0x72: {  	v1 =	vcvt.f32.s32 v1  }
0x73: {  	s5 =	sshra.s32 s4, $0x2  }
0x74: {  	s4 =	sadd.s32 $0x40, s4;
	v0 =	vld [tilespmem:s5+$0xC00];
	[tilespmem:s3+$0x2200] =	vst v1;
	s3 =	smov.u32 s5  }
0x75: {  	_ =	sdelay $0x3  }
0x76: {  	v0 =	vtrunc.f32 v0  }
0x77: {  	v0 =	vcvt.f32.s32 v0;
	_ =	sdelay $0x1  }
0x78: {  	s5 =	simm.s32 $0x2200;
	s4 =	simm.s32 $0x3800;
	[tilespmem:s3+$0x2200] =	vst v0;
	s3 =	simm.s32 $0x0  }
0x79: {  	[tilespmem:s4], [sflag:$0x7] =	stream.indirect.gather [hbm4b:s9+s18], $0x1, s5, s18, $0xb8;
	[tilespmem:$0x4400] =	vst v63  }
0x7a: {  	s4 =	simm.s32 $0x40;
	v0 =	vld [tilespmem:s3+$0xE00]  }
.LBB2_16:
0x7b: {  	_ =	sdelay $0x1  }
0x7c: {  	p0 =	sne.s32 s4, $0x7C0  }
.Ltmp7:
0x7d: {  	_ = 	snop;
	(pc) =	sbr.rel @p0 .LBB2_16-.Ltmp7, $4  }
0x7e: {  	v1 =	vtrunc.f32 v0  }
0x7f: {  	v1 =	vcvt.f32.s32 v1  }
0x80: {  	s5 =	sshra.s32 s4, $0x2  }
0x81: {  	s4 =	sadd.s32 $0x40, s4;
	v0 =	vld [tilespmem:s5+$0xE00];
	[tilespmem:s3+$0x2400] =	vst v1;
	s3 =	smov.u32 s5  }
0x82: {  	_ =	sdelay $0x3  }
0x83: {  	v0 =	vtrunc.f32 v0  }
0x84: {  	v0 =	vcvt.f32.s32 v0;
	_ =	sdelay $0x1  }
0x85: {  	s5 =	simm.s32 $0x2400;
	s4 =	simm.s32 $0x3A00;
	[tilespmem:s3+$0x2400] =	vst v0;
	s3 =	simm.s32 $0x0  }
0x86: {  	[tilespmem:s4], [sflag:$0x8] =	stream.indirect.gather [hbm4b:s10+s18], $0x1, s5, s18, $0xb8;
	[tilespmem:$0x4400] =	vst v63  }
0x87: {  	s4 =	simm.s32 $0x40;
	v0 =	vld [tilespmem:s3+$0x1000]  }
.LBB2_18:
0x88: {  	_ =	sdelay $0x1  }
0x89: {  	p0 =	sne.s32 s4, $0x7C0  }
.Ltmp8:
0x8a: {  	_ = 	snop;
	(pc) =	sbr.rel @p0 .LBB2_18-.Ltmp8, $4  }
0x8b: {  	v1 =	vtrunc.f32 v0  }
0x8c: {  	v1 =	vcvt.f32.s32 v1  }
0x8d: {  	s5 =	sshra.s32 s4, $0x2  }
0x8e: {  	s4 =	sadd.s32 $0x40, s4;
	v0 =	vld [tilespmem:s5+$0x1000];
	[tilespmem:s3+$0x2600] =	vst v1;
	s3 =	smov.u32 s5  }
0x8f: {  	_ =	sdelay $0x3  }
0x90: {  	v0 =	vtrunc.f32 v0  }
0x91: {  	v0 =	vcvt.f32.s32 v0;
	_ =	sdelay $0x1  }
0x92: {  	s5 =	simm.s32 $0x2600;
	s4 =	simm.s32 $0x3C00;
	[tilespmem:s3+$0x2600] =	vst v0;
	s3 =	simm.s32 $0x0  }
0x93: {  	[tilespmem:s4], [sflag:$0x9] =	stream.indirect.gather [hbm4b:s11+s18], $0x1, s5, s18, $0xb8;
	[tilespmem:$0x4400] =	vst v63  }
0x94: {  	s4 =	simm.s32 $0x40;
	v0 =	vld [tilespmem:s3+$0x1200]  }
.LBB2_20:
0x95: {  	_ =	sdelay $0x1  }
0x96: {  	p0 =	sne.s32 s4, $0x7C0  }
.Ltmp9:
0x97: {  	_ = 	snop;
	(pc) =	sbr.rel @p0 .LBB2_20-.Ltmp9, $4  }
0x98: {  	v1 =	vtrunc.f32 v0  }
0x99: {  	v1 =	vcvt.f32.s32 v1  }
0x9a: {  	s5 =	sshra.s32 s4, $0x2  }
0x9b: {  	s4 =	sadd.s32 $0x40, s4;
	v0 =	vld [tilespmem:s5+$0x1200];
	[tilespmem:s3+$0x2800] =	vst v1;
	s3 =	smov.u32 s5  }
0x9c: {  	_ =	sdelay $0x3  }
0x9d: {  	v0 =	vtrunc.f32 v0  }
0x9e: {  	v0 =	vcvt.f32.s32 v0;
	_ =	sdelay $0x1  }
0x9f: {  	s5 =	simm.s32 $0x2800;
	s4 =	simm.s32 $0x3E00;
	[tilespmem:s3+$0x2800] =	vst v0;
	s3 =	simm.s32 $0x0  }
0xa0: {  	[tilespmem:s4], [sflag:$0xA] =	stream.indirect.gather [hbm4b:s12+s18], $0x1, s5, s18, $0xb8;
	[tilespmem:$0x4400] =	vst v63  }
0xa1: {  	s4 =	simm.s32 $0x40;
	v0 =	vld [tilespmem:s3+$0x1400]  }
.LBB2_22:
0xa2: {  	_ =	sdelay $0x1  }
0xa3: {  	p0 =	sne.s32 s4, $0x7C0  }
.Ltmp10:
0xa4: {  	_ = 	snop;
	(pc) =	sbr.rel @p0 .LBB2_22-.Ltmp10, $4  }
0xa5: {  	v1 =	vtrunc.f32 v0  }
0xa6: {  	v1 =	vcvt.f32.s32 v1  }
0xa7: {  	s5 =	sshra.s32 s4, $0x2  }
0xa8: {  	s4 =	sadd.s32 $0x40, s4;
	v0 =	vld [tilespmem:s5+$0x1400];
	[tilespmem:s3+$0x2A00] =	vst v1;
	s3 =	smov.u32 s5  }
0xa9: {  	_ =	sdelay $0x3  }
0xaa: {  	v0 =	vtrunc.f32 v0  }
0xab: {  	v0 =	vcvt.f32.s32 v0;
	_ =	sdelay $0x1  }
0xac: {  	s5 =	simm.s32 $0x2A00;
	[tilespmem:s3+$0x2A00] =	vst v0  }
0xad: {  	[tilespmem:s19], [sflag:$0xB] =	stream.indirect.gather [hbm4b:s13+s18], $0x1, s5, s18, $0xb8;
	[tilespmem:$0x4400] =	vst v63  }
0xae: {  	_ =	swait.ge [sflag:s7], $0x200  }
0xaf: {  	[sflag:s7] =	ssyncset.done $0x0  }
0xb0: {  	[sflag:s7] =	ssyncadd.s32 $0xFFFFFE00  }
0xb1: {  	_ =	swait.ge [sflag:s22], $0x200  }
0xb2: {  	[sflag:s22] =	ssyncset.done $0x0  }
0xb3: {  	[sflag:s22] =	ssyncadd.s32 $0xFFFFFE00  }
0xb4: {  	_ =	swait.ge [sflag:s23], $0x200  }
0xb5: {  	[sflag:s23] =	ssyncset.done $0x0  }
0xb6: {  	[sflag:s23] =	ssyncadd.s32 $0xFFFFFE00  }
0xb7: {  	_ =	swait.ge [sflag:s24], $0x200  }
0xb8: {  	[sflag:s24] =	ssyncset.done $0x0  }
0xb9: {  	s3 =	simm.s32 $0x0;
	[sflag:s24] =	ssyncadd.s32 $0xFFFFFE00  }
0xba: {  	s4 =	simm.s32 $0x40;
	v0 =	vld [tilespmem:s3+$0x2C00]  }
.LBB2_24:
0xbb: {  	p0 =	sne.s32 s4, $0x7C0;
	v1 =	vld [tilespmem:s3+$0x4200];
	_ =	sdelay $0x1  }
0xbc: {  	v2 =	vld [tilespmem:s3+$0x2E00];
	_ =	sdelay $0x1  }
0xbd: {  	v3 =	vld [tilespmem:s3+$0x3000]  }
0xbe: {  	v0 =	vadd.f32 v0, v1  }
0xbf: {  	v1 =	vld [tilespmem:s3+$0x3200]  }
0xc0: {  	v0 =	vadd.f32 v2, v0;
	_ =	sdelay $0x1  }
.Ltmp11:
0xc1: {  	v0 =	vadd.f32 v3, v0;
	(pc) =	sbr.rel @p0 .LBB2_24-.Ltmp11, $4  }
0xc2: {  	_ = 	snop  }
0xc3: {  	v1 =	vadd.f32 v1, v0  }
0xc4: {  	s5 =	sshra.s32 s4, $0x2  }
0xc5: {  	s4 =	sadd.s32 $0x40, s4;
	v0 =	vld [tilespmem:s5+$0x2C00];
	[tilespmem:s3+$0x4200] =	vst v1;
	s3 =	smov.u32 s5  }
0xc6: {  	v1 =	vld [tilespmem:s3+$0x4200];
	_ =	sdelay $0x1  }
0xc7: {  	v2 =	vld [tilespmem:s3+$0x2E00];
	_ =	sdelay $0x1  }
0xc8: {  	v3 =	vld [tilespmem:s3+$0x3000]  }
0xc9: {  	v0 =	vadd.f32 v0, v1  }
0xca: {  	v1 =	vld [tilespmem:s3+$0x3200]  }
0xcb: {  	v0 =	vadd.f32 v2, v0;
	_ =	sdelay $0x1  }
0xcc: {  	v0 =	vadd.f32 v3, v0;
	_ =	sdelay $0x1  }
0xcd: {  	v0 =	vadd.f32 v1, v0;
	_ =	sdelay $0x1  }
0xce: {  	[tilespmem:s3+$0x4200] =	vst v0  }
0xcf: {  	_ =	swait.ge [sflag:s25], $0x200  }
0xd0: {  	[sflag:s25] =	ssyncset.done $0x0  }
0xd1: {  	[sflag:s25] =	ssyncadd.s32 $0xFFFFFE00  }
0xd2: {  	_ =	swait.ge [sflag:s26], $0x200  }
0xd3: {  	[sflag:s26] =	ssyncset.done $0x0  }
0xd4: {  	[sflag:s26] =	ssyncadd.s32 $0xFFFFFE00  }
0xd5: {  	_ =	swait.ge [sflag:s28], $0x200  }
0xd6: {  	[sflag:s28] =	ssyncset.done $0x0  }
0xd7: {  	[sflag:s28] =	ssyncadd.s32 $0xFFFFFE00  }
0xd8: {  	_ =	swait.ge [sflag:s29], $0x200  }
0xd9: {  	[sflag:s29] =	ssyncset.done $0x0  }
0xda: {  	s3 =	simm.s32 $0x0;
	[sflag:s29] =	ssyncadd.s32 $0xFFFFFE00  }
0xdb: {  	s4 =	simm.s32 $0x40;
	v0 =	vld [tilespmem:s3+$0x3400]  }
.LBB2_26:
0xdc: {  	p0 =	sne.s32 s4, $0x7C0;
	v1 =	vld [tilespmem:s3+$0x4200];
	_ =	sdelay $0x1  }
0xdd: {  	v2 =	vld [tilespmem:s3+$0x3600];
	_ =	sdelay $0x1  }
0xde: {  	v3 =	vld [tilespmem:s3+$0x3800]  }
0xdf: {  	v0 =	vadd.f32 v0, v1  }
0xe0: {  	v1 =	vld [tilespmem:s3+$0x3A00]  }
0xe1: {  	v0 =	vadd.f32 v2, v0;
	_ =	sdelay $0x1  }
.Ltmp12:
0xe2: {  	v0 =	vadd.f32 v3, v0;
	(pc) =	sbr.rel @p0 .LBB2_26-.Ltmp12, $4  }
0xe3: {  	_ = 	snop  }
0xe4: {  	v1 =	vadd.f32 v1, v0  }
0xe5: {  	s5 =	sshra.s32 s4, $0x2  }
0xe6: {  	s4 =	sadd.s32 $0x40, s4;
	v0 =	vld [tilespmem:s5+$0x3400];
	[tilespmem:s3+$0x4200] =	vst v1;
	s3 =	smov.u32 s5  }
0xe7: {  	v1 =	vld [tilespmem:s3+$0x4200];
	_ =	sdelay $0x1  }
0xe8: {  	v2 =	vld [tilespmem:s3+$0x3600];
	_ =	sdelay $0x1  }
0xe9: {  	v3 =	vld [tilespmem:s3+$0x3800]  }
0xea: {  	v0 =	vadd.f32 v0, v1  }
0xeb: {  	v1 =	vld [tilespmem:s3+$0x3A00]  }
0xec: {  	v0 =	vadd.f32 v2, v0;
	_ =	sdelay $0x1  }
0xed: {  	v0 =	vadd.f32 v3, v0;
	_ =	sdelay $0x1  }
0xee: {  	v0 =	vadd.f32 v1, v0;
	_ =	sdelay $0x1  }
0xef: {  	[tilespmem:s3+$0x4200] =	vst v0  }
0xf0: {  	_ =	swait.ge [sflag:s30], $0x200  }
0xf1: {  	[sflag:s30] =	ssyncset.done $0x0  }
0xf2: {  	[sflag:s30] =	ssyncadd.s32 $0xFFFFFE00  }
0xf3: {  	_ =	swait.ge [sflag:s31], $0x200  }
0xf4: {  	[sflag:s31] =	ssyncset.done $0x0  }
0xf5: {  	[sflag:s31] =	ssyncadd.s32 $0xFFFFFE00  }
0xf6: {  	_ =	swait.ge [sflag:s0], $0x200  }
0xf7: {  	[sflag:s0] =	ssyncset.done $0x0  }
0xf8: {  	s3 =	simm.s32 $0x0;
	[sflag:s0] =	ssyncadd.s32 $0xFFFFFE00  }
0xf9: {  	s4 =	simm.s32 $0x40;
	v0 =	vld [tilespmem:s3+$0x3C00]  }
.LBB2_28:
0xfa: {  	p0 =	sne.s32 s4, $0x7C0;
	v1 =	vld [tilespmem:s3+$0x4200];
	_ =	sdelay $0x1  }
0xfb: {  	v2 =	vld [tilespmem:s3+$0x3E00];
	_ =	sdelay $0x1  }
0xfc: {  	v3 =	vld [tilespmem:s3+$0x4000]  }
0xfd: {  	v0 =	vadd.f32 v0, v1;
	_ =	sdelay $0x1  }
.Ltmp13:
0xfe: {  	v0 =	vadd.f32 v2, v0;
	(pc) =	sbr.rel @p0 .LBB2_28-.Ltmp13, $4  }
0xff: {  	_ = 	snop  }
0x100: {  	v1 =	vadd.f32 v3, v0  }
0x101: {  	s5 =	sshra.s32 s4, $0x2  }
0x102: {  	s4 =	sadd.s32 $0x40, s4;
	v0 =	vld [tilespmem:s5+$0x3C00];
	[tilespmem:s3+$0x4200] =	vst v1;
	s3 =	smov.u32 s5  }
0x103: {  	v1 =	vld [tilespmem:s3+$0x4200];
	_ =	sdelay $0x1  }
0x104: {  	v2 =	vld [tilespmem:s3+$0x3E00];
	_ =	sdelay $0x1  }
0x105: {  	v3 =	vld [tilespmem:s3+$0x4000]  }
0x106: {  	v0 =	vadd.f32 v0, v1;
	_ =	sdelay $0x1  }
0x107: {  	v0 =	vadd.f32 v2, v0;
	_ =	sdelay $0x1  }
0x108: {  	s2 =	sadd.s32 $0x1, s2;
	v0 =	vadd.f32 v3, v0  }
0x109: {  	p0 =	sne.s32 s2, s17  }
.Ltmp14:
0x10a: {  	[tilespmem:s3+$0x4200] =	vst v0;
	(pc) =	sbr.rel @p0 .LBB2_1-.Ltmp14, $4  }
0x10b: {  	[hbm4b:s16+s1] =	stream.linear.scatter [tilespmem:s21], [sflag:$0xC], $0x200, $0x38;
	[tilespmem:$0x4400] =	vst v63  }
0x10c: {  	_ =	swait.ge [sflag:s20], $0x200  }
0x10d: {  	[sflag:s20] =	ssyncset.done $0x0  }
0x10e: {  	[sflag:s20] =	ssyncadd.s32 $0xFFFFFE00  }
0x10f: {  	_ =	sfence.sel $0x180000  }
0x110: {  	[bflag:$0x0] =	sbarrier.arrive $0xFFFF  }
0x111: {  	_ =	strace $0x9000004A  }
0x112: {  	s0 =	stileid.u32;
	[bflag:$0x2] =	sbarrier.arrive $0xFFFF  }
0x113: {  	p0 =	sne.s32 s0, $0x0;
	s0 =	rddreg [dreg:$0x2]  }
0x114: {  	s0 =	sadd.s32 @!p0 $0x100000, s0  }
0x115: {  	[sflag:s0] =	ssyncadd.tile.s32 @!p0 $0x1;
	_ =	shalt  }
.Lfunc_end2:
_tile_overlayer_lowered:
.L_overlay_start_2:
0x116: {  	(tag) =	ssettag $0x2  }
0x117: {  	s0 =	rddreg [dreg:$0x0];
	s2 =	stileid.u32  }
0x118: {  	s1 =	rddreg [dreg:$0x1];
	p0 =	sne.s32 s2, $0x0  }
0x119: {  	s3 =	rddreg [dreg:$0x2];
	[bflag:$0x3] =	sbarrier.arrive $0xFFFF;
	s2 =	simm.s32 @!p0 $0x1C0C  }
0x11a: {  	[timem:s3], [sflag:s2] =	dma.local @!p0 [hbm:s0], s1  }
0x11b: {  	s0 =	simm.s32 @!p0 $0xC  }
0x11c: {  	_ =	swait.ge @!p0 [sflag:s0], s1  }
0x11d: {  	s1 =	ssub.s32 @!p0 $0x0, s1;
	[sflag:s0] =	ssyncset.done @!p0 $0x0  }
0x11e: {  	[sflag:s0] =	ssyncadd.s32 @!p0 s1  }
0x11f: {  	[bflag:$0x3] =	sbarrier.arrive $0xFFFF  }
0x120: {  	_ =	shalt  }

</sc_bundles>
